<compile_context>
chip_gen: v7x
topology: tpu7x:2x2x1
jax: 0.10.2.dev20260603
libtpu: 0.0.44.dev20260713+nightly
codegen_flags: <defaults>
</compile_context>

<pallas_src>
import functools

import jax
import jax.numpy as jnp
from jax import lax
from jax.experimental import pallas as pl
from jax.experimental.pallas import tpu as pltpu
from jax.experimental.pallas import tpu_sc as plsc

N = 10000
NP = 10240
D = 128
E = 320000
NC, NS = 2, 16
NW = NC * NS
CH = 128
NBUF = 1
NCK = 80
NCKG = NCK
EPW = NCK * CH
EPAD = NW * EPW
RPT = NP // NS
HEADS = (10, 20, 15, 100)
HCAT = 256
DEGG = 8
DEGW = 128


def _memset(buf, rows, width, value):
    val = jnp.full((16,), value, jnp.float32)

    def row(i, carry):
        for k in range(width // 16):
            buf[i, pl.ds(k * 16, 16)] = val
        return carry

    lax.fori_loop(0, rows, row, 0)


def _sc_deg_body(dst_hbm, degp_hbm, idx_v, ones_v, zrow_v, acc_sh, sem):
    c = lax.axis_index("c")
    s = lax.axis_index("s")
    wid = s * NC + c
    r0 = s * RPT
    _memset(ones_v, CH, DEGW, 1.0)
    _memset(zrow_v, CH, DEGW, 0.0)
    for k in range(RPT // 80):
        pltpu.sync_copy(zrow_v.at[pl.ds(0, 80)],
                        acc_sh.at[pl.ds(r0 + k * 80, 80)])
    pltpu.sync_copy(dst_hbm.at[wid], idx_v)
    plsc.subcore_barrier()

    def group(g, carry):
        for b in range(DEGG):
            pltpu.async_copy(ones_v, acc_sh.at[idx_v.at[g * DEGG + b]],
                             sem, add=True)
        for b in range(DEGG):
            pltpu.make_async_copy(ones_v, acc_sh.at[idx_v.at[g * DEGG + b]],
                                  sem).wait()
        return carry

    lax.fori_loop(0, NCK // DEGG, group, 0)
    plsc.subcore_barrier()
    pltpu.sync_copy(acc_sh.at[pl.ds(r0, RPT)], degp_hbm.at[c, pl.ds(r0, RPT)])


def _sc_agg_body(hh_hbm, src_hbm, dst_hbm, aggp_hbm,
                 src_v, dst_v, rows_v, gsem, acc_sh):
    c = lax.axis_index("c")
    s = lax.axis_index("s")
    wid = s * NC + c
    r0 = s * RPT
    _memset(rows_v, CH, D, 0.0)
    for k in range(RPT // 80):
        pltpu.sync_copy(rows_v.at[pl.ds(0, 80)],
                        acc_sh.at[pl.ds(r0 + k * 80, 80)])
    pltpu.sync_copy(src_hbm.at[wid], src_v)
    pltpu.sync_copy(dst_hbm.at[wid], dst_v)
    plsc.subcore_barrier()

    def body(j, carry):
        pltpu.async_copy(hh_hbm.at[src_v.at[j]], rows_v, gsem).wait()
        pltpu.sync_copy(rows_v, acc_sh.at[dst_v.at[j]], add=True)
        return carry

    lax.fori_loop(0, NCK, body, 0)
    plsc.subcore_barrier()
    pltpu.sync_copy(acc_sh.at[pl.ds(r0, RPT)], aggp_hbm.at[c, pl.ds(r0, RPT)])


@functools.cache
def _sc_kernels():
    mesh = plsc.VectorSubcoreMesh(
        core_axis_name="c", subcore_axis_name="s",
        num_cores=NC, num_subcores=NS)
    sc_deg = pl.kernel(
        _sc_deg_body,
        out_type=jax.ShapeDtypeStruct((NC, NP, DEGW), jnp.float32),
        mesh=mesh,
        scratch_types=[
            pltpu.VMEM((NCKG, CH), jnp.int32),
            pltpu.VMEM((CH, DEGW), jnp.float32),
            pltpu.VMEM((CH, DEGW), jnp.float32),
            pltpu.VMEM_SHARED((NP, DEGW), jnp.float32),
            pltpu.SemaphoreType.DMA,
        ])
    sc_agg = pl.kernel(
        _sc_agg_body,
        out_type=jax.ShapeDtypeStruct((NC, NP, D), jnp.float32),
        mesh=mesh,
        scratch_types=[
            pltpu.VMEM((NCKG, CH), jnp.int32),
            pltpu.VMEM((NCKG, CH), jnp.int32),
            pltpu.VMEM((CH, D), jnp.float32),
            pltpu.SemaphoreType.DMA,
            pltpu.VMEM_SHARED((NP, D), jnp.float32),
        ])
    return sc_deg, sc_agg



R = 512
GRID = NP // R


def _dinv_of(degp):
    deg = degp[0, :, 0:1] + degp[1, :, 0:1] + 1.0
    return lax.rsqrt(deg)


def _tc1_body(x_ref, degp_ref, w_ref, hh_ref):
    dinv = _dinv_of(degp_ref[...])
    hh_ref[...] = dinv * jnp.dot(x_ref[...], w_ref[...],
                                 preferred_element_type=jnp.float32)


def _tc2_body(aggp_ref, hh1_ref, degp_ref, b_ref, w_ref, hh2_ref):
    dinv = _dinv_of(degp_ref[...])
    a = aggp_ref[...]
    z = jax.nn.relu(dinv * (a[0] + a[1] + hh1_ref[...]) + b_ref[...])
    hh2_ref[...] = dinv * jnp.dot(z, w_ref[...],
                                  preferred_element_type=jnp.float32)


def _tc3_body(aggp_ref, hh2_ref, degp_ref, b_ref, w_ref, bc_ref, out_ref):
    dinv = _dinv_of(degp_ref[...])
    a = aggp_ref[...]
    g = dinv * (a[0] + a[1] + hh2_ref[...]) + b_ref[...]
    out_ref[...] = jnp.dot(g, w_ref[...],
                           preferred_element_type=jnp.float32) + bc_ref[...]


_row_spec = pl.BlockSpec((R, D), lambda i: (i, 0))
_degp_spec = pl.BlockSpec((2, R, DEGW), lambda i: (0, i, 0))
_aggp_spec = pl.BlockSpec((2, R, D), lambda i: (0, i, 0))
_w_spec = pl.BlockSpec((D, D), lambda i: (0, 0))
_b_spec = pl.BlockSpec((1, D), lambda i: (0, 0))

_tc1 = pl.pallas_call(
    _tc1_body, grid=(GRID,),
    in_specs=[_row_spec, _degp_spec, _w_spec],
    out_specs=_row_spec,
    out_shape=jax.ShapeDtypeStruct((NP, D), jnp.float32))

_tc2 = pl.pallas_call(
    _tc2_body, grid=(GRID,),
    in_specs=[_aggp_spec, _row_spec, _degp_spec, _b_spec, _w_spec],
    out_specs=_row_spec,
    out_shape=jax.ShapeDtypeStruct((NP, D), jnp.float32))

_tc3 = pl.pallas_call(
    _tc3_body, grid=(GRID,),
    in_specs=[_aggp_spec, _row_spec, _degp_spec, _b_spec,
              pl.BlockSpec((D, HCAT), lambda i: (0, 0)),
              pl.BlockSpec((1, HCAT), lambda i: (0, 0))],
    out_specs=pl.BlockSpec((R, HCAT), lambda i: (i, 0)),
    out_shape=jax.ShapeDtypeStruct((NP, HCAT), jnp.float32))



def _pad_edges(v):
    pad1 = N + (jnp.arange(EPAD - E, dtype=jnp.int32) % 32)
    return jnp.concatenate([v, pad1]).reshape(NW, NCK, CH)


def kernel(x, edge_index, W1, b1, W2, b2, Wt, bt, Ws, bs, Wf, bf, Wa, ba):
    src_p = _pad_edges(edge_index[0].astype(jnp.int32))
    dst_p = _pad_edges(edge_index[1].astype(jnp.int32))

    xp = jnp.pad(x, ((0, NP - N), (0, 0)))
    b1r = b1.reshape(1, D)
    b2r = b2.reshape(1, D)
    Wcat = jnp.pad(jnp.concatenate([Wt, Ws, Wf, Wa], axis=1),
                   ((0, 0), (0, HCAT - sum(HEADS))))
    bcat = jnp.pad(jnp.concatenate([bt, bs, bf, ba]),
                   (0, HCAT - sum(HEADS))).reshape(1, HCAT)

    _sc_deg, _sc_agg = _sc_kernels()
    degp = _sc_deg(dst_p)
    hh1 = _tc1(xp, degp, W1)
    aggp1 = _sc_agg(hh1, src_p, dst_p)
    hh2 = _tc2(aggp1, hh1, degp, b1r, W2)
    aggp2 = _sc_agg(hh2, src_p, dst_p)
    outc = _tc3(aggp2, hh2, degp, b2r, Wcat, bcat)

    o = outc[:N]
    c0, c1, c2, c3 = 0, 10, 30, 45
    return (o[:, c0:c1], o[:, c1:c2], o[:, c2:c3], o[:, c3:c3 + 100])

# --- scband reference (transcript-rebuilt; emitter-appended) ---
"""Pipeline reference for scband-gcn-62457414418490 (READ-ONLY COPY).

The authoritative reference and input builder live on the scoring server;
editing this copy changes nothing except your own understanding.
"""

import jax, jax.numpy as jnp
import numpy as np

N_NODES = 10000
N_EDGES = 320000
D_IN = 128
D_HID = 128
D_OUT = 128
NUM_CLASS = [10, 20, 15, 100]


def gcn_conv(x, edge_index, W, b, n_nodes):
    # GCNConv: out = D^-1/2 (A + I) D^-1/2 (x W) + b
    src = edge_index[0]
    dst = edge_index[1]
    loop = jnp.arange(n_nodes, dtype=edge_index.dtype)
    src = jnp.concatenate([src, loop])
    dst = jnp.concatenate([dst, loop])
    deg = jnp.zeros((n_nodes,), dtype=x.dtype).at[dst].add(1.0)
    dinv = jax.lax.rsqrt(jnp.maximum(deg, 1e-12))
    norm = dinv[src] * dinv[dst]
    h = x @ W
    msg = jnp.take(h, src, axis=0) * norm[:, None]
    out = jnp.zeros((n_nodes, h.shape[1]), dtype=x.dtype).at[dst].add(msg)
    return out + b


def setup_inputs(seed: int = 0) -> dict:
    key = jax.random.key(seed)
    ks = jax.random.split(key, 12)
    x = jax.random.normal(ks[0], (N_NODES, D_IN), dtype=jnp.float32)
    edge_index = jax.random.randint(ks[1], (2, N_EDGES), 0, N_NODES, dtype=jnp.int64)
    s1 = 1.0 / np.sqrt(D_IN)
    s2 = 1.0 / np.sqrt(D_HID)
    s3 = 1.0 / np.sqrt(D_OUT)
    W1 = jax.random.uniform(ks[2], (D_IN, D_HID), jnp.float32, -s1, s1)
    b1 = jnp.zeros((D_HID,), jnp.float32)
    W2 = jax.random.uniform(ks[3], (D_HID, D_OUT), jnp.float32, -s2, s2)
    b2 = jnp.zeros((D_OUT,), jnp.float32)
    Wt = jax.random.uniform(ks[4], (D_OUT, NUM_CLASS[0]), jnp.float32, -s3, s3)
    bt = jnp.zeros((NUM_CLASS[0],), jnp.float32)
    Ws = jax.random.uniform(ks[5], (D_OUT, NUM_CLASS[1]), jnp.float32, -s3, s3)
    bs = jnp.zeros((NUM_CLASS[1],), jnp.float32)
    Wf = jax.random.uniform(ks[6], (D_OUT, NUM_CLASS[2]), jnp.float32, -s3, s3)
    bf = jnp.zeros((NUM_CLASS[2],), jnp.float32)
    Wa = jax.random.uniform(ks[7], (D_OUT, NUM_CLASS[3]), jnp.float32, -s3, s3)
    ba = jnp.zeros((NUM_CLASS[3],), jnp.float32)
    return {"x": x, "edge_index": edge_index, "W1": W1, "b1": b1, "W2": W2, "b2": b2,
            "Wt": Wt, "bt": bt, "Ws": Ws, "bs": bs, "Wf": Wf, "bf": bf, "Wa": Wa, "ba": ba}


def reference(x, edge_index, W1, b1, W2, b2, Wt, bt, Ws, bs, Wf, bf, Wa, ba):
    # _GCN_forward: relu(gc1(x, adj)) -> dropout (eval: identity) -> gc2
    h = jax.nn.relu(gcn_conv(x, edge_index, W1, b1, N_NODES))
    g = gcn_conv(h, edge_index, W2, b2, N_NODES)
    out_type = g @ Wt + bt
    out_school = g @ Ws + bs
    out_time = g @ Wf + bf
    out_author = g @ Wa + ba
    return (out_type, out_school, out_time, out_author)

if __name__ == "__main__":
    import jax
    _d = setup_inputs()
    print(jax.jit(kernel)(*tuple(_d.values())))

</pallas_src>

<mosaic_0001>
#map = affine_map<(d0, d1) -> (0, 0)>
#map1 = affine_map<(d0, d1) -> (0, 0, 0)>
module attributes {stable_mosaic.version = 14 : i64} {
  func.func @_sc_agg_body(%arg0: i32, %arg1: i32, %arg2: memref<10240x128xf32, #tpu.memory_space<hbm>>, %arg3: memref<32x80x128xi32, #tpu.memory_space<hbm>>, %arg4: memref<32x80x128xi32, #tpu.memory_space<hbm>>, %arg5: memref<2x10240x128xf32, #tpu.memory_space<hbm>>, %arg6: memref<80x128xi32, #tpu.memory_space<vmem>>, %arg7: memref<80x128xi32, #tpu.memory_space<vmem>>, %arg8: memref<128x128xf32, #tpu.memory_space<vmem>>, %arg9: memref<!tpu.dma_semaphore, #tpu.memory_space<semaphore_mem>>, %arg10: memref<10240x128xf32, #tpu.memory_space<vmem_shared>>) attributes {dimension_semantics = [#tpu.dimension_semantics<core_parallel>, #tpu.dimension_semantics<subcore_parallel>], iteration_bounds = array<i64: 2, 16>, scalar_prefetch = 0 : i64, scratch_operands = 5 : i64, tpu.core_type = #tpu.core_type<sc_vector_subcore>, window_params = [{transform_indices = #map}, {transform_indices = #map1}, {transform_indices = #map1}, {transform_indices = #map1}]} {
    %mul3A = arith.constant 2 : i32
    %mul3A_0 = arith.muli %arg1, %mul3A : i32
    %add3A = arith.addi %mul3A_0, %arg0 : i32
    %mul3A_1 = arith.constant 640 : i32
    %mul3A_2 = arith.muli %arg1, %mul3A_1 : i32
    %broadcast_in_dim3A = arith.constant 0.000000e+00 : f32
    %broadcast_in_dim3A_3 = vector.broadcast %broadcast_in_dim3A : f32 to vector<16xf32>
    %scan3A = arith.constant 0 : i32
    %scan3A_4 = arith.constant 0 : i32
    %scan3A_5 = arith.constant 128 : i32
    %scan3A_6 = arith.addi %scan3A_4, %scan3A_5 : i32
    %scan3A_7 = arith.constant 1 : i32
    scf.for %scan3A_32 = %scan3A_4 to %scan3A_6 step %scan3A_7  : i32 {
      %swap3A = arith.index_cast %scan3A_32 : i32 to index
      %swap3A_33 = arith.constant 0 : index
      %swap3A_34 = tpu.vector_load %arg8[%swap3A, %swap3A_33] {strides = array<i32>} : memref<128x128xf32, #tpu.memory_space<vmem>>, vector<1x16xf32>,
      %swap3A_35 = vector.shape_cast %swap3A_34 : vector<1x16xf32> to vector<16xf32>
      %swap3A_36 = vector.shape_cast %broadcast_in_dim3A_3 : vector<16xf32> to vector<1x16xf32>
      tpu.vector_store %arg8[%swap3A, %swap3A_33], %swap3A_36 {strides = array<i32>} : memref<128x128xf32, #tpu.memory_space<vmem>>, vector<1x16xf32>,
      %swap3A_37 = arith.index_cast %scan3A_32 : i32 to index
      %swap3A_38 = arith.constant 16 : index
      %swap3A_39 = tpu.vector_load %arg8[%swap3A_37, %swap3A_38] {strides = array<i32>} : memref<128x128xf32, #tpu.memory_space<vmem>>, vector<1x16xf32>,
      %swap3A_40 = vector.shape_cast %swap3A_39 : vector<1x16xf32> to vector<16xf32>
      %swap3A_41 = vector.shape_cast %broadcast_in_dim3A_3 : vector<16xf32> to vector<1x16xf32>
      tpu.vector_store %arg8[%swap3A_37, %swap3A_38], %swap3A_41 {strides = array<i32>} : memref<128x128xf32, #tpu.memory_space<vmem>>, vector<1x16xf32>,
      %swap3A_42 = arith.index_cast %scan3A_32 : i32 to index
      %swap3A_43 = arith.constant 32 : index
      %swap3A_44 = tpu.vector_load %arg8[%swap3A_42, %swap3A_43] {strides = array<i32>} : memref<128x128xf32, #tpu.memory_space<vmem>>, vector<1x16xf32>,
      %swap3A_45 = vector.shape_cast %swap3A_44 : vector<1x16xf32> to vector<16xf32>
      %swap3A_46 = vector.shape_cast %broadcast_in_dim3A_3 : vector<16xf32> to vector<1x16xf32>
      tpu.vector_store %arg8[%swap3A_42, %swap3A_43], %swap3A_46 {strides = array<i32>} : memref<128x128xf32, #tpu.memory_space<vmem>>, vector<1x16xf32>,
      %swap3A_47 = arith.index_cast %scan3A_32 : i32 to index
      %swap3A_48 = arith.constant 48 : index
      %swap3A_49 = tpu.vector_load %arg8[%swap3A_47, %swap3A_48] {strides = array<i32>} : memref<128x128xf32, #tpu.memory_space<vmem>>, vector<1x16xf32>,
      %swap3A_50 = vector.shape_cast %swap3A_49 : vector<1x16xf32> to vector<16xf32>
      %swap3A_51 = vector.shape_cast %broadcast_in_dim3A_3 : vector<16xf32> to vector<1x16xf32>
      tpu.vector_store %arg8[%swap3A_47, %swap3A_48], %swap3A_51 {strides = array<i32>} : memref<128x128xf32, #tpu.memory_space<vmem>>, vector<1x16xf32>,
      %swap3A_52 = arith.index_cast %scan3A_32 : i32 to index
      %swap3A_53 = arith.constant 64 : index
      %swap3A_54 = tpu.vector_load %arg8[%swap3A_52, %swap3A_53] {strides = array<i32>} : memref<128x128xf32, #tpu.memory_space<vmem>>, vector<1x16xf32>,
      %swap3A_55 = vector.shape_cast %swap3A_54 : vector<1x16xf32> to vector<16xf32>
      %swap3A_56 = vector.shape_cast %broadcast_in_dim3A_3 : vector<16xf32> to vector<1x16xf32>
      tpu.vector_store %arg8[%swap3A_52, %swap3A_53], %swap3A_56 {strides = array<i32>} : memref<128x128xf32, #tpu.memory_space<vmem>>, vector<1x16xf32>,
      %swap3A_57 = arith.index_cast %scan3A_32 : i32 to index
      %swap3A_58 = arith.constant 80 : index
      %swap3A_59 = tpu.vector_load %arg8[%swap3A_57, %swap3A_58] {strides = array<i32>} : memref<128x128xf32, #tpu.memory_space<vmem>>, vector<1x16xf32>,
      %swap3A_60 = vector.shape_cast %swap3A_59 : vector<1x16xf32> to vector<16xf32>
      %swap3A_61 = vector.shape_cast %broadcast_in_dim3A_3 : vector<16xf32> to vector<1x16xf32>
      tpu.vector_store %arg8[%swap3A_57, %swap3A_58], %swap3A_61 {strides = array<i32>} : memref<128x128xf32, #tpu.memory_space<vmem>>, vector<1x16xf32>,
      %swap3A_62 = arith.index_cast %scan3A_32 : i32 to index
      %swap3A_63 = arith.constant 96 : index
      %swap3A_64 = tpu.vector_load %arg8[%swap3A_62, %swap3A_63] {strides = array<i32>} : memref<128x128xf32, #tpu.memory_space<vmem>>, vector<1x16xf32>,
      %swap3A_65 = vector.shape_cast %swap3A_64 : vector<1x16xf32> to vector<16xf32>
      %swap3A_66 = vector.shape_cast %broadcast_in_dim3A_3 : vector<16xf32> to vector<1x16xf32>
      tpu.vector_store %arg8[%swap3A_62, %swap3A_63], %swap3A_66 {strides = array<i32>} : memref<128x128xf32, #tpu.memory_space<vmem>>, vector<1x16xf32>,
      %swap3A_67 = arith.index_cast %scan3A_32 : i32 to index
      %swap3A_68 = arith.constant 112 : index
      %swap3A_69 = tpu.vector_load %arg8[%swap3A_67, %swap3A_68] {strides = array<i32>} : memref<128x128xf32, #tpu.memory_space<vmem>>, vector<1x16xf32>,
      %swap3A_70 = vector.shape_cast %swap3A_69 : vector<1x16xf32> to vector<16xf32>
      %swap3A_71 = vector.shape_cast %broadcast_in_dim3A_3 : vector<16xf32> to vector<1x16xf32>
      tpu.vector_store %arg8[%swap3A_67, %swap3A_68], %swap3A_71 {strides = array<i32>} : memref<128x128xf32, #tpu.memory_space<vmem>>, vector<1x16xf32>,
    }
    %scan3A_8 = arith.constant 128 : i32
    %add3A_9 = arith.constant 0 : i32
    %add3A_10 = arith.addi %mul3A_2, %add3A_9 : i32
    "tpu.region"() ({
      %run_scoped3A = tpu.sem_alloc : memref<!tpu.dma_semaphore, #tpu.memory_space<semaphore_mem>>
      %dma_start3A = arith.constant 0 : i32
      %dma_start3A_32 = arith.constant 0 : i32
      %dma_start3A_33 = tpu.memref_slice %arg8[%dma_start3A, %dma_start3A_32] : memref<128x128xf32, #tpu.memory_space<vmem>> -> memref<80x128xf32, #tpu.memory_space<vmem>>
      %dma_start3A_34 = arith.constant 0 : i32
      %dma_start3A_35 = tpu.memref_slice %arg10[%add3A_10, %dma_start3A_34] : memref<10240x128xf32, #tpu.memory_space<vmem_shared>> -> memref<80x128xf32, #tpu.memory_space<vmem_shared>>
      %dma_start3A_36 = arith.constant 0 : i32
      %dma_start3A_37 = tpu.memref_slice %arg10[%add3A_10, %dma_start3A_36] : memref<10240x128xf32, #tpu.memory_space<vmem_shared>> -> memref<80x128xf32, #tpu.memory_space<vmem_shared>>
      %dma_start3A_38 = arith.constant 0 : i32
      %dma_start3A_39 = arith.constant 0 : i32
      %dma_start3A_40 = tpu.memref_slice %arg8[%dma_start3A_38, %dma_start3A_39] : memref<128x128xf32, #tpu.memory_space<vmem>> -> memref<80x128xf32, #tpu.memory_space<vmem>>
      tpu.enqueue_dma source(%dma_start3A_40 : memref<80x128xf32, #tpu.memory_space<vmem>>) target(%dma_start3A_37 : memref<80x128xf32, #tpu.memory_space<vmem_shared>>) target_semaphore(%run_scoped3A : memref<!tpu.dma_semaphore, #tpu.memory_space<semaphore_mem>>)
      %dma_wait3A = arith.constant 0 : i32
      %dma_wait3A_41 = arith.constant 0 : i32
      %dma_wait3A_42 = tpu.memref_slice %arg8[%dma_wait3A, %dma_wait3A_41] : memref<128x128xf32, #tpu.memory_space<vmem>> -> memref<80x128xf32, #tpu.memory_space<vmem>>
      %dma_wait3A_43 = arith.constant 0 : i32
      %dma_wait3A_44 = tpu.memref_slice %arg10[%add3A_10, %dma_wait3A_43] : memref<10240x128xf32, #tpu.memory_space<vmem_shared>> -> memref<80x128xf32, #tpu.memory_space<vmem_shared>>
      %dma_wait3A_45 = arith.constant 0 : i32
      %dma_wait3A_46 = tpu.memref_slice %arg10[%add3A_10, %dma_wait3A_45] : memref<10240x128xf32, #tpu.memory_space<vmem_shared>> -> memref<80x128xf32, #tpu.memory_space<vmem_shared>>
      %dma_wait3A_47 = arith.constant 0 : i32
      %dma_wait3A_48 = arith.constant 0 : i32
      %dma_wait3A_49 = tpu.memref_slice %arg8[%dma_wait3A_47, %dma_wait3A_48] : memref<128x128xf32, #tpu.memory_space<vmem>> -> memref<80x128xf32, #tpu.memory_space<vmem>>
      tpu.wait_dma2 semaphore(%run_scoped3A : memref<!tpu.dma_semaphore, #tpu.memory_space<semaphore_mem>>) src(%dma_wait3A_49 : memref<80x128xf32, #tpu.memory_space<vmem>>) dst(%dma_wait3A_46 : memref<80x128xf32, #tpu.memory_space<vmem_shared>>)
      tpu.yield
    }) : () -> ()
    %add3A_11 = arith.constant 80 : i32
    %add3A_12 = arith.addi %mul3A_2, %add3A_11 : i32
    "tpu.region"() ({
      %run_scoped3A = tpu.sem_alloc : memref<!tpu.dma_semaphore, #tpu.memory_space<semaphore_mem>>
      %dma_start3A = arith.constant 0 : i32
      %dma_start3A_32 = arith.constant 0 : i32
      %dma_start3A_33 = tpu.memref_slice %arg8[%dma_start3A, %dma_start3A_32] : memref<128x128xf32, #tpu.memory_space<vmem>> -> memref<80x128xf32, #tpu.memory_space<vmem>>
      %dma_start3A_34 = arith.constant 0 : i32
      %dma_start3A_35 = tpu.memref_slice %arg10[%add3A_12, %dma_start3A_34] : memref<10240x128xf32, #tpu.memory_space<vmem_shared>> -> memref<80x128xf32, #tpu.memory_space<vmem_shared>>
      %dma_start3A_36 = arith.constant 0 : i32
      %dma_start3A_37 = tpu.memref_slice %arg10[%add3A_12, %dma_start3A_36] : memref<10240x128xf32, #tpu.memory_space<vmem_shared>> -> memref<80x128xf32, #tpu.memory_space<vmem_shared>>
      %dma_start3A_38 = arith.constant 0 : i32
      %dma_start3A_39 = arith.constant 0 : i32
      %dma_start3A_40 = tpu.memref_slice %arg8[%dma_start3A_38, %dma_start3A_39] : memref<128x128xf32, #tpu.memory_space<vmem>> -> memref<80x128xf32, #tpu.memory_space<vmem>>
      tpu.enqueue_dma source(%dma_start3A_40 : memref<80x128xf32, #tpu.memory_space<vmem>>) target(%dma_start3A_37 : memref<80x128xf32, #tpu.memory_space<vmem_shared>>) target_semaphore(%run_scoped3A : memref<!tpu.dma_semaphore, #tpu.memory_space<semaphore_mem>>)
      %dma_wait3A = arith.constant 0 : i32
      %dma_wait3A_41 = arith.constant 0 : i32
      %dma_wait3A_42 = tpu.memref_slice %arg8[%dma_wait3A, %dma_wait3A_41] : memref<128x128xf32, #tpu.memory_space<vmem>> -> memref<80x128xf32, #tpu.memory_space<vmem>>
      %dma_wait3A_43 = arith.constant 0 : i32
      %dma_wait3A_44 = tpu.memref_slice %arg10[%add3A_12, %dma_wait3A_43] : memref<10240x128xf32, #tpu.memory_space<vmem_shared>> -> memref<80x128xf32, #tpu.memory_space<vmem_shared>>
      %dma_wait3A_45 = arith.constant 0 : i32
      %dma_wait3A_46 = tpu.memref_slice %arg10[%add3A_12, %dma_wait3A_45] : memref<10240x128xf32, #tpu.memory_space<vmem_shared>> -> memref<80x128xf32, #tpu.memory_space<vmem_shared>>
      %dma_wait3A_47 = arith.constant 0 : i32
      %dma_wait3A_48 = arith.constant 0 : i32
      %dma_wait3A_49 = tpu.memref_slice %arg8[%dma_wait3A_47, %dma_wait3A_48] : memref<128x128xf32, #tpu.memory_space<vmem>> -> memref<80x128xf32, #tpu.memory_space<vmem>>
      tpu.wait_dma2 semaphore(%run_scoped3A : memref<!tpu.dma_semaphore, #tpu.memory_space<semaphore_mem>>) src(%dma_wait3A_49 : memref<80x128xf32, #tpu.memory_space<vmem>>) dst(%dma_wait3A_46 : memref<80x128xf32, #tpu.memory_space<vmem_shared>>)
      tpu.yield
    }) : () -> ()
    %add3A_13 = arith.constant 160 : i32
    %add3A_14 = arith.addi %mul3A_2, %add3A_13 : i32
    "tpu.region"() ({
      %run_scoped3A = tpu.sem_alloc : memref<!tpu.dma_semaphore, #tpu.memory_space<semaphore_mem>>
      %dma_start3A = arith.constant 0 : i32
      %dma_start3A_32 = arith.constant 0 : i32
      %dma_start3A_33 = tpu.memref_slice %arg8[%dma_start3A, %dma_start3A_32] : memref<128x128xf32, #tpu.memory_space<vmem>> -> memref<80x128xf32, #tpu.memory_space<vmem>>
      %dma_start3A_34 = arith.constant 0 : i32
      %dma_start3A_35 = tpu.memref_slice %arg10[%add3A_14, %dma_start3A_34] : memref<10240x128xf32, #tpu.memory_space<vmem_shared>> -> memref<80x128xf32, #tpu.memory_space<vmem_shared>>
      %dma_start3A_36 = arith.constant 0 : i32
      %dma_start3A_37 = tpu.memref_slice %arg10[%add3A_14, %dma_start3A_36] : memref<10240x128xf32, #tpu.memory_space<vmem_shared>> -> memref<80x128xf32, #tpu.memory_space<vmem_shared>>
      %dma_start3A_38 = arith.constant 0 : i32
      %dma_start3A_39 = arith.constant 0 : i32
      %dma_start3A_40 = tpu.memref_slice %arg8[%dma_start3A_38, %dma_start3A_39] : memref<128x128xf32, #tpu.memory_space<vmem>> -> memref<80x128xf32, #tpu.memory_space<vmem>>
      tpu.enqueue_dma source(%dma_start3A_40 : memref<80x128xf32, #tpu.memory_space<vmem>>) target(%dma_start3A_37 : memref<80x128xf32, #tpu.memory_space<vmem_shared>>) target_semaphore(%run_scoped3A : memref<!tpu.dma_semaphore, #tpu.memory_space<semaphore_mem>>)
      %dma_wait3A = arith.constant 0 : i32
      %dma_wait3A_41 = arith.constant 0 : i32
      %dma_wait3A_42 = tpu.memref_slice %arg8[%dma_wait3A, %dma_wait3A_41] : memref<128x128xf32, #tpu.memory_space<vmem>> -> memref<80x128xf32, #tpu.memory_space<vmem>>
      %dma_wait3A_43 = arith.constant 0 : i32
      %dma_wait3A_44 = tpu.memref_slice %arg10[%add3A_14, %dma_wait3A_43] : memref<10240x128xf32, #tpu.memory_space<vmem_shared>> -> memref<80x128xf32, #tpu.memory_space<vmem_shared>>
      %dma_wait3A_45 = arith.constant 0 : i32
      %dma_wait3A_46 = tpu.memref_slice %arg10[%add3A_14, %dma_wait3A_45] : memref<10240x128xf32, #tpu.memory_space<vmem_shared>> -> memref<80x128xf32, #tpu.memory_space<vmem_shared>>
      %dma_wait3A_47 = arith.constant 0 : i32
      %dma_wait3A_48 = arith.constant 0 : i32
      %dma_wait3A_49 = tpu.memref_slice %arg8[%dma_wait3A_47, %dma_wait3A_48] : memref<128x128xf32, #tpu.memory_space<vmem>> -> memref<80x128xf32, #tpu.memory_space<vmem>>
      tpu.wait_dma2 semaphore(%run_scoped3A : memref<!tpu.dma_semaphore, #tpu.memory_space<semaphore_mem>>) src(%dma_wait3A_49 : memref<80x128xf32, #tpu.memory_space<vmem>>) dst(%dma_wait3A_46 : memref<80x128xf32, #tpu.memory_space<vmem_shared>>)
      tpu.yield
    }) : () -> ()
    %add3A_15 = arith.constant 240 : i32
    %add3A_16 = arith.addi %mul3A_2, %add3A_15 : i32
    "tpu.region"() ({
      %run_scoped3A = tpu.sem_alloc : memref<!tpu.dma_semaphore, #tpu.memory_space<semaphore_mem>>
      %dma_start3A = arith.constant 0 : i32
      %dma_start3A_32 = arith.constant 0 : i32
      %dma_start3A_33 = tpu.memref_slice %arg8[%dma_start3A, %dma_start3A_32] : memref<128x128xf32, #tpu.memory_space<vmem>> -> memref<80x128xf32, #tpu.memory_space<vmem>>
      %dma_start3A_34 = arith.constant 0 : i32
      %dma_start3A_35 = tpu.memref_slice %arg10[%add3A_16, %dma_start3A_34] : memref<10240x128xf32, #tpu.memory_space<vmem_shared>> -> memref<80x128xf32, #tpu.memory_space<vmem_shared>>
      %dma_start3A_36 = arith.constant 0 : i32
      %dma_start3A_37 = tpu.memref_slice %arg10[%add3A_16, %dma_start3A_36] : memref<10240x128xf32, #tpu.memory_space<vmem_shared>> -> memref<80x128xf32, #tpu.memory_space<vmem_shared>>
      %dma_start3A_38 = arith.constant 0 : i32
      %dma_start3A_39 = arith.constant 0 : i32
      %dma_start3A_40 = tpu.memref_slice %arg8[%dma_start3A_38, %dma_start3A_39] : memref<128x128xf32, #tpu.memory_space<vmem>> -> memref<80x128xf32, #tpu.memory_space<vmem>>
      tpu.enqueue_dma source(%dma_start3A_40 : memref<80x128xf32, #tpu.memory_space<vmem>>) target(%dma_start3A_37 : memref<80x128xf32, #tpu.memory_space<vmem_shared>>) target_semaphore(%run_scoped3A : memref<!tpu.dma_semaphore, #tpu.memory_space<semaphore_mem>>)
      %dma_wait3A = arith.constant 0 : i32
      %dma_wait3A_41 = arith.constant 0 : i32
      %dma_wait3A_42 = tpu.memref_slice %arg8[%dma_wait3A, %dma_wait3A_41] : memref<128x128xf32, #tpu.memory_space<vmem>> -> memref<80x128xf32, #tpu.memory_space<vmem>>
      %dma_wait3A_43 = arith.constant 0 : i32
      %dma_wait3A_44 = tpu.memref_slice %arg10[%add3A_16, %dma_wait3A_43] : memref<10240x128xf32, #tpu.memory_space<vmem_shared>> -> memref<80x128xf32, #tpu.memory_space<vmem_shared>>
      %dma_wait3A_45 = arith.constant 0 : i32
      %dma_wait3A_46 = tpu.memref_slice %arg10[%add3A_16, %dma_wait3A_45] : memref<10240x128xf32, #tpu.memory_space<vmem_shared>> -> memref<80x128xf32, #tpu.memory_space<vmem_shared>>
      %dma_wait3A_47 = arith.constant 0 : i32
      %dma_wait3A_48 = arith.constant 0 : i32
      %dma_wait3A_49 = tpu.memref_slice %arg8[%dma_wait3A_47, %dma_wait3A_48] : memref<128x128xf32, #tpu.memory_space<vmem>> -> memref<80x128xf32, #tpu.memory_space<vmem>>
      tpu.wait_dma2 semaphore(%run_scoped3A : memref<!tpu.dma_semaphore, #tpu.memory_space<semaphore_mem>>) src(%dma_wait3A_49 : memref<80x128xf32, #tpu.memory_space<vmem>>) dst(%dma_wait3A_46 : memref<80x128xf32, #tpu.memory_space<vmem_shared>>)
      tpu.yield
    }) : () -> ()
    %add3A_17 = arith.constant 320 : i32
    %add3A_18 = arith.addi %mul3A_2, %add3A_17 : i32
    "tpu.region"() ({
      %run_scoped3A = tpu.sem_alloc : memref<!tpu.dma_semaphore, #tpu.memory_space<semaphore_mem>>
      %dma_start3A = arith.constant 0 : i32
      %dma_start3A_32 = arith.constant 0 : i32
      %dma_start3A_33 = tpu.memref_slice %arg8[%dma_start3A, %dma_start3A_32] : memref<128x128xf32, #tpu.memory_space<vmem>> -> memref<80x128xf32, #tpu.memory_space<vmem>>
      %dma_start3A_34 = arith.constant 0 : i32
      %dma_start3A_35 = tpu.memref_slice %arg10[%add3A_18, %dma_start3A_34] : memref<10240x128xf32, #tpu.memory_space<vmem_shared>> -> memref<80x128xf32, #tpu.memory_space<vmem_shared>>
      %dma_start3A_36 = arith.constant 0 : i32
      %dma_start3A_37 = tpu.memref_slice %arg10[%add3A_18, %dma_start3A_36] : memref<10240x128xf32, #tpu.memory_space<vmem_shared>> -> memref<80x128xf32, #tpu.memory_space<vmem_shared>>
      %dma_start3A_38 = arith.constant 0 : i32
      %dma_start3A_39 = arith.constant 0 : i32
      %dma_start3A_40 = tpu.memref_slice %arg8[%dma_start3A_38, %dma_start3A_39] : memref<128x128xf32, #tpu.memory_space<vmem>> -> memref<80x128xf32, #tpu.memory_space<vmem>>
      tpu.enqueue_dma source(%dma_start3A_40 : memref<80x128xf32, #tpu.memory_space<vmem>>) target(%dma_start3A_37 : memref<80x128xf32, #tpu.memory_space<vmem_shared>>) target_semaphore(%run_scoped3A : memref<!tpu.dma_semaphore, #tpu.memory_space<semaphore_mem>>)
      %dma_wait3A = arith.constant 0 : i32
      %dma_wait3A_41 = arith.constant 0 : i32
      %dma_wait3A_42 = tpu.memref_slice %arg8[%dma_wait3A, %dma_wait3A_41] : memref<128x128xf32, #tpu.memory_space<vmem>> -> memref<80x128xf32, #tpu.memory_space<vmem>>
      %dma_wait3A_43 = arith.constant 0 : i32
      %dma_wait3A_44 = tpu.memref_slice %arg10[%add3A_18, %dma_wait3A_43] : memref<10240x128xf32, #tpu.memory_space<vmem_shared>> -> memref<80x128xf32, #tpu.memory_space<vmem_shared>>
      %dma_wait3A_45 = arith.constant 0 : i32
      %dma_wait3A_46 = tpu.memref_slice %arg10[%add3A_18, %dma_wait3A_45] : memref<10240x128xf32, #tpu.memory_space<vmem_shared>> -> memref<80x128xf32, #tpu.memory_space<vmem_shared>>
      %dma_wait3A_47 = arith.constant 0 : i32
      %dma_wait3A_48 = arith.constant 0 : i32
      %dma_wait3A_49 = tpu.memref_slice %arg8[%dma_wait3A_47, %dma_wait3A_48] : memref<128x128xf32, #tpu.memory_space<vmem>> -> memref<80x128xf32, #tpu.memory_space<vmem>>
      tpu.wait_dma2 semaphore(%run_scoped3A : memref<!tpu.dma_semaphore, #tpu.memory_space<semaphore_mem>>) src(%dma_wait3A_49 : memref<80x128xf32, #tpu.memory_space<vmem>>) dst(%dma_wait3A_46 : memref<80x128xf32, #tpu.memory_space<vmem_shared>>)
      tpu.yield
    }) : () -> ()
    %add3A_19 = arith.constant 400 : i32
    %add3A_20 = arith.addi %mul3A_2, %add3A_19 : i32
    "tpu.region"() ({
      %run_scoped3A = tpu.sem_alloc : memref<!tpu.dma_semaphore, #tpu.memory_space<semaphore_mem>>
      %dma_start3A = arith.constant 0 : i32
      %dma_start3A_32 = arith.constant 0 : i32
      %dma_start3A_33 = tpu.memref_slice %arg8[%dma_start3A, %dma_start3A_32] : memref<128x128xf32, #tpu.memory_space<vmem>> -> memref<80x128xf32, #tpu.memory_space<vmem>>
      %dma_start3A_34 = arith.constant 0 : i32
      %dma_start3A_35 = tpu.memref_slice %arg10[%add3A_20, %dma_start3A_34] : memref<10240x128xf32, #tpu.memory_space<vmem_shared>> -> memref<80x128xf32, #tpu.memory_space<vmem_shared>>
      %dma_start3A_36 = arith.constant 0 : i32
      %dma_start3A_37 = tpu.memref_slice %arg10[%add3A_20, %dma_start3A_36] : memref<10240x128xf32, #tpu.memory_space<vmem_shared>> -> memref<80x128xf32, #tpu.memory_space<vmem_shared>>
      %dma_start3A_38 = arith.constant 0 : i32
      %dma_start3A_39 = arith.constant 0 : i32
      %dma_start3A_40 = tpu.memref_slice %arg8[%dma_start3A_38, %dma_start3A_39] : memref<128x128xf32, #tpu.memory_space<vmem>> -> memref<80x128xf32, #tpu.memory_space<vmem>>
      tpu.enqueue_dma source(%dma_start3A_40 : memref<80x128xf32, #tpu.memory_space<vmem>>) target(%dma_start3A_37 : memref<80x128xf32, #tpu.memory_space<vmem_shared>>) target_semaphore(%run_scoped3A : memref<!tpu.dma_semaphore, #tpu.memory_space<semaphore_mem>>)
      %dma_wait3A = arith.constant 0 : i32
      %dma_wait3A_41 = arith.constant 0 : i32
      %dma_wait3A_42 = tpu.memref_slice %arg8[%dma_wait3A, %dma_wait3A_41] : memref<128x128xf32, #tpu.memory_space<vmem>> -> memref<80x128xf32, #tpu.memory_space<vmem>>
      %dma_wait3A_43 = arith.constant 0 : i32
      %dma_wait3A_44 = tpu.memref_slice %arg10[%add3A_20, %dma_wait3A_43] : memref<10240x128xf32, #tpu.memory_space<vmem_shared>> -> memref<80x128xf32, #tpu.memory_space<vmem_shared>>
      %dma_wait3A_45 = arith.constant 0 : i32
      %dma_wait3A_46 = tpu.memref_slice %arg10[%add3A_20, %dma_wait3A_45] : memref<10240x128xf32, #tpu.memory_space<vmem_shared>> -> memref<80x128xf32, #tpu.memory_space<vmem_shared>>
      %dma_wait3A_47 = arith.constant 0 : i32
      %dma_wait3A_48 = arith.constant 0 : i32
      %dma_wait3A_49 = tpu.memref_slice %arg8[%dma_wait3A_47, %dma_wait3A_48] : memref<128x128xf32, #tpu.memory_space<vmem>> -> memref<80x128xf32, #tpu.memory_space<vmem>>
      tpu.wait_dma2 semaphore(%run_scoped3A : memref<!tpu.dma_semaphore, #tpu.memory_space<semaphore_mem>>) src(%dma_wait3A_49 : memref<80x128xf32, #tpu.memory_space<vmem>>) dst(%dma_wait3A_46 : memref<80x128xf32, #tpu.memory_space<vmem_shared>>)
      tpu.yield
    }) : () -> ()
    %add3A_21 = arith.constant 480 : i32
    %add3A_22 = arith.addi %mul3A_2, %add3A_21 : i32
    "tpu.region"() ({
      %run_scoped3A = tpu.sem_alloc : memref<!tpu.dma_semaphore, #tpu.memory_space<semaphore_mem>>
      %dma_start3A = arith.constant 0 : i32
      %dma_start3A_32 = arith.constant 0 : i32
      %dma_start3A_33 = tpu.memref_slice %arg8[%dma_start3A, %dma_start3A_32] : memref<128x128xf32, #tpu.memory_space<vmem>> -> memref<80x128xf32, #tpu.memory_space<vmem>>
      %dma_start3A_34 = arith.constant 0 : i32
      %dma_start3A_35 = tpu.memref_slice %arg10[%add3A_22, %dma_start3A_34] : memref<10240x128xf32, #tpu.memory_space<vmem_shared>> -> memref<80x128xf32, #tpu.memory_space<vmem_shared>>
      %dma_start3A_36 = arith.constant 0 : i32
      %dma_start3A_37 = tpu.memref_slice %arg10[%add3A_22, %dma_start3A_36] : memref<10240x128xf32, #tpu.memory_space<vmem_shared>> -> memref<80x128xf32, #tpu.memory_space<vmem_shared>>
      %dma_start3A_38 = arith.constant 0 : i32
      %dma_start3A_39 = arith.constant 0 : i32
      %dma_start3A_40 = tpu.memref_slice %arg8[%dma_start3A_38, %dma_start3A_39] : memref<128x128xf32, #tpu.memory_space<vmem>> -> memref<80x128xf32, #tpu.memory_space<vmem>>
      tpu.enqueue_dma source(%dma_start3A_40 : memref<80x128xf32, #tpu.memory_space<vmem>>) target(%dma_start3A_37 : memref<80x128xf32, #tpu.memory_space<vmem_shared>>) target_semaphore(%run_scoped3A : memref<!tpu.dma_semaphore, #tpu.memory_space<semaphore_mem>>)
      %dma_wait3A = arith.constant 0 : i32
      %dma_wait3A_41 = arith.constant 0 : i32
      %dma_wait3A_42 = tpu.memref_slice %arg8[%dma_wait3A, %dma_wait3A_41] : memref<128x128xf32, #tpu.memory_space<vmem>> -> memref<80x128xf32, #tpu.memory_space<vmem>>
      %dma_wait3A_43 = arith.constant 0 : i32
      %dma_wait3A_44 = tpu.memref_slice %arg10[%add3A_22, %dma_wait3A_43] : memref<10240x128xf32, #tpu.memory_space<vmem_shared>> -> memref<80x128xf32, #tpu.memory_space<vmem_shared>>
      %dma_wait3A_45 = arith.constant 0 : i32
      %dma_wait3A_46 = tpu.memref_slice %arg10[%add3A_22, %dma_wait3A_45] : memref<10240x128xf32, #tpu.memory_space<vmem_shared>> -> memref<80x128xf32, #tpu.memory_space<vmem_shared>>
      %dma_wait3A_47 = arith.constant 0 : i32
      %dma_wait3A_48 = arith.constant 0 : i32
      %dma_wait3A_49 = tpu.memref_slice %arg8[%dma_wait3A_47, %dma_wait3A_48] : memref<128x128xf32, #tpu.memory_space<vmem>> -> memref<80x128xf32, #tpu.memory_space<vmem>>
      tpu.wait_dma2 semaphore(%run_scoped3A : memref<!tpu.dma_semaphore, #tpu.memory_space<semaphore_mem>>) src(%dma_wait3A_49 : memref<80x128xf32, #tpu.memory_space<vmem>>) dst(%dma_wait3A_46 : memref<80x128xf32, #tpu.memory_space<vmem_shared>>)
      tpu.yield
    }) : () -> ()
    %add3A_23 = arith.constant 560 : i32
    %add3A_24 = arith.addi %mul3A_2, %add3A_23 : i32
    "tpu.region"() ({
      %run_scoped3A = tpu.sem_alloc : memref<!tpu.dma_semaphore, #tpu.memory_space<semaphore_mem>>
      %dma_start3A = arith.constant 0 : i32
      %dma_start3A_32 = arith.constant 0 : i32
      %dma_start3A_33 = tpu.memref_slice %arg8[%dma_start3A, %dma_start3A_32] : memref<128x128xf32, #tpu.memory_space<vmem>> -> memref<80x128xf32, #tpu.memory_space<vmem>>
      %dma_start3A_34 = arith.constant 0 : i32
      %dma_start3A_35 = tpu.memref_slice %arg10[%add3A_24, %dma_start3A_34] : memref<10240x128xf32, #tpu.memory_space<vmem_shared>> -> memref<80x128xf32, #tpu.memory_space<vmem_shared>>
      %dma_start3A_36 = arith.constant 0 : i32
      %dma_start3A_37 = tpu.memref_slice %arg10[%add3A_24, %dma_start3A_36] : memref<10240x128xf32, #tpu.memory_space<vmem_shared>> -> memref<80x128xf32, #tpu.memory_space<vmem_shared>>
      %dma_start3A_38 = arith.constant 0 : i32
      %dma_start3A_39 = arith.constant 0 : i32
      %dma_start3A_40 = tpu.memref_slice %arg8[%dma_start3A_38, %dma_start3A_39] : memref<128x128xf32, #tpu.memory_space<vmem>> -> memref<80x128xf32, #tpu.memory_space<vmem>>
      tpu.enqueue_dma source(%dma_start3A_40 : memref<80x128xf32, #tpu.memory_space<vmem>>) target(%dma_start3A_37 : memref<80x128xf32, #tpu.memory_space<vmem_shared>>) target_semaphore(%run_scoped3A : memref<!tpu.dma_semaphore, #tpu.memory_space<semaphore_mem>>)
      %dma_wait3A = arith.constant 0 : i32
      %dma_wait3A_41 = arith.constant 0 : i32
      %dma_wait3A_42 = tpu.memref_slice %arg8[%dma_wait3A, %dma_wait3A_41] : memref<128x128xf32, #tpu.memory_space<vmem>> -> memref<80x128xf32, #tpu.memory_space<vmem>>
      %dma_wait3A_43 = arith.constant 0 : i32
      %dma_wait3A_44 = tpu.memref_slice %arg10[%add3A_24, %dma_wait3A_43] : memref<10240x128xf32, #tpu.memory_space<vmem_shared>> -> memref<80x128xf32, #tpu.memory_space<vmem_shared>>
      %dma_wait3A_45 = arith.constant 0 : i32
      %dma_wait3A_46 = tpu.memref_slice %arg10[%add3A_24, %dma_wait3A_45] : memref<10240x128xf32, #tpu.memory_space<vmem_shared>> -> memref<80x128xf32, #tpu.memory_space<vmem_shared>>
      %dma_wait3A_47 = arith.constant 0 : i32
      %dma_wait3A_48 = arith.constant 0 : i32
      %dma_wait3A_49 = tpu.memref_slice %arg8[%dma_wait3A_47, %dma_wait3A_48] : memref<128x128xf32, #tpu.memory_space<vmem>> -> memref<80x128xf32, #tpu.memory_space<vmem>>
      tpu.wait_dma2 semaphore(%run_scoped3A : memref<!tpu.dma_semaphore, #tpu.memory_space<semaphore_mem>>) src(%dma_wait3A_49 : memref<80x128xf32, #tpu.memory_space<vmem>>) dst(%dma_wait3A_46 : memref<80x128xf32, #tpu.memory_space<vmem_shared>>)
      tpu.yield
    }) : () -> ()
    "tpu.region"() ({
      %run_scoped3A = tpu.sem_alloc : memref<!tpu.dma_semaphore, #tpu.memory_space<semaphore_mem>>
      %dma_start3A = arith.constant 0 : i32
      %dma_start3A_32 = arith.constant 0 : i32
      %dma_start3A_33 = tpu.memref_slice %arg3[%add3A, %dma_start3A, %dma_start3A_32] : memref<32x80x128xi32, #tpu.memory_space<hbm>> -> memref<1x80x128xi32, #tpu.memory_space<hbm>>
      %dma_start3A_34 = tpu.memref_squeeze %dma_start3A_33 : memref<1x80x128xi32, #tpu.memory_space<hbm>> -> memref<80x128xi32, #tpu.memory_space<hbm>>
      %dma_start3A_35 = arith.constant 0 : i32
      %dma_start3A_36 = arith.constant 0 : i32
      %dma_start3A_37 = tpu.memref_slice %arg3[%add3A, %dma_start3A_35, %dma_start3A_36] : memref<32x80x128xi32, #tpu.memory_space<hbm>> -> memref<1x80x128xi32, #tpu.memory_space<hbm>>
      %dma_start3A_38 = tpu.memref_squeeze %dma_start3A_37 : memref<1x80x128xi32, #tpu.memory_space<hbm>> -> memref<80x128xi32, #tpu.memory_space<hbm>>
      tpu.enqueue_dma source(%dma_start3A_38 : memref<80x128xi32, #tpu.memory_space<hbm>>) target(%arg6 : memref<80x128xi32, #tpu.memory_space<vmem>>) target_semaphore(%run_scoped3A : memref<!tpu.dma_semaphore, #tpu.memory_space<semaphore_mem>>)
      %dma_wait3A = arith.constant 0 : i32
      %dma_wait3A_39 = arith.constant 0 : i32
      %dma_wait3A_40 = tpu.memref_slice %arg3[%add3A, %dma_wait3A, %dma_wait3A_39] : memref<32x80x128xi32, #tpu.memory_space<hbm>> -> memref<1x80x128xi32, #tpu.memory_space<hbm>>
      %dma_wait3A_41 = tpu.memref_squeeze %dma_wait3A_40 : memref<1x80x128xi32, #tpu.memory_space<hbm>> -> memref<80x128xi32, #tpu.memory_space<hbm>>
      %dma_wait3A_42 = arith.constant 0 : i32
      %dma_wait3A_43 = arith.constant 0 : i32
      %dma_wait3A_44 = tpu.memref_slice %arg3[%add3A, %dma_wait3A_42, %dma_wait3A_43] : memref<32x80x128xi32, #tpu.memory_space<hbm>> -> memref<1x80x128xi32, #tpu.memory_space<hbm>>
      %dma_wait3A_45 = tpu.memref_squeeze %dma_wait3A_44 : memref<1x80x128xi32, #tpu.memory_space<hbm>> -> memref<80x128xi32, #tpu.memory_space<hbm>>
      tpu.wait_dma2 semaphore(%run_scoped3A : memref<!tpu.dma_semaphore, #tpu.memory_space<semaphore_mem>>) src(%dma_wait3A_45 : memref<80x128xi32, #tpu.memory_space<hbm>>) dst(%arg6 : memref<80x128xi32, #tpu.memory_space<vmem>>)
      tpu.yield
    }) : () -> ()
    "tpu.region"() ({
      %run_scoped3A = tpu.sem_alloc : memref<!tpu.dma_semaphore, #tpu.memory_space<semaphore_mem>>
      %dma_start3A = arith.constant 0 : i32
      %dma_start3A_32 = arith.constant 0 : i32
      %dma_start3A_33 = tpu.memref_slice %arg4[%add3A, %dma_start3A, %dma_start3A_32] : memref<32x80x128xi32, #tpu.memory_space<hbm>> -> memref<1x80x128xi32, #tpu.memory_space<hbm>>
      %dma_start3A_34 = tpu.memref_squeeze %dma_start3A_33 : memref<1x80x128xi32, #tpu.memory_space<hbm>> -> memref<80x128xi32, #tpu.memory_space<hbm>>
      %dma_start3A_35 = arith.constant 0 : i32
      %dma_start3A_36 = arith.constant 0 : i32
      %dma_start3A_37 = tpu.memref_slice %arg4[%add3A, %dma_start3A_35, %dma_start3A_36] : memref<32x80x128xi32, #tpu.memory_space<hbm>> -> memref<1x80x128xi32, #tpu.memory_space<hbm>>
      %dma_start3A_38 = tpu.memref_squeeze %dma_start3A_37 : memref<1x80x128xi32, #tpu.memory_space<hbm>> -> memref<80x128xi32, #tpu.memory_space<hbm>>
      tpu.enqueue_dma source(%dma_start3A_38 : memref<80x128xi32, #tpu.memory_space<hbm>>) target(%arg7 : memref<80x128xi32, #tpu.memory_space<vmem>>) target_semaphore(%run_scoped3A : memref<!tpu.dma_semaphore, #tpu.memory_space<semaphore_mem>>)
      %dma_wait3A = arith.constant 0 : i32
      %dma_wait3A_39 = arith.constant 0 : i32
      %dma_wait3A_40 = tpu.memref_slice %arg4[%add3A, %dma_wait3A, %dma_wait3A_39] : memref<32x80x128xi32, #tpu.memory_space<hbm>> -> memref<1x80x128xi32, #tpu.memory_space<hbm>>
      %dma_wait3A_41 = tpu.memref_squeeze %dma_wait3A_40 : memref<1x80x128xi32, #tpu.memory_space<hbm>> -> memref<80x128xi32, #tpu.memory_space<hbm>>
      %dma_wait3A_42 = arith.constant 0 : i32
      %dma_wait3A_43 = arith.constant 0 : i32
      %dma_wait3A_44 = tpu.memref_slice %arg4[%add3A, %dma_wait3A_42, %dma_wait3A_43] : memref<32x80x128xi32, #tpu.memory_space<hbm>> -> memref<1x80x128xi32, #tpu.memory_space<hbm>>
      %dma_wait3A_45 = tpu.memref_squeeze %dma_wait3A_44 : memref<1x80x128xi32, #tpu.memory_space<hbm>> -> memref<80x128xi32, #tpu.memory_space<hbm>>
      tpu.wait_dma2 semaphore(%run_scoped3A : memref<!tpu.dma_semaphore, #tpu.memory_space<semaphore_mem>>) src(%dma_wait3A_45 : memref<80x128xi32, #tpu.memory_space<hbm>>) dst(%arg7 : memref<80x128xi32, #tpu.memory_space<vmem>>)
      tpu.yield
    }) : () -> ()
    %barrier3A = arith.constant 0 : index
    tpu.barrier barrier_id(%barrier3A)
    %scan3A_25 = arith.constant 0 : i32
    %scan3A_26 = arith.constant 0 : i32
    %scan3A_27 = arith.constant 80 : i32
    %scan3A_28 = arith.addi %scan3A_26, %scan3A_27 : i32
    %scan3A_29 = arith.constant 1 : i32
    scf.for %scan3A_32 = %scan3A_26 to %scan3A_28 step %scan3A_29  : i32 {
      %dma_start3A = arith.constant 0 : i32
      %dma_start3A_33 = tpu.memref_slice %arg6[%scan3A_32, %dma_start3A] : memref<80x128xi32, #tpu.memory_space<vmem>> -> memref<1x128xi32, #tpu.memory_space<vmem>>
      %dma_start3A_34 = tpu.memref_squeeze %dma_start3A_33 : memref<1x128xi32, #tpu.memory_space<vmem>> -> memref<128xi32, #tpu.memory_space<vmem>>
      %dma_start3A_35 = arith.constant 0 : i32
      %dma_start3A_36 = arith.constant 0 : i32
      %dma_start3A_37 = tpu.memref_slice %arg2[%dma_start3A_35, %dma_start3A_36] : memref<10240x128xf32, #tpu.memory_space<hbm>> -> memref<10240x128xf32, #tpu.memory_space<hbm>>
      tpu.enqueue_indirect_dma source(%dma_start3A_37 : memref<10240x128xf32, #tpu.memory_space<hbm>>) target(%arg8 : memref<128x128xf32, #tpu.memory_space<vmem>>) offsets(%dma_start3A_34 : memref<128xi32, #tpu.memory_space<vmem>>) semaphore(%arg9 : memref<!tpu.dma_semaphore, #tpu.memory_space<semaphore_mem>>)
      %dma_wait3A = arith.constant 0 : i32
      %dma_wait3A_38 = tpu.memref_slice %arg6[%scan3A_32, %dma_wait3A] : memref<80x128xi32, #tpu.memory_space<vmem>> -> memref<1x128xi32, #tpu.memory_space<vmem>>
      %dma_wait3A_39 = tpu.memref_squeeze %dma_wait3A_38 : memref<1x128xi32, #tpu.memory_space<vmem>> -> memref<128xi32, #tpu.memory_space<vmem>>
      %dma_wait3A_40 = arith.constant 0 : i32
      %dma_wait3A_41 = arith.constant 0 : i32
      %dma_wait3A_42 = tpu.memref_slice %arg2[%dma_wait3A_40, %dma_wait3A_41] : memref<10240x128xf32, #tpu.memory_space<hbm>> -> memref<10240x128xf32, #tpu.memory_space<hbm>>
      tpu.wait_indirect_dma semaphore(%arg9 : memref<!tpu.dma_semaphore, #tpu.memory_space<semaphore_mem>>) src(%dma_wait3A_42 : memref<10240x128xf32, #tpu.memory_space<hbm>>) dst(%arg8 : memref<128x128xf32, #tpu.memory_space<vmem>>)
      "tpu.region"() ({
        %run_scoped3A = tpu.sem_alloc : memref<!tpu.dma_semaphore, #tpu.memory_space<semaphore_mem>>
        %dma_start3A_43 = arith.constant 0 : i32
        %dma_start3A_44 = tpu.memref_slice %arg7[%scan3A_32, %dma_start3A_43] : memref<80x128xi32, #tpu.memory_space<vmem>> -> memref<1x128xi32, #tpu.memory_space<vmem>>
        %dma_start3A_45 = tpu.memref_squeeze %dma_start3A_44 : memref<1x128xi32, #tpu.memory_space<vmem>> -> memref<128xi32, #tpu.memory_space<vmem>>
        %dma_start3A_46 = arith.constant 0 : i32
        %dma_start3A_47 = arith.constant 0 : i32
        %dma_start3A_48 = tpu.memref_slice %arg10[%dma_start3A_46, %dma_start3A_47] : memref<10240x128xf32, #tpu.memory_space<vmem_shared>> -> memref<10240x128xf32, #tpu.memory_space<vmem_shared>>
        tpu.enqueue_indirect_dma source(%arg8 : memref<128x128xf32, #tpu.memory_space<vmem>>) target(%dma_start3A_48 : memref<10240x128xf32, #tpu.memory_space<vmem_shared>>) offsets(%dma_start3A_45 : memref<128xi32, #tpu.memory_space<vmem>>) semaphore(%run_scoped3A : memref<!tpu.dma_semaphore, #tpu.memory_space<semaphore_mem>>) {add = true}
        %dma_wait3A_49 = arith.constant 0 : i32
        %dma_wait3A_50 = tpu.memref_slice %arg7[%scan3A_32, %dma_wait3A_49] : memref<80x128xi32, #tpu.memory_space<vmem>> -> memref<1x128xi32, #tpu.memory_space<vmem>>
        %dma_wait3A_51 = tpu.memref_squeeze %dma_wait3A_50 : memref<1x128xi32, #tpu.memory_space<vmem>> -> memref<128xi32, #tpu.memory_space<vmem>>
        %dma_wait3A_52 = arith.constant 0 : i32
        %dma_wait3A_53 = arith.constant 0 : i32
        %dma_wait3A_54 = tpu.memref_slice %arg10[%dma_wait3A_52, %dma_wait3A_53] : memref<10240x128xf32, #tpu.memory_space<vmem_shared>> -> memref<10240x128xf32, #tpu.memory_space<vmem_shared>>
        tpu.wait_indirect_dma semaphore(%run_scoped3A : memref<!tpu.dma_semaphore, #tpu.memory_space<semaphore_mem>>) src(%arg8 : memref<128x128xf32, #tpu.memory_space<vmem>>) dst(%dma_wait3A_54 : memref<10240x128xf32, #tpu.memory_space<vmem_shared>>)
        tpu.yield
      }) : () -> ()
    }
    %scan3A_30 = arith.constant 80 : i32
    %barrier3A_31 = arith.constant 0 : index
    tpu.barrier barrier_id(%barrier3A_31)
    "tpu.region"() ({
      %run_scoped3A = tpu.sem_alloc : memref<!tpu.dma_semaphore, #tpu.memory_space<semaphore_mem>>
      %dma_start3A = arith.constant 0 : i32
      %dma_start3A_32 = tpu.memref_slice %arg5[%arg0, %mul3A_2, %dma_start3A] : memref<2x10240x128xf32, #tpu.memory_space<hbm>> -> memref<1x640x128xf32, #tpu.memory_space<hbm>>
      %dma_start3A_33 = tpu.memref_squeeze %dma_start3A_32 : memref<1x640x128xf32, #tpu.memory_space<hbm>> -> memref<640x128xf32, #tpu.memory_space<hbm>>
      %dma_start3A_34 = arith.constant 0 : i32
      %dma_start3A_35 = tpu.memref_slice %arg10[%mul3A_2, %dma_start3A_34] : memref<10240x128xf32, #tpu.memory_space<vmem_shared>> -> memref<640x128xf32, #tpu.memory_space<vmem_shared>>
      tpu.enqueue_dma source(%dma_start3A_35 : memref<640x128xf32, #tpu.memory_space<vmem_shared>>) target(%dma_start3A_33 : memref<640x128xf32, #tpu.memory_space<hbm>>) target_semaphore(%run_scoped3A : memref<!tpu.dma_semaphore, #tpu.memory_space<semaphore_mem>>)
      %dma_wait3A = arith.constant 0 : i32
      %dma_wait3A_36 = tpu.memref_slice %arg5[%arg0, %mul3A_2, %dma_wait3A] : memref<2x10240x128xf32, #tpu.memory_space<hbm>> -> memref<1x640x128xf32, #tpu.memory_space<hbm>>
      %dma_wait3A_37 = tpu.memref_squeeze %dma_wait3A_36 : memref<1x640x128xf32, #tpu.memory_space<hbm>> -> memref<640x128xf32, #tpu.memory_space<hbm>>
      %dma_wait3A_38 = arith.constant 0 : i32
      %dma_wait3A_39 = tpu.memref_slice %arg10[%mul3A_2, %dma_wait3A_38] : memref<10240x128xf32, #tpu.memory_space<vmem_shared>> -> memref<640x128xf32, #tpu.memory_space<vmem_shared>>
      tpu.wait_dma2 semaphore(%run_scoped3A : memref<!tpu.dma_semaphore, #tpu.memory_space<semaphore_mem>>) src(%dma_wait3A_39 : memref<640x128xf32, #tpu.memory_space<vmem_shared>>) dst(%dma_wait3A_37 : memref<640x128xf32, #tpu.memory_space<hbm>>)
      tpu.yield
    }) : () -> ()
    return
  }
}

#map = affine_map<(d0, d1) -> (0, 0, 0)>
module attributes {stable_mosaic.version = 14 : i64} {
  func.func @_sc_deg_body(%arg0: i32, %arg1: i32, %arg2: memref<32x80x128xi32, #tpu.memory_space<hbm>>, %arg3: memref<2x10240x128xf32, #tpu.memory_space<hbm>>, %arg4: memref<80x128xi32, #tpu.memory_space<vmem>>, %arg5: memref<128x128xf32, #tpu.memory_space<vmem>>, %arg6: memref<128x128xf32, #tpu.memory_space<vmem>>, %arg7: memref<10240x128xf32, #tpu.memory_space<vmem_shared>>, %arg8: memref<!tpu.dma_semaphore, #tpu.memory_space<semaphore_mem>>) attributes {dimension_semantics = [#tpu.dimension_semantics<core_parallel>, #tpu.dimension_semantics<subcore_parallel>], iteration_bounds = array<i64: 2, 16>, scalar_prefetch = 0 : i64, scratch_operands = 5 : i64, tpu.core_type = #tpu.core_type<sc_vector_subcore>, window_params = [{transform_indices = #map}, {transform_indices = #map}]} {
    %mul3A = arith.constant 2 : i32
    %mul3A_0 = arith.muli %arg1, %mul3A : i32
    %add3A = arith.addi %mul3A_0, %arg0 : i32
    %mul3A_1 = arith.constant 640 : i32
    %mul3A_2 = arith.muli %arg1, %mul3A_1 : i32
    %broadcast_in_dim3A = arith.constant 1.000000e+00 : f32
    %broadcast_in_dim3A_3 = vector.broadcast %broadcast_in_dim3A : f32 to vector<16xf32>
    %scan3A = arith.constant 0 : i32
    %scan3A_4 = arith.constant 0 : i32
    %scan3A_5 = arith.constant 128 : i32
    %scan3A_6 = arith.addi %scan3A_4, %scan3A_5 : i32
    %scan3A_7 = arith.constant 1 : i32
    scf.for %scan3A_40 = %scan3A_4 to %scan3A_6 step %scan3A_7  : i32 {
      %swap3A = arith.index_cast %scan3A_40 : i32 to index
      %swap3A_41 = arith.constant 0 : index
      %swap3A_42 = tpu.vector_load %arg5[%swap3A, %swap3A_41] {strides = array<i32>} : memref<128x128xf32, #tpu.memory_space<vmem>>, vector<1x16xf32>,
      %swap3A_43 = vector.shape_cast %swap3A_42 : vector<1x16xf32> to vector<16xf32>
      %swap3A_44 = vector.shape_cast %broadcast_in_dim3A_3 : vector<16xf32> to vector<1x16xf32>
      tpu.vector_store %arg5[%swap3A, %swap3A_41], %swap3A_44 {strides = array<i32>} : memref<128x128xf32, #tpu.memory_space<vmem>>, vector<1x16xf32>,
      %swap3A_45 = arith.index_cast %scan3A_40 : i32 to index
      %swap3A_46 = arith.constant 16 : index
      %swap3A_47 = tpu.vector_load %arg5[%swap3A_45, %swap3A_46] {strides = array<i32>} : memref<128x128xf32, #tpu.memory_space<vmem>>, vector<1x16xf32>,
      %swap3A_48 = vector.shape_cast %swap3A_47 : vector<1x16xf32> to vector<16xf32>
      %swap3A_49 = vector.shape_cast %broadcast_in_dim3A_3 : vector<16xf32> to vector<1x16xf32>
      tpu.vector_store %arg5[%swap3A_45, %swap3A_46], %swap3A_49 {strides = array<i32>} : memref<128x128xf32, #tpu.memory_space<vmem>>, vector<1x16xf32>,
      %swap3A_50 = arith.index_cast %scan3A_40 : i32 to index
      %swap3A_51 = arith.constant 32 : index
      %swap3A_52 = tpu.vector_load %arg5[%swap3A_50, %swap3A_51] {strides = array<i32>} : memref<128x128xf32, #tpu.memory_space<vmem>>, vector<1x16xf32>,
      %swap3A_53 = vector.shape_cast %swap3A_52 : vector<1x16xf32> to vector<16xf32>
      %swap3A_54 = vector.shape_cast %broadcast_in_dim3A_3 : vector<16xf32> to vector<1x16xf32>
      tpu.vector_store %arg5[%swap3A_50, %swap3A_51], %swap3A_54 {strides = array<i32>} : memref<128x128xf32, #tpu.memory_space<vmem>>, vector<1x16xf32>,
      %swap3A_55 = arith.index_cast %scan3A_40 : i32 to index
      %swap3A_56 = arith.constant 48 : index
      %swap3A_57 = tpu.vector_load %arg5[%swap3A_55, %swap3A_56] {strides = array<i32>} : memref<128x128xf32, #tpu.memory_space<vmem>>, vector<1x16xf32>,
      %swap3A_58 = vector.shape_cast %swap3A_57 : vector<1x16xf32> to vector<16xf32>
      %swap3A_59 = vector.shape_cast %broadcast_in_dim3A_3 : vector<16xf32> to vector<1x16xf32>
      tpu.vector_store %arg5[%swap3A_55, %swap3A_56], %swap3A_59 {strides = array<i32>} : memref<128x128xf32, #tpu.memory_space<vmem>>, vector<1x16xf32>,
      %swap3A_60 = arith.index_cast %scan3A_40 : i32 to index
      %swap3A_61 = arith.constant 64 : index
      %swap3A_62 = tpu.vector_load %arg5[%swap3A_60, %swap3A_61] {strides = array<i32>} : memref<128x128xf32, #tpu.memory_space<vmem>>, vector<1x16xf32>,
      %swap3A_63 = vector.shape_cast %swap3A_62 : vector<1x16xf32> to vector<16xf32>
      %swap3A_64 = vector.shape_cast %broadcast_in_dim3A_3 : vector<16xf32> to vector<1x16xf32>
      tpu.vector_store %arg5[%swap3A_60, %swap3A_61], %swap3A_64 {strides = array<i32>} : memref<128x128xf32, #tpu.memory_space<vmem>>, vector<1x16xf32>,
      %swap3A_65 = arith.index_cast %scan3A_40 : i32 to index
      %swap3A_66 = arith.constant 80 : index
      %swap3A_67 = tpu.vector_load %arg5[%swap3A_65, %swap3A_66] {strides = array<i32>} : memref<128x128xf32, #tpu.memory_space<vmem>>, vector<1x16xf32>,
      %swap3A_68 = vector.shape_cast %swap3A_67 : vector<1x16xf32> to vector<16xf32>
      %swap3A_69 = vector.shape_cast %broadcast_in_dim3A_3 : vector<16xf32> to vector<1x16xf32>
      tpu.vector_store %arg5[%swap3A_65, %swap3A_66], %swap3A_69 {strides = array<i32>} : memref<128x128xf32, #tpu.memory_space<vmem>>, vector<1x16xf32>,
      %swap3A_70 = arith.index_cast %scan3A_40 : i32 to index
      %swap3A_71 = arith.constant 96 : index
      %swap3A_72 = tpu.vector_load %arg5[%swap3A_70, %swap3A_71] {strides = array<i32>} : memref<128x128xf32, #tpu.memory_space<vmem>>, vector<1x16xf32>,
      %swap3A_73 = vector.shape_cast %swap3A_72 : vector<1x16xf32> to vector<16xf32>
      %swap3A_74 = vector.shape_cast %broadcast_in_dim3A_3 : vector<16xf32> to vector<1x16xf32>
      tpu.vector_store %arg5[%swap3A_70, %swap3A_71], %swap3A_74 {strides = array<i32>} : memref<128x128xf32, #tpu.memory_space<vmem>>, vector<1x16xf32>,
      %swap3A_75 = arith.index_cast %scan3A_40 : i32 to index
      %swap3A_76 = arith.constant 112 : index
      %swap3A_77 = tpu.vector_load %arg5[%swap3A_75, %swap3A_76] {strides = array<i32>} : memref<128x128xf32, #tpu.memory_space<vmem>>, vector<1x16xf32>,
      %swap3A_78 = vector.shape_cast %swap3A_77 : vector<1x16xf32> to vector<16xf32>
      %swap3A_79 = vector.shape_cast %broadcast_in_dim3A_3 : vector<16xf32> to vector<1x16xf32>
      tpu.vector_store %arg5[%swap3A_75, %swap3A_76], %swap3A_79 {strides = array<i32>} : memref<128x128xf32, #tpu.memory_space<vmem>>, vector<1x16xf32>,
    }
    %scan3A_8 = arith.constant 128 : i32
    %broadcast_in_dim3A_9 = arith.constant 0.000000e+00 : f32
    %broadcast_in_dim3A_10 = vector.broadcast %broadcast_in_dim3A_9 : f32 to vector<16xf32>
    %scan3A_11 = arith.constant 0 : i32
    %scan3A_12 = arith.constant 0 : i32
    %scan3A_13 = arith.constant 128 : i32
    %scan3A_14 = arith.addi %scan3A_12, %scan3A_13 : i32
    %scan3A_15 = arith.constant 1 : i32
    scf.for %scan3A_40 = %scan3A_12 to %scan3A_14 step %scan3A_15  : i32 {
      %swap3A = arith.index_cast %scan3A_40 : i32 to index
      %swap3A_41 = arith.constant 0 : index
      %swap3A_42 = tpu.vector_load %arg6[%swap3A, %swap3A_41] {strides = array<i32>} : memref<128x128xf32, #tpu.memory_space<vmem>>, vector<1x16xf32>,
      %swap3A_43 = vector.shape_cast %swap3A_42 : vector<1x16xf32> to vector<16xf32>
      %swap3A_44 = vector.shape_cast %broadcast_in_dim3A_10 : vector<16xf32> to vector<1x16xf32>
      tpu.vector_store %arg6[%swap3A, %swap3A_41], %swap3A_44 {strides = array<i32>} : memref<128x128xf32, #tpu.memory_space<vmem>>, vector<1x16xf32>,
      %swap3A_45 = arith.index_cast %scan3A_40 : i32 to index
      %swap3A_46 = arith.constant 16 : index
      %swap3A_47 = tpu.vector_load %arg6[%swap3A_45, %swap3A_46] {strides = array<i32>} : memref<128x128xf32, #tpu.memory_space<vmem>>, vector<1x16xf32>,
      %swap3A_48 = vector.shape_cast %swap3A_47 : vector<1x16xf32> to vector<16xf32>
      %swap3A_49 = vector.shape_cast %broadcast_in_dim3A_10 : vector<16xf32> to vector<1x16xf32>
      tpu.vector_store %arg6[%swap3A_45, %swap3A_46], %swap3A_49 {strides = array<i32>} : memref<128x128xf32, #tpu.memory_space<vmem>>, vector<1x16xf32>,
      %swap3A_50 = arith.index_cast %scan3A_40 : i32 to index
      %swap3A_51 = arith.constant 32 : index
      %swap3A_52 = tpu.vector_load %arg6[%swap3A_50, %swap3A_51] {strides = array<i32>} : memref<128x128xf32, #tpu.memory_space<vmem>>, vector<1x16xf32>,
      %swap3A_53 = vector.shape_cast %swap3A_52 : vector<1x16xf32> to vector<16xf32>
      %swap3A_54 = vector.shape_cast %broadcast_in_dim3A_10 : vector<16xf32> to vector<1x16xf32>
      tpu.vector_store %arg6[%swap3A_50, %swap3A_51], %swap3A_54 {strides = array<i32>} : memref<128x128xf32, #tpu.memory_space<vmem>>, vector<1x16xf32>,
      %swap3A_55 = arith.index_cast %scan3A_40 : i32 to index
      %swap3A_56 = arith.constant 48 : index
      %swap3A_57 = tpu.vector_load %arg6[%swap3A_55, %swap3A_56] {strides = array<i32>} : memref<128x128xf32, #tpu.memory_space<vmem>>, vector<1x16xf32>,
      %swap3A_58 = vector.shape_cast %swap3A_57 : vector<1x16xf32> to vector<16xf32>
      %swap3A_59 = vector.shape_cast %broadcast_in_dim3A_10 : vector<16xf32> to vector<1x16xf32>
      tpu.vector_store %arg6[%swap3A_55, %swap3A_56], %swap3A_59 {strides = array<i32>} : memref<128x128xf32, #tpu.memory_space<vmem>>, vector<1x16xf32>,
      %swap3A_60 = arith.index_cast %scan3A_40 : i32 to index
      %swap3A_61 = arith.constant 64 : index
      %swap3A_62 = tpu.vector_load %arg6[%swap3A_60, %swap3A_61] {strides = array<i32>} : memref<128x128xf32, #tpu.memory_space<vmem>>, vector<1x16xf32>,
      %swap3A_63 = vector.shape_cast %swap3A_62 : vector<1x16xf32> to vector<16xf32>
      %swap3A_64 = vector.shape_cast %broadcast_in_dim3A_10 : vector<16xf32> to vector<1x16xf32>
      tpu.vector_store %arg6[%swap3A_60, %swap3A_61], %swap3A_64 {strides = array<i32>} : memref<128x128xf32, #tpu.memory_space<vmem>>, vector<1x16xf32>,
      %swap3A_65 = arith.index_cast %scan3A_40 : i32 to index
      %swap3A_66 = arith.constant 80 : index
      %swap3A_67 = tpu.vector_load %arg6[%swap3A_65, %swap3A_66] {strides = array<i32>} : memref<128x128xf32, #tpu.memory_space<vmem>>, vector<1x16xf32>,
      %swap3A_68 = vector.shape_cast %swap3A_67 : vector<1x16xf32> to vector<16xf32>
      %swap3A_69 = vector.shape_cast %broadcast_in_dim3A_10 : vector<16xf32> to vector<1x16xf32>
      tpu.vector_store %arg6[%swap3A_65, %swap3A_66], %swap3A_69 {strides = array<i32>} : memref<128x128xf32, #tpu.memory_space<vmem>>, vector<1x16xf32>,
      %swap3A_70 = arith.index_cast %scan3A_40 : i32 to index
      %swap3A_71 = arith.constant 96 : index
      %swap3A_72 = tpu.vector_load %arg6[%swap3A_70, %swap3A_71] {strides = array<i32>} : memref<128x128xf32, #tpu.memory_space<vmem>>, vector<1x16xf32>,
      %swap3A_73 = vector.shape_cast %swap3A_72 : vector<1x16xf32> to vector<16xf32>
      %swap3A_74 = vector.shape_cast %broadcast_in_dim3A_10 : vector<16xf32> to vector<1x16xf32>
      tpu.vector_store %arg6[%swap3A_70, %swap3A_71], %swap3A_74 {strides = array<i32>} : memref<128x128xf32, #tpu.memory_space<vmem>>, vector<1x16xf32>,
      %swap3A_75 = arith.index_cast %scan3A_40 : i32 to index
      %swap3A_76 = arith.constant 112 : index
      %swap3A_77 = tpu.vector_load %arg6[%swap3A_75, %swap3A_76] {strides = array<i32>} : memref<128x128xf32, #tpu.memory_space<vmem>>, vector<1x16xf32>,
      %swap3A_78 = vector.shape_cast %swap3A_77 : vector<1x16xf32> to vector<16xf32>
      %swap3A_79 = vector.shape_cast %broadcast_in_dim3A_10 : vector<16xf32> to vector<1x16xf32>
      tpu.vector_store %arg6[%swap3A_75, %swap3A_76], %swap3A_79 {strides = array<i32>} : memref<128x128xf32, #tpu.memory_space<vmem>>, vector<1x16xf32>,
    }
    %scan3A_16 = arith.constant 128 : i32
    %add3A_17 = arith.constant 0 : i32
    %add3A_18 = arith.addi %mul3A_2, %add3A_17 : i32
    "tpu.region"() ({
      %run_scoped3A = tpu.sem_alloc : memref<!tpu.dma_semaphore, #tpu.memory_space<semaphore_mem>>
      %dma_start3A = arith.constant 0 : i32
      %dma_start3A_40 = arith.constant 0 : i32
      %dma_start3A_41 = tpu.memref_slice %arg6[%dma_start3A, %dma_start3A_40] : memref<128x128xf32, #tpu.memory_space<vmem>> -> memref<80x128xf32, #tpu.memory_space<vmem>>
      %dma_start3A_42 = arith.constant 0 : i32
      %dma_start3A_43 = tpu.memref_slice %arg7[%add3A_18, %dma_start3A_42] : memref<10240x128xf32, #tpu.memory_space<vmem_shared>> -> memref<80x128xf32, #tpu.memory_space<vmem_shared>>
      %dma_start3A_44 = arith.constant 0 : i32
      %dma_start3A_45 = tpu.memref_slice %arg7[%add3A_18, %dma_start3A_44] : memref<10240x128xf32, #tpu.memory_space<vmem_shared>> -> memref<80x128xf32, #tpu.memory_space<vmem_shared>>
      %dma_start3A_46 = arith.constant 0 : i32
      %dma_start3A_47 = arith.constant 0 : i32
      %dma_start3A_48 = tpu.memref_slice %arg6[%dma_start3A_46, %dma_start3A_47] : memref<128x128xf32, #tpu.memory_space<vmem>> -> memref<80x128xf32, #tpu.memory_space<vmem>>
      tpu.enqueue_dma source(%dma_start3A_48 : memref<80x128xf32, #tpu.memory_space<vmem>>) target(%dma_start3A_45 : memref<80x128xf32, #tpu.memory_space<vmem_shared>>) target_semaphore(%run_scoped3A : memref<!tpu.dma_semaphore, #tpu.memory_space<semaphore_mem>>)
      %dma_wait3A = arith.constant 0 : i32
      %dma_wait3A_49 = arith.constant 0 : i32
      %dma_wait3A_50 = tpu.memref_slice %arg6[%dma_wait3A, %dma_wait3A_49] : memref<128x128xf32, #tpu.memory_space<vmem>> -> memref<80x128xf32, #tpu.memory_space<vmem>>
      %dma_wait3A_51 = arith.constant 0 : i32
      %dma_wait3A_52 = tpu.memref_slice %arg7[%add3A_18, %dma_wait3A_51] : memref<10240x128xf32, #tpu.memory_space<vmem_shared>> -> memref<80x128xf32, #tpu.memory_space<vmem_shared>>
      %dma_wait3A_53 = arith.constant 0 : i32
      %dma_wait3A_54 = tpu.memref_slice %arg7[%add3A_18, %dma_wait3A_53] : memref<10240x128xf32, #tpu.memory_space<vmem_shared>> -> memref<80x128xf32, #tpu.memory_space<vmem_shared>>
      %dma_wait3A_55 = arith.constant 0 : i32
      %dma_wait3A_56 = arith.constant 0 : i32
      %dma_wait3A_57 = tpu.memref_slice %arg6[%dma_wait3A_55, %dma_wait3A_56] : memref<128x128xf32, #tpu.memory_space<vmem>> -> memref<80x128xf32, #tpu.memory_space<vmem>>
      tpu.wait_dma2 semaphore(%run_scoped3A : memref<!tpu.dma_semaphore, #tpu.memory_space<semaphore_mem>>) src(%dma_wait3A_57 : memref<80x128xf32, #tpu.memory_space<vmem>>) dst(%dma_wait3A_54 : memref<80x128xf32, #tpu.memory_space<vmem_shared>>)
      tpu.yield
    }) : () -> ()
    %add3A_19 = arith.constant 80 : i32
    %add3A_20 = arith.addi %mul3A_2, %add3A_19 : i32
    "tpu.region"() ({
      %run_scoped3A = tpu.sem_alloc : memref<!tpu.dma_semaphore, #tpu.memory_space<semaphore_mem>>
      %dma_start3A = arith.constant 0 : i32
      %dma_start3A_40 = arith.constant 0 : i32
      %dma_start3A_41 = tpu.memref_slice %arg6[%dma_start3A, %dma_start3A_40] : memref<128x128xf32, #tpu.memory_space<vmem>> -> memref<80x128xf32, #tpu.memory_space<vmem>>
      %dma_start3A_42 = arith.constant 0 : i32
      %dma_start3A_43 = tpu.memref_slice %arg7[%add3A_20, %dma_start3A_42] : memref<10240x128xf32, #tpu.memory_space<vmem_shared>> -> memref<80x128xf32, #tpu.memory_space<vmem_shared>>
      %dma_start3A_44 = arith.constant 0 : i32
      %dma_start3A_45 = tpu.memref_slice %arg7[%add3A_20, %dma_start3A_44] : memref<10240x128xf32, #tpu.memory_space<vmem_shared>> -> memref<80x128xf32, #tpu.memory_space<vmem_shared>>
      %dma_start3A_46 = arith.constant 0 : i32
      %dma_start3A_47 = arith.constant 0 : i32
      %dma_start3A_48 = tpu.memref_slice %arg6[%dma_start3A_46, %dma_start3A_47] : memref<128x128xf32, #tpu.memory_space<vmem>> -> memref<80x128xf32, #tpu.memory_space<vmem>>
      tpu.enqueue_dma source(%dma_start3A_48 : memref<80x128xf32, #tpu.memory_space<vmem>>) target(%dma_start3A_45 : memref<80x128xf32, #tpu.memory_space<vmem_shared>>) target_semaphore(%run_scoped3A : memref<!tpu.dma_semaphore, #tpu.memory_space<semaphore_mem>>)
      %dma_wait3A = arith.constant 0 : i32
      %dma_wait3A_49 = arith.constant 0 : i32
      %dma_wait3A_50 = tpu.memref_slice %arg6[%dma_wait3A, %dma_wait3A_49] : memref<128x128xf32, #tpu.memory_space<vmem>> -> memref<80x128xf32, #tpu.memory_space<vmem>>
      %dma_wait3A_51 = arith.constant 0 : i32
      %dma_wait3A_52 = tpu.memref_slice %arg7[%add3A_20, %dma_wait3A_51] : memref<10240x128xf32, #tpu.memory_space<vmem_shared>> -> memref<80x128xf32, #tpu.memory_space<vmem_shared>>
      %dma_wait3A_53 = arith.constant 0 : i32
      %dma_wait3A_54 = tpu.memref_slice %arg7[%add3A_20, %dma_wait3A_53] : memref<10240x128xf32, #tpu.memory_space<vmem_shared>> -> memref<80x128xf32, #tpu.memory_space<vmem_shared>>
      %dma_wait3A_55 = arith.constant 0 : i32
      %dma_wait3A_56 = arith.constant 0 : i32
      %dma_wait3A_57 = tpu.memref_slice %arg6[%dma_wait3A_55, %dma_wait3A_56] : memref<128x128xf32, #tpu.memory_space<vmem>> -> memref<80x128xf32, #tpu.memory_space<vmem>>
      tpu.wait_dma2 semaphore(%run_scoped3A : memref<!tpu.dma_semaphore, #tpu.memory_space<semaphore_mem>>) src(%dma_wait3A_57 : memref<80x128xf32, #tpu.memory_space<vmem>>) dst(%dma_wait3A_54 : memref<80x128xf32, #tpu.memory_space<vmem_shared>>)
      tpu.yield
    }) : () -> ()
    %add3A_21 = arith.constant 160 : i32
    %add3A_22 = arith.addi %mul3A_2, %add3A_21 : i32
    "tpu.region"() ({
      %run_scoped3A = tpu.sem_alloc : memref<!tpu.dma_semaphore, #tpu.memory_space<semaphore_mem>>
      %dma_start3A = arith.constant 0 : i32
      %dma_start3A_40 = arith.constant 0 : i32
      %dma_start3A_41 = tpu.memref_slice %arg6[%dma_start3A, %dma_start3A_40] : memref<128x128xf32, #tpu.memory_space<vmem>> -> memref<80x128xf32, #tpu.memory_space<vmem>>
      %dma_start3A_42 = arith.constant 0 : i32
      %dma_start3A_43 = tpu.memref_slice %arg7[%add3A_22, %dma_start3A_42] : memref<10240x128xf32, #tpu.memory_space<vmem_shared>> -> memref<80x128xf32, #tpu.memory_space<vmem_shared>>
      %dma_start3A_44 = arith.constant 0 : i32
      %dma_start3A_45 = tpu.memref_slice %arg7[%add3A_22, %dma_start3A_44] : memref<10240x128xf32, #tpu.memory_space<vmem_shared>> -> memref<80x128xf32, #tpu.memory_space<vmem_shared>>
      %dma_start3A_46 = arith.constant 0 : i32
      %dma_start3A_47 = arith.constant 0 : i32
      %dma_start3A_48 = tpu.memref_slice %arg6[%dma_start3A_46, %dma_start3A_47] : memref<128x128xf32, #tpu.memory_space<vmem>> -> memref<80x128xf32, #tpu.memory_space<vmem>>
      tpu.enqueue_dma source(%dma_start3A_48 : memref<80x128xf32, #tpu.memory_space<vmem>>) target(%dma_start3A_45 : memref<80x128xf32, #tpu.memory_space<vmem_shared>>) target_semaphore(%run_scoped3A : memref<!tpu.dma_semaphore, #tpu.memory_space<semaphore_mem>>)
      %dma_wait3A = arith.constant 0 : i32
      %dma_wait3A_49 = arith.constant 0 : i32
      %dma_wait3A_50 = tpu.memref_slice %arg6[%dma_wait3A, %dma_wait3A_49] : memref<128x128xf32, #tpu.memory_space<vmem>> -> memref<80x128xf32, #tpu.memory_space<vmem>>
      %dma_wait3A_51 = arith.constant 0 : i32
      %dma_wait3A_52 = tpu.memref_slice %arg7[%add3A_22, %dma_wait3A_51] : memref<10240x128xf32, #tpu.memory_space<vmem_shared>> -> memref<80x128xf32, #tpu.memory_space<vmem_shared>>
      %dma_wait3A_53 = arith.constant 0 : i32
      %dma_wait3A_54 = tpu.memref_slice %arg7[%add3A_22, %dma_wait3A_53] : memref<10240x128xf32, #tpu.memory_space<vmem_shared>> -> memref<80x128xf32, #tpu.memory_space<vmem_shared>>
      %dma_wait3A_55 = arith.constant 0 : i32
      %dma_wait3A_56 = arith.constant 0 : i32
      %dma_wait3A_57 = tpu.memref_slice %arg6[%dma_wait3A_55, %dma_wait3A_56] : memref<128x128xf32, #tpu.memory_space<vmem>> -> memref<80x128xf32, #tpu.memory_space<vmem>>
      tpu.wait_dma2 semaphore(%run_scoped3A : memref<!tpu.dma_semaphore, #tpu.memory_space<semaphore_mem>>) src(%dma_wait3A_57 : memref<80x128xf32, #tpu.memory_space<vmem>>) dst(%dma_wait3A_54 : memref<80x128xf32, #tpu.memory_space<vmem_shared>>)
      tpu.yield
    }) : () -> ()
    %add3A_23 = arith.constant 240 : i32
    %add3A_24 = arith.addi %mul3A_2, %add3A_23 : i32
    "tpu.region"() ({
      %run_scoped3A = tpu.sem_alloc : memref<!tpu.dma_semaphore, #tpu.memory_space<semaphore_mem>>
      %dma_start3A = arith.constant 0 : i32
      %dma_start3A_40 = arith.constant 0 : i32
      %dma_start3A_41 = tpu.memref_slice %arg6[%dma_start3A, %dma_start3A_40] : memref<128x128xf32, #tpu.memory_space<vmem>> -> memref<80x128xf32, #tpu.memory_space<vmem>>
      %dma_start3A_42 = arith.constant 0 : i32
      %dma_start3A_43 = tpu.memref_slice %arg7[%add3A_24, %dma_start3A_42] : memref<10240x128xf32, #tpu.memory_space<vmem_shared>> -> memref<80x128xf32, #tpu.memory_space<vmem_shared>>
      %dma_start3A_44 = arith.constant 0 : i32
      %dma_start3A_45 = tpu.memref_slice %arg7[%add3A_24, %dma_start3A_44] : memref<10240x128xf32, #tpu.memory_space<vmem_shared>> -> memref<80x128xf32, #tpu.memory_space<vmem_shared>>
      %dma_start3A_46 = arith.constant 0 : i32
      %dma_start3A_47 = arith.constant 0 : i32
      %dma_start3A_48 = tpu.memref_slice %arg6[%dma_start3A_46, %dma_start3A_47] : memref<128x128xf32, #tpu.memory_space<vmem>> -> memref<80x128xf32, #tpu.memory_space<vmem>>
      tpu.enqueue_dma source(%dma_start3A_48 : memref<80x128xf32, #tpu.memory_space<vmem>>) target(%dma_start3A_45 : memref<80x128xf32, #tpu.memory_space<vmem_shared>>) target_semaphore(%run_scoped3A : memref<!tpu.dma_semaphore, #tpu.memory_space<semaphore_mem>>)
      %dma_wait3A = arith.constant 0 : i32
      %dma_wait3A_49 = arith.constant 0 : i32
      %dma_wait3A_50 = tpu.memref_slice %arg6[%dma_wait3A, %dma_wait3A_49] : memref<128x128xf32, #tpu.memory_space<vmem>> -> memref<80x128xf32, #tpu.memory_space<vmem>>
      %dma_wait3A_51 = arith.constant 0 : i32
      %dma_wait3A_52 = tpu.memref_slice %arg7[%add3A_24, %dma_wait3A_51] : memref<10240x128xf32, #tpu.memory_space<vmem_shared>> -> memref<80x128xf32, #tpu.memory_space<vmem_shared>>
      %dma_wait3A_53 = arith.constant 0 : i32
      %dma_wait3A_54 = tpu.memref_slice %arg7[%add3A_24, %dma_wait3A_53] : memref<10240x128xf32, #tpu.memory_space<vmem_shared>> -> memref<80x128xf32, #tpu.memory_space<vmem_shared>>
      %dma_wait3A_55 = arith.constant 0 : i32
      %dma_wait3A_56 = arith.constant 0 : i32
      %dma_wait3A_57 = tpu.memref_slice %arg6[%dma_wait3A_55, %dma_wait3A_56] : memref<128x128xf32, #tpu.memory_space<vmem>> -> memref<80x128xf32, #tpu.memory_space<vmem>>
      tpu.wait_dma2 semaphore(%run_scoped3A : memref<!tpu.dma_semaphore, #tpu.memory_space<semaphore_mem>>) src(%dma_wait3A_57 : memref<80x128xf32, #tpu.memory_space<vmem>>) dst(%dma_wait3A_54 : memref<80x128xf32, #tpu.memory_space<vmem_shared>>)
      tpu.yield
    }) : () -> ()
    %add3A_25 = arith.constant 320 : i32
    %add3A_26 = arith.addi %mul3A_2, %add3A_25 : i32
    "tpu.region"() ({
      %run_scoped3A = tpu.sem_alloc : memref<!tpu.dma_semaphore, #tpu.memory_space<semaphore_mem>>
      %dma_start3A = arith.constant 0 : i32
      %dma_start3A_40 = arith.constant 0 : i32
      %dma_start3A_41 = tpu.memref_slice %arg6[%dma_start3A, %dma_start3A_40] : memref<128x128xf32, #tpu.memory_space<vmem>> -> memref<80x128xf32, #tpu.memory_space<vmem>>
      %dma_start3A_42 = arith.constant 0 : i32
      %dma_start3A_43 = tpu.memref_slice %arg7[%add3A_26, %dma_start3A_42] : memref<10240x128xf32, #tpu.memory_space<vmem_shared>> -> memref<80x128xf32, #tpu.memory_space<vmem_shared>>
      %dma_start3A_44 = arith.constant 0 : i32
      %dma_start3A_45 = tpu.memref_slice %arg7[%add3A_26, %dma_start3A_44] : memref<10240x128xf32, #tpu.memory_space<vmem_shared>> -> memref<80x128xf32, #tpu.memory_space<vmem_shared>>
      %dma_start3A_46 = arith.constant 0 : i32
      %dma_start3A_47 = arith.constant 0 : i32
      %dma_start3A_48 = tpu.memref_slice %arg6[%dma_start3A_46, %dma_start3A_47] : memref<128x128xf32, #tpu.memory_space<vmem>> -> memref<80x128xf32, #tpu.memory_space<vmem>>
      tpu.enqueue_dma source(%dma_start3A_48 : memref<80x128xf32, #tpu.memory_space<vmem>>) target(%dma_start3A_45 : memref<80x128xf32, #tpu.memory_space<vmem_shared>>) target_semaphore(%run_scoped3A : memref<!tpu.dma_semaphore, #tpu.memory_space<semaphore_mem>>)
      %dma_wait3A = arith.constant 0 : i32
      %dma_wait3A_49 = arith.constant 0 : i32
      %dma_wait3A_50 = tpu.memref_slice %arg6[%dma_wait3A, %dma_wait3A_49] : memref<128x128xf32, #tpu.memory_space<vmem>> -> memref<80x128xf32, #tpu.memory_space<vmem>>
      %dma_wait3A_51 = arith.constant 0 : i32
      %dma_wait3A_52 = tpu.memref_slice %arg7[%add3A_26, %dma_wait3A_51] : memref<10240x128xf32, #tpu.memory_space<vmem_shared>> -> memref<80x128xf32, #tpu.memory_space<vmem_shared>>
      %dma_wait3A_53 = arith.constant 0 : i32
      %dma_wait3A_54 = tpu.memref_slice %arg7[%add3A_26, %dma_wait3A_53] : memref<10240x128xf32, #tpu.memory_space<vmem_shared>> -> memref<80x128xf32, #tpu.memory_space<vmem_shared>>
      %dma_wait3A_55 = arith.constant 0 : i32
      %dma_wait3A_56 = arith.constant 0 : i32
      %dma_wait3A_57 = tpu.memref_slice %arg6[%dma_wait3A_55, %dma_wait3A_56] : memref<128x128xf32, #tpu.memory_space<vmem>> -> memref<80x128xf32, #tpu.memory_space<vmem>>
      tpu.wait_dma2 semaphore(%run_scoped3A : memref<!tpu.dma_semaphore, #tpu.memory_space<semaphore_mem>>) src(%dma_wait3A_57 : memref<80x128xf32, #tpu.memory_space<vmem>>) dst(%dma_wait3A_54 : memref<80x128xf32, #tpu.memory_space<vmem_shared>>)
      tpu.yield
    }) : () -> ()
    %add3A_27 = arith.constant 400 : i32
    %add3A_28 = arith.addi %mul3A_2, %add3A_27 : i32
    "tpu.region"() ({
      %run_scoped3A = tpu.sem_alloc : memref<!tpu.dma_semaphore, #tpu.memory_space<semaphore_mem>>
      %dma_start3A = arith.constant 0 : i32
      %dma_start3A_40 = arith.constant 0 : i32
      %dma_start3A_41 = tpu.memref_slice %arg6[%dma_start3A, %dma_start3A_40] : memref<128x128xf32, #tpu.memory_space<vmem>> -> memref<80x128xf32, #tpu.memory_space<vmem>>
      %dma_start3A_42 = arith.constant 0 : i32
      %dma_start3A_43 = tpu.memref_slice %arg7[%add3A_28, %dma_start3A_42] : memref<10240x128xf32, #tpu.memory_space<vmem_shared>> -> memref<80x128xf32, #tpu.memory_space<vmem_shared>>
      %dma_start3A_44 = arith.constant 0 : i32
      %dma_start3A_45 = tpu.memref_slice %arg7[%add3A_28, %dma_start3A_44] : memref<10240x128xf32, #tpu.memory_space<vmem_shared>> -> memref<80x128xf32, #tpu.memory_space<vmem_shared>>
      %dma_start3A_46 = arith.constant 0 : i32
      %dma_start3A_47 = arith.constant 0 : i32
      %dma_start3A_48 = tpu.memref_slice %arg6[%dma_start3A_46, %dma_start3A_47] : memref<128x128xf32, #tpu.memory_space<vmem>> -> memref<80x128xf32, #tpu.memory_space<vmem>>
      tpu.enqueue_dma source(%dma_start3A_48 : memref<80x128xf32, #tpu.memory_space<vmem>>) target(%dma_start3A_45 : memref<80x128xf32, #tpu.memory_space<vmem_shared>>) target_semaphore(%run_scoped3A : memref<!tpu.dma_semaphore, #tpu.memory_space<semaphore_mem>>)
      %dma_wait3A = arith.constant 0 : i32
      %dma_wait3A_49 = arith.constant 0 : i32
      %dma_wait3A_50 = tpu.memref_slice %arg6[%dma_wait3A, %dma_wait3A_49] : memref<128x128xf32, #tpu.memory_space<vmem>> -> memref<80x128xf32, #tpu.memory_space<vmem>>
      %dma_wait3A_51 = arith.constant 0 : i32
      %dma_wait3A_52 = tpu.memref_slice %arg7[%add3A_28, %dma_wait3A_51] : memref<10240x128xf32, #tpu.memory_space<vmem_shared>> -> memref<80x128xf32, #tpu.memory_space<vmem_shared>>
      %dma_wait3A_53 = arith.constant 0 : i32
      %dma_wait3A_54 = tpu.memref_slice %arg7[%add3A_28, %dma_wait3A_53] : memref<10240x128xf32, #tpu.memory_space<vmem_shared>> -> memref<80x128xf32, #tpu.memory_space<vmem_shared>>
      %dma_wait3A_55 = arith.constant 0 : i32
      %dma_wait3A_56 = arith.constant 0 : i32
      %dma_wait3A_57 = tpu.memref_slice %arg6[%dma_wait3A_55, %dma_wait3A_56] : memref<128x128xf32, #tpu.memory_space<vmem>> -> memref<80x128xf32, #tpu.memory_space<vmem>>
      tpu.wait_dma2 semaphore(%run_scoped3A : memref<!tpu.dma_semaphore, #tpu.memory_space<semaphore_mem>>) src(%dma_wait3A_57 : memref<80x128xf32, #tpu.memory_space<vmem>>) dst(%dma_wait3A_54 : memref<80x128xf32, #tpu.memory_space<vmem_shared>>)
      tpu.yield
    }) : () -> ()
    %add3A_29 = arith.constant 480 : i32
    %add3A_30 = arith.addi %mul3A_2, %add3A_29 : i32
    "tpu.region"() ({
      %run_scoped3A = tpu.sem_alloc : memref<!tpu.dma_semaphore, #tpu.memory_space<semaphore_mem>>
      %dma_start3A = arith.constant 0 : i32
      %dma_start3A_40 = arith.constant 0 : i32
      %dma_start3A_41 = tpu.memref_slice %arg6[%dma_start3A, %dma_start3A_40] : memref<128x128xf32, #tpu.memory_space<vmem>> -> memref<80x128xf32, #tpu.memory_space<vmem>>
      %dma_start3A_42 = arith.constant 0 : i32
      %dma_start3A_43 = tpu.memref_slice %arg7[%add3A_30, %dma_start3A_42] : memref<10240x128xf32, #tpu.memory_space<vmem_shared>> -> memref<80x128xf32, #tpu.memory_space<vmem_shared>>
      %dma_start3A_44 = arith.constant 0 : i32
      %dma_start3A_45 = tpu.memref_slice %arg7[%add3A_30, %dma_start3A_44] : memref<10240x128xf32, #tpu.memory_space<vmem_shared>> -> memref<80x128xf32, #tpu.memory_space<vmem_shared>>
      %dma_start3A_46 = arith.constant 0 : i32
      %dma_start3A_47 = arith.constant 0 : i32
      %dma_start3A_48 = tpu.memref_slice %arg6[%dma_start3A_46, %dma_start3A_47] : memref<128x128xf32, #tpu.memory_space<vmem>> -> memref<80x128xf32, #tpu.memory_space<vmem>>
      tpu.enqueue_dma source(%dma_start3A_48 : memref<80x128xf32, #tpu.memory_space<vmem>>) target(%dma_start3A_45 : memref<80x128xf32, #tpu.memory_space<vmem_shared>>) target_semaphore(%run_scoped3A : memref<!tpu.dma_semaphore, #tpu.memory_space<semaphore_mem>>)
      %dma_wait3A = arith.constant 0 : i32
      %dma_wait3A_49 = arith.constant 0 : i32
      %dma_wait3A_50 = tpu.memref_slice %arg6[%dma_wait3A, %dma_wait3A_49] : memref<128x128xf32, #tpu.memory_space<vmem>> -> memref<80x128xf32, #tpu.memory_space<vmem>>
      %dma_wait3A_51 = arith.constant 0 : i32
      %dma_wait3A_52 = tpu.memref_slice %arg7[%add3A_30, %dma_wait3A_51] : memref<10240x128xf32, #tpu.memory_space<vmem_shared>> -> memref<80x128xf32, #tpu.memory_space<vmem_shared>>
      %dma_wait3A_53 = arith.constant 0 : i32
      %dma_wait3A_54 = tpu.memref_slice %arg7[%add3A_30, %dma_wait3A_53] : memref<10240x128xf32, #tpu.memory_space<vmem_shared>> -> memref<80x128xf32, #tpu.memory_space<vmem_shared>>
      %dma_wait3A_55 = arith.constant 0 : i32
      %dma_wait3A_56 = arith.constant 0 : i32
      %dma_wait3A_57 = tpu.memref_slice %arg6[%dma_wait3A_55, %dma_wait3A_56] : memref<128x128xf32, #tpu.memory_space<vmem>> -> memref<80x128xf32, #tpu.memory_space<vmem>>
      tpu.wait_dma2 semaphore(%run_scoped3A : memref<!tpu.dma_semaphore, #tpu.memory_space<semaphore_mem>>) src(%dma_wait3A_57 : memref<80x128xf32, #tpu.memory_space<vmem>>) dst(%dma_wait3A_54 : memref<80x128xf32, #tpu.memory_space<vmem_shared>>)
      tpu.yield
    }) : () -> ()
    %add3A_31 = arith.constant 560 : i32
    %add3A_32 = arith.addi %mul3A_2, %add3A_31 : i32
    "tpu.region"() ({
      %run_scoped3A = tpu.sem_alloc : memref<!tpu.dma_semaphore, #tpu.memory_space<semaphore_mem>>
      %dma_start3A = arith.constant 0 : i32
      %dma_start3A_40 = arith.constant 0 : i32
      %dma_start3A_41 = tpu.memref_slice %arg6[%dma_start3A, %dma_start3A_40] : memref<128x128xf32, #tpu.memory_space<vmem>> -> memref<80x128xf32, #tpu.memory_space<vmem>>
      %dma_start3A_42 = arith.constant 0 : i32
      %dma_start3A_43 = tpu.memref_slice %arg7[%add3A_32, %dma_start3A_42] : memref<10240x128xf32, #tpu.memory_space<vmem_shared>> -> memref<80x128xf32, #tpu.memory_space<vmem_shared>>
      %dma_start3A_44 = arith.constant 0 : i32
      %dma_start3A_45 = tpu.memref_slice %arg7[%add3A_32, %dma_start3A_44] : memref<10240x128xf32, #tpu.memory_space<vmem_shared>> -> memref<80x128xf32, #tpu.memory_space<vmem_shared>>
      %dma_start3A_46 = arith.constant 0 : i32
      %dma_start3A_47 = arith.constant 0 : i32
      %dma_start3A_48 = tpu.memref_slice %arg6[%dma_start3A_46, %dma_start3A_47] : memref<128x128xf32, #tpu.memory_space<vmem>> -> memref<80x128xf32, #tpu.memory_space<vmem>>
      tpu.enqueue_dma source(%dma_start3A_48 : memref<80x128xf32, #tpu.memory_space<vmem>>) target(%dma_start3A_45 : memref<80x128xf32, #tpu.memory_space<vmem_shared>>) target_semaphore(%run_scoped3A : memref<!tpu.dma_semaphore, #tpu.memory_space<semaphore_mem>>)
      %dma_wait3A = arith.constant 0 : i32
      %dma_wait3A_49 = arith.constant 0 : i32
      %dma_wait3A_50 = tpu.memref_slice %arg6[%dma_wait3A, %dma_wait3A_49] : memref<128x128xf32, #tpu.memory_space<vmem>> -> memref<80x128xf32, #tpu.memory_space<vmem>>
      %dma_wait3A_51 = arith.constant 0 : i32
      %dma_wait3A_52 = tpu.memref_slice %arg7[%add3A_32, %dma_wait3A_51] : memref<10240x128xf32, #tpu.memory_space<vmem_shared>> -> memref<80x128xf32, #tpu.memory_space<vmem_shared>>
      %dma_wait3A_53 = arith.constant 0 : i32
      %dma_wait3A_54 = tpu.memref_slice %arg7[%add3A_32, %dma_wait3A_53] : memref<10240x128xf32, #tpu.memory_space<vmem_shared>> -> memref<80x128xf32, #tpu.memory_space<vmem_shared>>
      %dma_wait3A_55 = arith.constant 0 : i32
      %dma_wait3A_56 = arith.constant 0 : i32
      %dma_wait3A_57 = tpu.memref_slice %arg6[%dma_wait3A_55, %dma_wait3A_56] : memref<128x128xf32, #tpu.memory_space<vmem>> -> memref<80x128xf32, #tpu.memory_space<vmem>>
      tpu.wait_dma2 semaphore(%run_scoped3A : memref<!tpu.dma_semaphore, #tpu.memory_space<semaphore_mem>>) src(%dma_wait3A_57 : memref<80x128xf32, #tpu.memory_space<vmem>>) dst(%dma_wait3A_54 : memref<80x128xf32, #tpu.memory_space<vmem_shared>>)
      tpu.yield
    }) : () -> ()
    "tpu.region"() ({
      %run_scoped3A = tpu.sem_alloc : memref<!tpu.dma_semaphore, #tpu.memory_space<semaphore_mem>>
      %dma_start3A = arith.constant 0 : i32
      %dma_start3A_40 = arith.constant 0 : i32
      %dma_start3A_41 = tpu.memref_slice %arg2[%add3A, %dma_start3A, %dma_start3A_40] : memref<32x80x128xi32, #tpu.memory_space<hbm>> -> memref<1x80x128xi32, #tpu.memory_space<hbm>>
      %dma_start3A_42 = tpu.memref_squeeze %dma_start3A_41 : memref<1x80x128xi32, #tpu.memory_space<hbm>> -> memref<80x128xi32, #tpu.memory_space<hbm>>
      %dma_start3A_43 = arith.constant 0 : i32
      %dma_start3A_44 = arith.constant 0 : i32
      %dma_start3A_45 = tpu.memref_slice %arg2[%add3A, %dma_start3A_43, %dma_start3A_44] : memref<32x80x128xi32, #tpu.memory_space<hbm>> -> memref<1x80x128xi32, #tpu.memory_space<hbm>>
      %dma_start3A_46 = tpu.memref_squeeze %dma_start3A_45 : memref<1x80x128xi32, #tpu.memory_space<hbm>> -> memref<80x128xi32, #tpu.memory_space<hbm>>
      tpu.enqueue_dma source(%dma_start3A_46 : memref<80x128xi32, #tpu.memory_space<hbm>>) target(%arg4 : memref<80x128xi32, #tpu.memory_space<vmem>>) target_semaphore(%run_scoped3A : memref<!tpu.dma_semaphore, #tpu.memory_space<semaphore_mem>>)
      %dma_wait3A = arith.constant 0 : i32
      %dma_wait3A_47 = arith.constant 0 : i32
      %dma_wait3A_48 = tpu.memref_slice %arg2[%add3A, %dma_wait3A, %dma_wait3A_47] : memref<32x80x128xi32, #tpu.memory_space<hbm>> -> memref<1x80x128xi32, #tpu.memory_space<hbm>>
      %dma_wait3A_49 = tpu.memref_squeeze %dma_wait3A_48 : memref<1x80x128xi32, #tpu.memory_space<hbm>> -> memref<80x128xi32, #tpu.memory_space<hbm>>
      %dma_wait3A_50 = arith.constant 0 : i32
      %dma_wait3A_51 = arith.constant 0 : i32
      %dma_wait3A_52 = tpu.memref_slice %arg2[%add3A, %dma_wait3A_50, %dma_wait3A_51] : memref<32x80x128xi32, #tpu.memory_space<hbm>> -> memref<1x80x128xi32, #tpu.memory_space<hbm>>
      %dma_wait3A_53 = tpu.memref_squeeze %dma_wait3A_52 : memref<1x80x128xi32, #tpu.memory_space<hbm>> -> memref<80x128xi32, #tpu.memory_space<hbm>>
      tpu.wait_dma2 semaphore(%run_scoped3A : memref<!tpu.dma_semaphore, #tpu.memory_space<semaphore_mem>>) src(%dma_wait3A_53 : memref<80x128xi32, #tpu.memory_space<hbm>>) dst(%arg4 : memref<80x128xi32, #tpu.memory_space<vmem>>)
      tpu.yield
    }) : () -> ()
    %barrier3A = arith.constant 0 : index
    tpu.barrier barrier_id(%barrier3A)
    %scan3A_33 = arith.constant 0 : i32
    %scan3A_34 = arith.constant 0 : i32
    %scan3A_35 = arith.constant 10 : i32
    %scan3A_36 = arith.addi %scan3A_34, %scan3A_35 : i32
    %scan3A_37 = arith.constant 1 : i32
    scf.for %scan3A_40 = %scan3A_34 to %scan3A_36 step %scan3A_37  : i32 {
      %mul3A_41 = arith.constant 8 : i32
      %mul3A_42 = arith.muli %scan3A_40, %mul3A_41 : i32
      %add3A_43 = arith.constant 0 : i32
      %add3A_44 = arith.addi %mul3A_42, %add3A_43 : i32
      %dma_start3A = arith.constant 0 : i32
      %dma_start3A_45 = tpu.memref_slice %arg4[%add3A_44, %dma_start3A] : memref<80x128xi32, #tpu.memory_space<vmem>> -> memref<1x128xi32, #tpu.memory_space<vmem>>
      %dma_start3A_46 = tpu.memref_squeeze %dma_start3A_45 : memref<1x128xi32, #tpu.memory_space<vmem>> -> memref<128xi32, #tpu.memory_space<vmem>>
      %dma_start3A_47 = arith.constant 0 : i32
      %dma_start3A_48 = arith.constant 0 : i32
      %dma_start3A_49 = tpu.memref_slice %arg7[%dma_start3A_47, %dma_start3A_48] : memref<10240x128xf32, #tpu.memory_space<vmem_shared>> -> memref<10240x128xf32, #tpu.memory_space<vmem_shared>>
      tpu.enqueue_indirect_dma source(%arg5 : memref<128x128xf32, #tpu.memory_space<vmem>>) target(%dma_start3A_49 : memref<10240x128xf32, #tpu.memory_space<vmem_shared>>) offsets(%dma_start3A_46 : memref<128xi32, #tpu.memory_space<vmem>>) semaphore(%arg8 : memref<!tpu.dma_semaphore, #tpu.memory_space<semaphore_mem>>) {add = true}
      %mul3A_50 = arith.constant 8 : i32
      %mul3A_51 = arith.muli %scan3A_40, %mul3A_50 : i32
      %add3A_52 = arith.constant 1 : i32
      %add3A_53 = arith.addi %mul3A_51, %add3A_52 : i32
      %dma_start3A_54 = arith.constant 0 : i32
      %dma_start3A_55 = tpu.memref_slice %arg4[%add3A_53, %dma_start3A_54] : memref<80x128xi32, #tpu.memory_space<vmem>> -> memref<1x128xi32, #tpu.memory_space<vmem>>
      %dma_start3A_56 = tpu.memref_squeeze %dma_start3A_55 : memref<1x128xi32, #tpu.memory_space<vmem>> -> memref<128xi32, #tpu.memory_space<vmem>>
      %dma_start3A_57 = arith.constant 0 : i32
      %dma_start3A_58 = arith.constant 0 : i32
      %dma_start3A_59 = tpu.memref_slice %arg7[%dma_start3A_57, %dma_start3A_58] : memref<10240x128xf32, #tpu.memory_space<vmem_shared>> -> memref<10240x128xf32, #tpu.memory_space<vmem_shared>>
      tpu.enqueue_indirect_dma source(%arg5 : memref<128x128xf32, #tpu.memory_space<vmem>>) target(%dma_start3A_59 : memref<10240x128xf32, #tpu.memory_space<vmem_shared>>) offsets(%dma_start3A_56 : memref<128xi32, #tpu.memory_space<vmem>>) semaphore(%arg8 : memref<!tpu.dma_semaphore, #tpu.memory_space<semaphore_mem>>) {add = true}
      %mul3A_60 = arith.constant 8 : i32
      %mul3A_61 = arith.muli %scan3A_40, %mul3A_60 : i32
      %add3A_62 = arith.constant 2 : i32
      %add3A_63 = arith.addi %mul3A_61, %add3A_62 : i32
      %dma_start3A_64 = arith.constant 0 : i32
      %dma_start3A_65 = tpu.memref_slice %arg4[%add3A_63, %dma_start3A_64] : memref<80x128xi32, #tpu.memory_space<vmem>> -> memref<1x128xi32, #tpu.memory_space<vmem>>
      %dma_start3A_66 = tpu.memref_squeeze %dma_start3A_65 : memref<1x128xi32, #tpu.memory_space<vmem>> -> memref<128xi32, #tpu.memory_space<vmem>>
      %dma_start3A_67 = arith.constant 0 : i32
      %dma_start3A_68 = arith.constant 0 : i32
      %dma_start3A_69 = tpu.memref_slice %arg7[%dma_start3A_67, %dma_start3A_68] : memref<10240x128xf32, #tpu.memory_space<vmem_shared>> -> memref<10240x128xf32, #tpu.memory_space<vmem_shared>>
      tpu.enqueue_indirect_dma source(%arg5 : memref<128x128xf32, #tpu.memory_space<vmem>>) target(%dma_start3A_69 : memref<10240x128xf32, #tpu.memory_space<vmem_shared>>) offsets(%dma_start3A_66 : memref<128xi32, #tpu.memory_space<vmem>>) semaphore(%arg8 : memref<!tpu.dma_semaphore, #tpu.memory_space<semaphore_mem>>) {add = true}
      %mul3A_70 = arith.constant 8 : i32
      %mul3A_71 = arith.muli %scan3A_40, %mul3A_70 : i32
      %add3A_72 = arith.constant 3 : i32
      %add3A_73 = arith.addi %mul3A_71, %add3A_72 : i32
      %dma_start3A_74 = arith.constant 0 : i32
      %dma_start3A_75 = tpu.memref_slice %arg4[%add3A_73, %dma_start3A_74] : memref<80x128xi32, #tpu.memory_space<vmem>> -> memref<1x128xi32, #tpu.memory_space<vmem>>
      %dma_start3A_76 = tpu.memref_squeeze %dma_start3A_75 : memref<1x128xi32, #tpu.memory_space<vmem>> -> memref<128xi32, #tpu.memory_space<vmem>>
      %dma_start3A_77 = arith.constant 0 : i32
      %dma_start3A_78 = arith.constant 0 : i32
      %dma_start3A_79 = tpu.memref_slice %arg7[%dma_start3A_77, %dma_start3A_78] : memref<10240x128xf32, #tpu.memory_space<vmem_shared>> -> memref<10240x128xf32, #tpu.memory_space<vmem_shared>>
      tpu.enqueue_indirect_dma source(%arg5 : memref<128x128xf32, #tpu.memory_space<vmem>>) target(%dma_start3A_79 : memref<10240x128xf32, #tpu.memory_space<vmem_shared>>) offsets(%dma_start3A_76 : memref<128xi32, #tpu.memory_space<vmem>>) semaphore(%arg8 : memref<!tpu.dma_semaphore, #tpu.memory_space<semaphore_mem>>) {add = true}
      %mul3A_80 = arith.constant 8 : i32
      %mul3A_81 = arith.muli %scan3A_40, %mul3A_80 : i32
      %add3A_82 = arith.constant 4 : i32
      %add3A_83 = arith.addi %mul3A_81, %add3A_82 : i32
      %dma_start3A_84 = arith.constant 0 : i32
      %dma_start3A_85 = tpu.memref_slice %arg4[%add3A_83, %dma_start3A_84] : memref<80x128xi32, #tpu.memory_space<vmem>> -> memref<1x128xi32, #tpu.memory_space<vmem>>
      %dma_start3A_86 = tpu.memref_squeeze %dma_start3A_85 : memref<1x128xi32, #tpu.memory_space<vmem>> -> memref<128xi32, #tpu.memory_space<vmem>>
      %dma_start3A_87 = arith.constant 0 : i32
      %dma_start3A_88 = arith.constant 0 : i32
      %dma_start3A_89 = tpu.memref_slice %arg7[%dma_start3A_87, %dma_start3A_88] : memref<10240x128xf32, #tpu.memory_space<vmem_shared>> -> memref<10240x128xf32, #tpu.memory_space<vmem_shared>>
      tpu.enqueue_indirect_dma source(%arg5 : memref<128x128xf32, #tpu.memory_space<vmem>>) target(%dma_start3A_89 : memref<10240x128xf32, #tpu.memory_space<vmem_shared>>) offsets(%dma_start3A_86 : memref<128xi32, #tpu.memory_space<vmem>>) semaphore(%arg8 : memref<!tpu.dma_semaphore, #tpu.memory_space<semaphore_mem>>) {add = true}
      %mul3A_90 = arith.constant 8 : i32
      %mul3A_91 = arith.muli %scan3A_40, %mul3A_90 : i32
      %add3A_92 = arith.constant 5 : i32
      %add3A_93 = arith.addi %mul3A_91, %add3A_92 : i32
      %dma_start3A_94 = arith.constant 0 : i32
      %dma_start3A_95 = tpu.memref_slice %arg4[%add3A_93, %dma_start3A_94] : memref<80x128xi32, #tpu.memory_space<vmem>> -> memref<1x128xi32, #tpu.memory_space<vmem>>
      %dma_start3A_96 = tpu.memref_squeeze %dma_start3A_95 : memref<1x128xi32, #tpu.memory_space<vmem>> -> memref<128xi32, #tpu.memory_space<vmem>>
      %dma_start3A_97 = arith.constant 0 : i32
      %dma_start3A_98 = arith.constant 0 : i32
      %dma_start3A_99 = tpu.memref_slice %arg7[%dma_start3A_97, %dma_start3A_98] : memref<10240x128xf32, #tpu.memory_space<vmem_shared>> -> memref<10240x128xf32, #tpu.memory_space<vmem_shared>>
      tpu.enqueue_indirect_dma source(%arg5 : memref<128x128xf32, #tpu.memory_space<vmem>>) target(%dma_start3A_99 : memref<10240x128xf32, #tpu.memory_space<vmem_shared>>) offsets(%dma_start3A_96 : memref<128xi32, #tpu.memory_space<vmem>>) semaphore(%arg8 : memref<!tpu.dma_semaphore, #tpu.memory_space<semaphore_mem>>) {add = true}
      %mul3A_100 = arith.constant 8 : i32
      %mul3A_101 = arith.muli %scan3A_40, %mul3A_100 : i32
      %add3A_102 = arith.constant 6 : i32
      %add3A_103 = arith.addi %mul3A_101, %add3A_102 : i32
      %dma_start3A_104 = arith.constant 0 : i32
      %dma_start3A_105 = tpu.memref_slice %arg4[%add3A_103, %dma_start3A_104] : memref<80x128xi32, #tpu.memory_space<vmem>> -> memref<1x128xi32, #tpu.memory_space<vmem>>
      %dma_start3A_106 = tpu.memref_squeeze %dma_start3A_105 : memref<1x128xi32, #tpu.memory_space<vmem>> -> memref<128xi32, #tpu.memory_space<vmem>>
      %dma_start3A_107 = arith.constant 0 : i32
      %dma_start3A_108 = arith.constant 0 : i32
      %dma_start3A_109 = tpu.memref_slice %arg7[%dma_start3A_107, %dma_start3A_108] : memref<10240x128xf32, #tpu.memory_space<vmem_shared>> -> memref<10240x128xf32, #tpu.memory_space<vmem_shared>>
      tpu.enqueue_indirect_dma source(%arg5 : memref<128x128xf32, #tpu.memory_space<vmem>>) target(%dma_start3A_109 : memref<10240x128xf32, #tpu.memory_space<vmem_shared>>) offsets(%dma_start3A_106 : memref<128xi32, #tpu.memory_space<vmem>>) semaphore(%arg8 : memref<!tpu.dma_semaphore, #tpu.memory_space<semaphore_mem>>) {add = true}
      %mul3A_110 = arith.constant 8 : i32
      %mul3A_111 = arith.muli %scan3A_40, %mul3A_110 : i32
      %add3A_112 = arith.constant 7 : i32
      %add3A_113 = arith.addi %mul3A_111, %add3A_112 : i32
      %dma_start3A_114 = arith.constant 0 : i32
      %dma_start3A_115 = tpu.memref_slice %arg4[%add3A_113, %dma_start3A_114] : memref<80x128xi32, #tpu.memory_space<vmem>> -> memref<1x128xi32, #tpu.memory_space<vmem>>
      %dma_start3A_116 = tpu.memref_squeeze %dma_start3A_115 : memref<1x128xi32, #tpu.memory_space<vmem>> -> memref<128xi32, #tpu.memory_space<vmem>>
      %dma_start3A_117 = arith.constant 0 : i32
      %dma_start3A_118 = arith.constant 0 : i32
      %dma_start3A_119 = tpu.memref_slice %arg7[%dma_start3A_117, %dma_start3A_118] : memref<10240x128xf32, #tpu.memory_space<vmem_shared>> -> memref<10240x128xf32, #tpu.memory_space<vmem_shared>>
      tpu.enqueue_indirect_dma source(%arg5 : memref<128x128xf32, #tpu.memory_space<vmem>>) target(%dma_start3A_119 : memref<10240x128xf32, #tpu.memory_space<vmem_shared>>) offsets(%dma_start3A_116 : memref<128xi32, #tpu.memory_space<vmem>>) semaphore(%arg8 : memref<!tpu.dma_semaphore, #tpu.memory_space<semaphore_mem>>) {add = true}
      %mul3A_120 = arith.constant 8 : i32
      %mul3A_121 = arith.muli %scan3A_40, %mul3A_120 : i32
      %add3A_122 = arith.constant 0 : i32
      %add3A_123 = arith.addi %mul3A_121, %add3A_122 : i32
      %dma_wait3A = arith.constant 0 : i32
      %dma_wait3A_124 = tpu.memref_slice %arg4[%add3A_123, %dma_wait3A] : memref<80x128xi32, #tpu.memory_space<vmem>> -> memref<1x128xi32, #tpu.memory_space<vmem>>
      %dma_wait3A_125 = tpu.memref_squeeze %dma_wait3A_124 : memref<1x128xi32, #tpu.memory_space<vmem>> -> memref<128xi32, #tpu.memory_space<vmem>>
      %dma_wait3A_126 = arith.constant 0 : i32
      %dma_wait3A_127 = arith.constant 0 : i32
      %dma_wait3A_128 = tpu.memref_slice %arg7[%dma_wait3A_126, %dma_wait3A_127] : memref<10240x128xf32, #tpu.memory_space<vmem_shared>> -> memref<10240x128xf32, #tpu.memory_space<vmem_shared>>
      tpu.wait_indirect_dma semaphore(%arg8 : memref<!tpu.dma_semaphore, #tpu.memory_space<semaphore_mem>>) src(%arg5 : memref<128x128xf32, #tpu.memory_space<vmem>>) dst(%dma_wait3A_128 : memref<10240x128xf32, #tpu.memory_space<vmem_shared>>)
      %mul3A_129 = arith.constant 8 : i32
      %mul3A_130 = arith.muli %scan3A_40, %mul3A_129 : i32
      %add3A_131 = arith.constant 1 : i32
      %add3A_132 = arith.addi %mul3A_130, %add3A_131 : i32
      %dma_wait3A_133 = arith.constant 0 : i32
      %dma_wait3A_134 = tpu.memref_slice %arg4[%add3A_132, %dma_wait3A_133] : memref<80x128xi32, #tpu.memory_space<vmem>> -> memref<1x128xi32, #tpu.memory_space<vmem>>
      %dma_wait3A_135 = tpu.memref_squeeze %dma_wait3A_134 : memref<1x128xi32, #tpu.memory_space<vmem>> -> memref<128xi32, #tpu.memory_space<vmem>>
      %dma_wait3A_136 = arith.constant 0 : i32
      %dma_wait3A_137 = arith.constant 0 : i32
      %dma_wait3A_138 = tpu.memref_slice %arg7[%dma_wait3A_136, %dma_wait3A_137] : memref<10240x128xf32, #tpu.memory_space<vmem_shared>> -> memref<10240x128xf32, #tpu.memory_space<vmem_shared>>
      tpu.wait_indirect_dma semaphore(%arg8 : memref<!tpu.dma_semaphore, #tpu.memory_space<semaphore_mem>>) src(%arg5 : memref<128x128xf32, #tpu.memory_space<vmem>>) dst(%dma_wait3A_138 : memref<10240x128xf32, #tpu.memory_space<vmem_shared>>)
      %mul3A_139 = arith.constant 8 : i32
      %mul3A_140 = arith.muli %scan3A_40, %mul3A_139 : i32
      %add3A_141 = arith.constant 2 : i32
      %add3A_142 = arith.addi %mul3A_140, %add3A_141 : i32
      %dma_wait3A_143 = arith.constant 0 : i32
      %dma_wait3A_144 = tpu.memref_slice %arg4[%add3A_142, %dma_wait3A_143] : memref<80x128xi32, #tpu.memory_space<vmem>> -> memref<1x128xi32, #tpu.memory_space<vmem>>
      %dma_wait3A_145 = tpu.memref_squeeze %dma_wait3A_144 : memref<1x128xi32, #tpu.memory_space<vmem>> -> memref<128xi32, #tpu.memory_space<vmem>>
      %dma_wait3A_146 = arith.constant 0 : i32
      %dma_wait3A_147 = arith.constant 0 : i32
      %dma_wait3A_148 = tpu.memref_slice %arg7[%dma_wait3A_146, %dma_wait3A_147] : memref<10240x128xf32, #tpu.memory_space<vmem_shared>> -> memref<10240x128xf32, #tpu.memory_space<vmem_shared>>
      tpu.wait_indirect_dma semaphore(%arg8 : memref<!tpu.dma_semaphore, #tpu.memory_space<semaphore_mem>>) src(%arg5 : memref<128x128xf32, #tpu.memory_space<vmem>>) dst(%dma_wait3A_148 : memref<10240x128xf32, #tpu.memory_space<vmem_shared>>)
      %mul3A_149 = arith.constant 8 : i32
      %mul3A_150 = arith.muli %scan3A_40, %mul3A_149 : i32
      %add3A_151 = arith.constant 3 : i32
      %add3A_152 = arith.addi %mul3A_150, %add3A_151 : i32
      %dma_wait3A_153 = arith.constant 0 : i32
      %dma_wait3A_154 = tpu.memref_slice %arg4[%add3A_152, %dma_wait3A_153] : memref<80x128xi32, #tpu.memory_space<vmem>> -> memref<1x128xi32, #tpu.memory_space<vmem>>
      %dma_wait3A_155 = tpu.memref_squeeze %dma_wait3A_154 : memref<1x128xi32, #tpu.memory_space<vmem>> -> memref<128xi32, #tpu.memory_space<vmem>>
      %dma_wait3A_156 = arith.constant 0 : i32
      %dma_wait3A_157 = arith.constant 0 : i32
      %dma_wait3A_158 = tpu.memref_slice %arg7[%dma_wait3A_156, %dma_wait3A_157] : memref<10240x128xf32, #tpu.memory_space<vmem_shared>> -> memref<10240x128xf32, #tpu.memory_space<vmem_shared>>
      tpu.wait_indirect_dma semaphore(%arg8 : memref<!tpu.dma_semaphore, #tpu.memory_space<semaphore_mem>>) src(%arg5 : memref<128x128xf32, #tpu.memory_space<vmem>>) dst(%dma_wait3A_158 : memref<10240x128xf32, #tpu.memory_space<vmem_shared>>)
      %mul3A_159 = arith.constant 8 : i32
      %mul3A_160 = arith.muli %scan3A_40, %mul3A_159 : i32
      %add3A_161 = arith.constant 4 : i32
      %add3A_162 = arith.addi %mul3A_160, %add3A_161 : i32
      %dma_wait3A_163 = arith.constant 0 : i32
      %dma_wait3A_164 = tpu.memref_slice %arg4[%add3A_162, %dma_wait3A_163] : memref<80x128xi32, #tpu.memory_space<vmem>> -> memref<1x128xi32, #tpu.memory_space<vmem>>
      %dma_wait3A_165 = tpu.memref_squeeze %dma_wait3A_164 : memref<1x128xi32, #tpu.memory_space<vmem>> -> memref<128xi32, #tpu.memory_space<vmem>>
      %dma_wait3A_166 = arith.constant 0 : i32
      %dma_wait3A_167 = arith.constant 0 : i32
      %dma_wait3A_168 = tpu.memref_slice %arg7[%dma_wait3A_166, %dma_wait3A_167] : memref<10240x128xf32, #tpu.memory_space<vmem_shared>> -> memref<10240x128xf32, #tpu.memory_space<vmem_shared>>
      tpu.wait_indirect_dma semaphore(%arg8 : memref<!tpu.dma_semaphore, #tpu.memory_space<semaphore_mem>>) src(%arg5 : memref<128x128xf32, #tpu.memory_space<vmem>>) dst(%dma_wait3A_168 : memref<10240x128xf32, #tpu.memory_space<vmem_shared>>)
      %mul3A_169 = arith.constant 8 : i32
      %mul3A_170 = arith.muli %scan3A_40, %mul3A_169 : i32
      %add3A_171 = arith.constant 5 : i32
      %add3A_172 = arith.addi %mul3A_170, %add3A_171 : i32
      %dma_wait3A_173 = arith.constant 0 : i32
      %dma_wait3A_174 = tpu.memref_slice %arg4[%add3A_172, %dma_wait3A_173] : memref<80x128xi32, #tpu.memory_space<vmem>> -> memref<1x128xi32, #tpu.memory_space<vmem>>
      %dma_wait3A_175 = tpu.memref_squeeze %dma_wait3A_174 : memref<1x128xi32, #tpu.memory_space<vmem>> -> memref<128xi32, #tpu.memory_space<vmem>>
      %dma_wait3A_176 = arith.constant 0 : i32
      %dma_wait3A_177 = arith.constant 0 : i32
      %dma_wait3A_178 = tpu.memref_slice %arg7[%dma_wait3A_176, %dma_wait3A_177] : memref<10240x128xf32, #tpu.memory_space<vmem_shared>> -> memref<10240x128xf32, #tpu.memory_space<vmem_shared>>
      tpu.wait_indirect_dma semaphore(%arg8 : memref<!tpu.dma_semaphore, #tpu.memory_space<semaphore_mem>>) src(%arg5 : memref<128x128xf32, #tpu.memory_space<vmem>>) dst(%dma_wait3A_178 : memref<10240x128xf32, #tpu.memory_space<vmem_shared>>)
      %mul3A_179 = arith.constant 8 : i32
      %mul3A_180 = arith.muli %scan3A_40, %mul3A_179 : i32
      %add3A_181 = arith.constant 6 : i32
      %add3A_182 = arith.addi %mul3A_180, %add3A_181 : i32
      %dma_wait3A_183 = arith.constant 0 : i32
      %dma_wait3A_184 = tpu.memref_slice %arg4[%add3A_182, %dma_wait3A_183] : memref<80x128xi32, #tpu.memory_space<vmem>> -> memref<1x128xi32, #tpu.memory_space<vmem>>
      %dma_wait3A_185 = tpu.memref_squeeze %dma_wait3A_184 : memref<1x128xi32, #tpu.memory_space<vmem>> -> memref<128xi32, #tpu.memory_space<vmem>>
      %dma_wait3A_186 = arith.constant 0 : i32
      %dma_wait3A_187 = arith.constant 0 : i32
      %dma_wait3A_188 = tpu.memref_slice %arg7[%dma_wait3A_186, %dma_wait3A_187] : memref<10240x128xf32, #tpu.memory_space<vmem_shared>> -> memref<10240x128xf32, #tpu.memory_space<vmem_shared>>
      tpu.wait_indirect_dma semaphore(%arg8 : memref<!tpu.dma_semaphore, #tpu.memory_space<semaphore_mem>>) src(%arg5 : memref<128x128xf32, #tpu.memory_space<vmem>>) dst(%dma_wait3A_188 : memref<10240x128xf32, #tpu.memory_space<vmem_shared>>)
      %mul3A_189 = arith.constant 8 : i32
      %mul3A_190 = arith.muli %scan3A_40, %mul3A_189 : i32
      %add3A_191 = arith.constant 7 : i32
      %add3A_192 = arith.addi %mul3A_190, %add3A_191 : i32
      %dma_wait3A_193 = arith.constant 0 : i32
      %dma_wait3A_194 = tpu.memref_slice %arg4[%add3A_192, %dma_wait3A_193] : memref<80x128xi32, #tpu.memory_space<vmem>> -> memref<1x128xi32, #tpu.memory_space<vmem>>
      %dma_wait3A_195 = tpu.memref_squeeze %dma_wait3A_194 : memref<1x128xi32, #tpu.memory_space<vmem>> -> memref<128xi32, #tpu.memory_space<vmem>>
      %dma_wait3A_196 = arith.constant 0 : i32
      %dma_wait3A_197 = arith.constant 0 : i32
      %dma_wait3A_198 = tpu.memref_slice %arg7[%dma_wait3A_196, %dma_wait3A_197] : memref<10240x128xf32, #tpu.memory_space<vmem_shared>> -> memref<10240x128xf32, #tpu.memory_space<vmem_shared>>
      tpu.wait_indirect_dma semaphore(%arg8 : memref<!tpu.dma_semaphore, #tpu.memory_space<semaphore_mem>>) src(%arg5 : memref<128x128xf32, #tpu.memory_space<vmem>>) dst(%dma_wait3A_198 : memref<10240x128xf32, #tpu.memory_space<vmem_shared>>)
    }
    %scan3A_38 = arith.constant 10 : i32
    %barrier3A_39 = arith.constant 0 : index
    tpu.barrier barrier_id(%barrier3A_39)
    "tpu.region"() ({
      %run_scoped3A = tpu.sem_alloc : memref<!tpu.dma_semaphore, #tpu.memory_space<semaphore_mem>>
      %dma_start3A = arith.constant 0 : i32
      %dma_start3A_40 = tpu.memref_slice %arg3[%arg0, %mul3A_2, %dma_start3A] : memref<2x10240x128xf32, #tpu.memory_space<hbm>> -> memref<1x640x128xf32, #tpu.memory_space<hbm>>
      %dma_start3A_41 = tpu.memref_squeeze %dma_start3A_40 : memref<1x640x128xf32, #tpu.memory_space<hbm>> -> memref<640x128xf32, #tpu.memory_space<hbm>>
      %dma_start3A_42 = arith.constant 0 : i32
      %dma_start3A_43 = tpu.memref_slice %arg7[%mul3A_2, %dma_start3A_42] : memref<10240x128xf32, #tpu.memory_space<vmem_shared>> -> memref<640x128xf32, #tpu.memory_space<vmem_shared>>
      tpu.enqueue_dma source(%dma_start3A_43 : memref<640x128xf32, #tpu.memory_space<vmem_shared>>) target(%dma_start3A_41 : memref<640x128xf32, #tpu.memory_space<hbm>>) target_semaphore(%run_scoped3A : memref<!tpu.dma_semaphore, #tpu.memory_space<semaphore_mem>>)
      %dma_wait3A = arith.constant 0 : i32
      %dma_wait3A_44 = tpu.memref_slice %arg3[%arg0, %mul3A_2, %dma_wait3A] : memref<2x10240x128xf32, #tpu.memory_space<hbm>> -> memref<1x640x128xf32, #tpu.memory_space<hbm>>
      %dma_wait3A_45 = tpu.memref_squeeze %dma_wait3A_44 : memref<1x640x128xf32, #tpu.memory_space<hbm>> -> memref<640x128xf32, #tpu.memory_space<hbm>>
      %dma_wait3A_46 = arith.constant 0 : i32
      %dma_wait3A_47 = tpu.memref_slice %arg7[%mul3A_2, %dma_wait3A_46] : memref<10240x128xf32, #tpu.memory_space<vmem_shared>> -> memref<640x128xf32, #tpu.memory_space<vmem_shared>>
      tpu.wait_dma2 semaphore(%run_scoped3A : memref<!tpu.dma_semaphore, #tpu.memory_space<semaphore_mem>>) src(%dma_wait3A_47 : memref<640x128xf32, #tpu.memory_space<vmem_shared>>) dst(%dma_wait3A_45 : memref<640x128xf32, #tpu.memory_space<hbm>>)
      tpu.yield
    }) : () -> ()
    return
  }
}

#map = affine_map<(d0, d1) -> (0, 0)>
#map1 = affine_map<(d0, d1) -> (0, 0, 0)>
module attributes {stable_mosaic.version = 14 : i64} {
  func.func @_sc_agg_body(%arg0: i32, %arg1: i32, %arg2: memref<10240x128xf32, #tpu.memory_space<hbm>>, %arg3: memref<32x80x128xi32, #tpu.memory_space<hbm>>, %arg4: memref<32x80x128xi32, #tpu.memory_space<hbm>>, %arg5: memref<2x10240x128xf32, #tpu.memory_space<hbm>>, %arg6: memref<80x128xi32, #tpu.memory_space<vmem>>, %arg7: memref<80x128xi32, #tpu.memory_space<vmem>>, %arg8: memref<128x128xf32, #tpu.memory_space<vmem>>, %arg9: memref<!tpu.dma_semaphore, #tpu.memory_space<semaphore_mem>>, %arg10: memref<10240x128xf32, #tpu.memory_space<vmem_shared>>) attributes {dimension_semantics = [#tpu.dimension_semantics<core_parallel>, #tpu.dimension_semantics<subcore_parallel>], iteration_bounds = array<i64: 2, 16>, scalar_prefetch = 0 : i64, scratch_operands = 5 : i64, tpu.core_type = #tpu.core_type<sc_vector_subcore>, window_params = [{transform_indices = #map}, {transform_indices = #map1}, {transform_indices = #map1}, {transform_indices = #map1}]} {
    %mul3A = arith.constant 2 : i32
    %mul3A_0 = arith.muli %arg1, %mul3A : i32
    %add3A = arith.addi %mul3A_0, %arg0 : i32
    %mul3A_1 = arith.constant 640 : i32
    %mul3A_2 = arith.muli %arg1, %mul3A_1 : i32
    %broadcast_in_dim3A = arith.constant 0.000000e+00 : f32
    %broadcast_in_dim3A_3 = vector.broadcast %broadcast_in_dim3A : f32 to vector<16xf32>
    %scan3A = arith.constant 0 : i32
    %scan3A_4 = arith.constant 0 : i32
    %scan3A_5 = arith.constant 128 : i32
    %scan3A_6 = arith.addi %scan3A_4, %scan3A_5 : i32
    %scan3A_7 = arith.constant 1 : i32
    scf.for %scan3A_32 = %scan3A_4 to %scan3A_6 step %scan3A_7  : i32 {
      %swap3A = arith.index_cast %scan3A_32 : i32 to index
      %swap3A_33 = arith.constant 0 : index
      %swap3A_34 = tpu.vector_load %arg8[%swap3A, %swap3A_33] {strides = array<i32>} : memref<128x128xf32, #tpu.memory_space<vmem>>, vector<1x16xf32>,
      %swap3A_35 = vector.shape_cast %swap3A_34 : vector<1x16xf32> to vector<16xf32>
      %swap3A_36 = vector.shape_cast %broadcast_in_dim3A_3 : vector<16xf32> to vector<1x16xf32>
      tpu.vector_store %arg8[%swap3A, %swap3A_33], %swap3A_36 {strides = array<i32>} : memref<128x128xf32, #tpu.memory_space<vmem>>, vector<1x16xf32>,
      %swap3A_37 = arith.index_cast %scan3A_32 : i32 to index
      %swap3A_38 = arith.constant 16 : index
      %swap3A_39 = tpu.vector_load %arg8[%swap3A_37, %swap3A_38] {strides = array<i32>} : memref<128x128xf32, #tpu.memory_space<vmem>>, vector<1x16xf32>,
      %swap3A_40 = vector.shape_cast %swap3A_39 : vector<1x16xf32> to vector<16xf32>
      %swap3A_41 = vector.shape_cast %broadcast_in_dim3A_3 : vector<16xf32> to vector<1x16xf32>
      tpu.vector_store %arg8[%swap3A_37, %swap3A_38], %swap3A_41 {strides = array<i32>} : memref<128x128xf32, #tpu.memory_space<vmem>>, vector<1x16xf32>,
      %swap3A_42 = arith.index_cast %scan3A_32 : i32 to index
      %swap3A_43 = arith.constant 32 : index
      %swap3A_44 = tpu.vector_load %arg8[%swap3A_42, %swap3A_43] {strides = array<i32>} : memref<128x128xf32, #tpu.memory_space<vmem>>, vector<1x16xf32>,
      %swap3A_45 = vector.shape_cast %swap3A_44 : vector<1x16xf32> to vector<16xf32>
      %swap3A_46 = vector.shape_cast %broadcast_in_dim3A_3 : vector<16xf32> to vector<1x16xf32>
      tpu.vector_store %arg8[%swap3A_42, %swap3A_43], %swap3A_46 {strides = array<i32>} : memref<128x128xf32, #tpu.memory_space<vmem>>, vector<1x16xf32>,
      %swap3A_47 = arith.index_cast %scan3A_32 : i32 to index
      %swap3A_48 = arith.constant 48 : index
      %swap3A_49 = tpu.vector_load %arg8[%swap3A_47, %swap3A_48] {strides = array<i32>} : memref<128x128xf32, #tpu.memory_space<vmem>>, vector<1x16xf32>,
      %swap3A_50 = vector.shape_cast %swap3A_49 : vector<1x16xf32> to vector<16xf32>
      %swap3A_51 = vector.shape_cast %broadcast_in_dim3A_3 : vector<16xf32> to vector<1x16xf32>
      tpu.vector_store %arg8[%swap3A_47, %swap3A_48], %swap3A_51 {strides = array<i32>} : memref<128x128xf32, #tpu.memory_space<vmem>>, vector<1x16xf32>,
      %swap3A_52 = arith.index_cast %scan3A_32 : i32 to index
      %swap3A_53 = arith.constant 64 : index
      %swap3A_54 = tpu.vector_load %arg8[%swap3A_52, %swap3A_53] {strides = array<i32>} : memref<128x128xf32, #tpu.memory_space<vmem>>, vector<1x16xf32>,
      %swap3A_55 = vector.shape_cast %swap3A_54 : vector<1x16xf32> to vector<16xf32>
      %swap3A_56 = vector.shape_cast %broadcast_in_dim3A_3 : vector<16xf32> to vector<1x16xf32>
      tpu.vector_store %arg8[%swap3A_52, %swap3A_53], %swap3A_56 {strides = array<i32>} : memref<128x128xf32, #tpu.memory_space<vmem>>, vector<1x16xf32>,
      %swap3A_57 = arith.index_cast %scan3A_32 : i32 to index
      %swap3A_58 = arith.constant 80 : index
      %swap3A_59 = tpu.vector_load %arg8[%swap3A_57, %swap3A_58] {strides = array<i32>} : memref<128x128xf32, #tpu.memory_space<vmem>>, vector<1x16xf32>,
      %swap3A_60 = vector.shape_cast %swap3A_59 : vector<1x16xf32> to vector<16xf32>
      %swap3A_61 = vector.shape_cast %broadcast_in_dim3A_3 : vector<16xf32> to vector<1x16xf32>
      tpu.vector_store %arg8[%swap3A_57, %swap3A_58], %swap3A_61 {strides = array<i32>} : memref<128x128xf32, #tpu.memory_space<vmem>>, vector<1x16xf32>,
      %swap3A_62 = arith.index_cast %scan3A_32 : i32 to index
      %swap3A_63 = arith.constant 96 : index
      %swap3A_64 = tpu.vector_load %arg8[%swap3A_62, %swap3A_63] {strides = array<i32>} : memref<128x128xf32, #tpu.memory_space<vmem>>, vector<1x16xf32>,
      %swap3A_65 = vector.shape_cast %swap3A_64 : vector<1x16xf32> to vector<16xf32>
      %swap3A_66 = vector.shape_cast %broadcast_in_dim3A_3 : vector<16xf32> to vector<1x16xf32>
      tpu.vector_store %arg8[%swap3A_62, %swap3A_63], %swap3A_66 {strides = array<i32>} : memref<128x128xf32, #tpu.memory_space<vmem>>, vector<1x16xf32>,
      %swap3A_67 = arith.index_cast %scan3A_32 : i32 to index
      %swap3A_68 = arith.constant 112 : index
      %swap3A_69 = tpu.vector_load %arg8[%swap3A_67, %swap3A_68] {strides = array<i32>} : memref<128x128xf32, #tpu.memory_space<vmem>>, vector<1x16xf32>,
      %swap3A_70 = vector.shape_cast %swap3A_69 : vector<1x16xf32> to vector<16xf32>
      %swap3A_71 = vector.shape_cast %broadcast_in_dim3A_3 : vector<16xf32> to vector<1x16xf32>
      tpu.vector_store %arg8[%swap3A_67, %swap3A_68], %swap3A_71 {strides = array<i32>} : memref<128x128xf32, #tpu.memory_space<vmem>>, vector<1x16xf32>,
    }
    %scan3A_8 = arith.constant 128 : i32
    %add3A_9 = arith.constant 0 : i32
    %add3A_10 = arith.addi %mul3A_2, %add3A_9 : i32
    "tpu.region"() ({
      %run_scoped3A = tpu.sem_alloc : memref<!tpu.dma_semaphore, #tpu.memory_space<semaphore_mem>>
      %dma_start3A = arith.constant 0 : i32
      %dma_start3A_32 = arith.constant 0 : i32
      %dma_start3A_33 = tpu.memref_slice %arg8[%dma_start3A, %dma_start3A_32] : memref<128x128xf32, #tpu.memory_space<vmem>> -> memref<80x128xf32, #tpu.memory_space<vmem>>
      %dma_start3A_34 = arith.constant 0 : i32
      %dma_start3A_35 = tpu.memref_slice %arg10[%add3A_10, %dma_start3A_34] : memref<10240x128xf32, #tpu.memory_space<vmem_shared>> -> memref<80x128xf32, #tpu.memory_space<vmem_shared>>
      %dma_start3A_36 = arith.constant 0 : i32
      %dma_start3A_37 = tpu.memref_slice %arg10[%add3A_10, %dma_start3A_36] : memref<10240x128xf32, #tpu.memory_space<vmem_shared>> -> memref<80x128xf32, #tpu.memory_space<vmem_shared>>
      %dma_start3A_38 = arith.constant 0 : i32
      %dma_start3A_39 = arith.constant 0 : i32
      %dma_start3A_40 = tpu.memref_slice %arg8[%dma_start3A_38, %dma_start3A_39] : memref<128x128xf32, #tpu.memory_space<vmem>> -> memref<80x128xf32, #tpu.memory_space<vmem>>
      tpu.enqueue_dma source(%dma_start3A_40 : memref<80x128xf32, #tpu.memory_space<vmem>>) target(%dma_start3A_37 : memref<80x128xf32, #tpu.memory_space<vmem_shared>>) target_semaphore(%run_scoped3A : memref<!tpu.dma_semaphore, #tpu.memory_space<semaphore_mem>>)
      %dma_wait3A = arith.constant 0 : i32
      %dma_wait3A_41 = arith.constant 0 : i32
      %dma_wait3A_42 = tpu.memref_slice %arg8[%dma_wait3A, %dma_wait3A_41] : memref<128x128xf32, #tpu.memory_space<vmem>> -> memref<80x128xf32, #tpu.memory_space<vmem>>
      %dma_wait3A_43 = arith.constant 0 : i32
      %dma_wait3A_44 = tpu.memref_slice %arg10[%add3A_10, %dma_wait3A_43] : memref<10240x128xf32, #tpu.memory_space<vmem_shared>> -> memref<80x128xf32, #tpu.memory_space<vmem_shared>>
      %dma_wait3A_45 = arith.constant 0 : i32
      %dma_wait3A_46 = tpu.memref_slice %arg10[%add3A_10, %dma_wait3A_45] : memref<10240x128xf32, #tpu.memory_space<vmem_shared>> -> memref<80x128xf32, #tpu.memory_space<vmem_shared>>
      %dma_wait3A_47 = arith.constant 0 : i32
      %dma_wait3A_48 = arith.constant 0 : i32
      %dma_wait3A_49 = tpu.memref_slice %arg8[%dma_wait3A_47, %dma_wait3A_48] : memref<128x128xf32, #tpu.memory_space<vmem>> -> memref<80x128xf32, #tpu.memory_space<vmem>>
      tpu.wait_dma2 semaphore(%run_scoped3A : memref<!tpu.dma_semaphore, #tpu.memory_space<semaphore_mem>>) src(%dma_wait3A_49 : memref<80x128xf32, #tpu.memory_space<vmem>>) dst(%dma_wait3A_46 : memref<80x128xf32, #tpu.memory_space<vmem_shared>>)
      tpu.yield
    }) : () -> ()
    %add3A_11 = arith.constant 80 : i32
    %add3A_12 = arith.addi %mul3A_2, %add3A_11 : i32
    "tpu.region"() ({
      %run_scoped3A = tpu.sem_alloc : memref<!tpu.dma_semaphore, #tpu.memory_space<semaphore_mem>>
      %dma_start3A = arith.constant 0 : i32
      %dma_start3A_32 = arith.constant 0 : i32
      %dma_start3A_33 = tpu.memref_slice %arg8[%dma_start3A, %dma_start3A_32] : memref<128x128xf32, #tpu.memory_space<vmem>> -> memref<80x128xf32, #tpu.memory_space<vmem>>
      %dma_start3A_34 = arith.constant 0 : i32
      %dma_start3A_35 = tpu.memref_slice %arg10[%add3A_12, %dma_start3A_34] : memref<10240x128xf32, #tpu.memory_space<vmem_shared>> -> memref<80x128xf32, #tpu.memory_space<vmem_shared>>
      %dma_start3A_36 = arith.constant 0 : i32
      %dma_start3A_37 = tpu.memref_slice %arg10[%add3A_12, %dma_start3A_36] : memref<10240x128xf32, #tpu.memory_space<vmem_shared>> -> memref<80x128xf32, #tpu.memory_space<vmem_shared>>
      %dma_start3A_38 = arith.constant 0 : i32
      %dma_start3A_39 = arith.constant 0 : i32
      %dma_start3A_40 = tpu.memref_slice %arg8[%dma_start3A_38, %dma_start3A_39] : memref<128x128xf32, #tpu.memory_space<vmem>> -> memref<80x128xf32, #tpu.memory_space<vmem>>
      tpu.enqueue_dma source(%dma_start3A_40 : memref<80x128xf32, #tpu.memory_space<vmem>>) target(%dma_start3A_37 : memref<80x128xf32, #tpu.memory_space<vmem_shared>>) target_semaphore(%run_scoped3A : memref<!tpu.dma_semaphore, #tpu.memory_space<semaphore_mem>>)
      %dma_wait3A = arith.constant 0 : i32
      %dma_wait3A_41 = arith.constant 0 : i32
      %dma_wait3A_42 = tpu.memref_slice %arg8[%dma_wait3A, %dma_wait3A_41] : memref<128x128xf32, #tpu.memory_space<vmem>> -> memref<80x128xf32, #tpu.memory_space<vmem>>
      %dma_wait3A_43 = arith.constant 0 : i32
      %dma_wait3A_44 = tpu.memref_slice %arg10[%add3A_12, %dma_wait3A_43] : memref<10240x128xf32, #tpu.memory_space<vmem_shared>> -> memref<80x128xf32, #tpu.memory_space<vmem_shared>>
      %dma_wait3A_45 = arith.constant 0 : i32
      %dma_wait3A_46 = tpu.memref_slice %arg10[%add3A_12, %dma_wait3A_45] : memref<10240x128xf32, #tpu.memory_space<vmem_shared>> -> memref<80x128xf32, #tpu.memory_space<vmem_shared>>
      %dma_wait3A_47 = arith.constant 0 : i32
      %dma_wait3A_48 = arith.constant 0 : i32
      %dma_wait3A_49 = tpu.memref_slice %arg8[%dma_wait3A_47, %dma_wait3A_48] : memref<128x128xf32, #tpu.memory_space<vmem>> -> memref<80x128xf32, #tpu.memory_space<vmem>>
      tpu.wait_dma2 semaphore(%run_scoped3A : memref<!tpu.dma_semaphore, #tpu.memory_space<semaphore_mem>>) src(%dma_wait3A_49 : memref<80x128xf32, #tpu.memory_space<vmem>>) dst(%dma_wait3A_46 : memref<80x128xf32, #tpu.memory_space<vmem_shared>>)
      tpu.yield
    }) : () -> ()
    %add3A_13 = arith.constant 160 : i32
    %add3A_14 = arith.addi %mul3A_2, %add3A_13 : i32
    "tpu.region"() ({
      %run_scoped3A = tpu.sem_alloc : memref<!tpu.dma_semaphore, #tpu.memory_space<semaphore_mem>>
      %dma_start3A = arith.constant 0 : i32
      %dma_start3A_32 = arith.constant 0 : i32
      %dma_start3A_33 = tpu.memref_slice %arg8[%dma_start3A, %dma_start3A_32] : memref<128x128xf32, #tpu.memory_space<vmem>> -> memref<80x128xf32, #tpu.memory_space<vmem>>
      %dma_start3A_34 = arith.constant 0 : i32
      %dma_start3A_35 = tpu.memref_slice %arg10[%add3A_14, %dma_start3A_34] : memref<10240x128xf32, #tpu.memory_space<vmem_shared>> -> memref<80x128xf32, #tpu.memory_space<vmem_shared>>
      %dma_start3A_36 = arith.constant 0 : i32
      %dma_start3A_37 = tpu.memref_slice %arg10[%add3A_14, %dma_start3A_36] : memref<10240x128xf32, #tpu.memory_space<vmem_shared>> -> memref<80x128xf32, #tpu.memory_space<vmem_shared>>
      %dma_start3A_38 = arith.constant 0 : i32
      %dma_start3A_39 = arith.constant 0 : i32
      %dma_start3A_40 = tpu.memref_slice %arg8[%dma_start3A_38, %dma_start3A_39] : memref<128x128xf32, #tpu.memory_space<vmem>> -> memref<80x128xf32, #tpu.memory_space<vmem>>
      tpu.enqueue_dma source(%dma_start3A_40 : memref<80x128xf32, #tpu.memory_space<vmem>>) target(%dma_start3A_37 : memref<80x128xf32, #tpu.memory_space<vmem_shared>>) target_semaphore(%run_scoped3A : memref<!tpu.dma_semaphore, #tpu.memory_space<semaphore_mem>>)
      %dma_wait3A = arith.constant 0 : i32
      %dma_wait3A_41 = arith.constant 0 : i32
      %dma_wait3A_42 = tpu.memref_slice %arg8[%dma_wait3A, %dma_wait3A_41] : memref<128x128xf32, #tpu.memory_space<vmem>> -> memref<80x128xf32, #tpu.memory_space<vmem>>
      %dma_wait3A_43 = arith.constant 0 : i32
      %dma_wait3A_44 = tpu.memref_slice %arg10[%add3A_14, %dma_wait3A_43] : memref<10240x128xf32, #tpu.memory_space<vmem_shared>> -> memref<80x128xf32, #tpu.memory_space<vmem_shared>>
      %dma_wait3A_45 = arith.constant 0 : i32
      %dma_wait3A_46 = tpu.memref_slice %arg10[%add3A_14, %dma_wait3A_45] : memref<10240x128xf32, #tpu.memory_space<vmem_shared>> -> memref<80x128xf32, #tpu.memory_space<vmem_shared>>
      %dma_wait3A_47 = arith.constant 0 : i32
      %dma_wait3A_48 = arith.constant 0 : i32
      %dma_wait3A_49 = tpu.memref_slice %arg8[%dma_wait3A_47, %dma_wait3A_48] : memref<128x128xf32, #tpu.memory_space<vmem>> -> memref<80x128xf32, #tpu.memory_space<vmem>>
      tpu.wait_dma2 semaphore(%run_scoped3A : memref<!tpu.dma_semaphore, #tpu.memory_space<semaphore_mem>>) src(%dma_wait3A_49 : memref<80x128xf32, #tpu.memory_space<vmem>>) dst(%dma_wait3A_46 : memref<80x128xf32, #tpu.memory_space<vmem_shared>>)
      tpu.yield
    }) : () -> ()
    %add3A_15 = arith.constant 240 : i32
    %add3A_16 = arith.addi %mul3A_2, %add3A_15 : i32
    "tpu.region"() ({
      %run_scoped3A = tpu.sem_alloc : memref<!tpu.dma_semaphore, #tpu.memory_space<semaphore_mem>>
      %dma_start3A = arith.constant 0 : i32
      %dma_start3A_32 = arith.constant 0 : i32
      %dma_start3A_33 = tpu.memref_slice %arg8[%dma_start3A, %dma_start3A_32] : memref<128x128xf32, #tpu.memory_space<vmem>> -> memref<80x128xf32, #tpu.memory_space<vmem>>
      %dma_start3A_34 = arith.constant 0 : i32
      %dma_start3A_35 = tpu.memref_slice %arg10[%add3A_16, %dma_start3A_34] : memref<10240x128xf32, #tpu.memory_space<vmem_shared>> -> memref<80x128xf32, #tpu.memory_space<vmem_shared>>
      %dma_start3A_36 = arith.constant 0 : i32
      %dma_start3A_37 = tpu.memref_slice %arg10[%add3A_16, %dma_start3A_36] : memref<10240x128xf32, #tpu.memory_space<vmem_shared>> -> memref<80x128xf32, #tpu.memory_space<vmem_shared>>
      %dma_start3A_38 = arith.constant 0 : i32
      %dma_start3A_39 = arith.constant 0 : i32
      %dma_start3A_40 = tpu.memref_slice %arg8[%dma_start3A_38, %dma_start3A_39] : memref<128x128xf32, #tpu.memory_space<vmem>> -> memref<80x128xf32, #tpu.memory_space<vmem>>
      tpu.enqueue_dma source(%dma_start3A_40 : memref<80x128xf32, #tpu.memory_space<vmem>>) target(%dma_start3A_37 : memref<80x128xf32, #tpu.memory_space<vmem_shared>>) target_semaphore(%run_scoped3A : memref<!tpu.dma_semaphore, #tpu.memory_space<semaphore_mem>>)
      %dma_wait3A = arith.constant 0 : i32
      %dma_wait3A_41 = arith.constant 0 : i32
      %dma_wait3A_42 = tpu.memref_slice %arg8[%dma_wait3A, %dma_wait3A_41] : memref<128x128xf32, #tpu.memory_space<vmem>> -> memref<80x128xf32, #tpu.memory_space<vmem>>
      %dma_wait3A_43 = arith.constant 0 : i32
      %dma_wait3A_44 = tpu.memref_slice %arg10[%add3A_16, %dma_wait3A_43] : memref<10240x128xf32, #tpu.memory_space<vmem_shared>> -> memref<80x128xf32, #tpu.memory_space<vmem_shared>>
      %dma_wait3A_45 = arith.constant 0 : i32
      %dma_wait3A_46 = tpu.memref_slice %arg10[%add3A_16, %dma_wait3A_45] : memref<10240x128xf32, #tpu.memory_space<vmem_shared>> -> memref<80x128xf32, #tpu.memory_space<vmem_shared>>
      %dma_wait3A_47 = arith.constant 0 : i32
      %dma_wait3A_48 = arith.constant 0 : i32
      %dma_wait3A_49 = tpu.memref_slice %arg8[%dma_wait3A_47, %dma_wait3A_48] : memref<128x128xf32, #tpu.memory_space<vmem>> -> memref<80x128xf32, #tpu.memory_space<vmem>>
      tpu.wait_dma2 semaphore(%run_scoped3A : memref<!tpu.dma_semaphore, #tpu.memory_space<semaphore_mem>>) src(%dma_wait3A_49 : memref<80x128xf32, #tpu.memory_space<vmem>>) dst(%dma_wait3A_46 : memref<80x128xf32, #tpu.memory_space<vmem_shared>>)
      tpu.yield
    }) : () -> ()
    %add3A_17 = arith.constant 320 : i32
    %add3A_18 = arith.addi %mul3A_2, %add3A_17 : i32
    "tpu.region"() ({
      %run_scoped3A = tpu.sem_alloc : memref<!tpu.dma_semaphore, #tpu.memory_space<semaphore_mem>>
      %dma_start3A = arith.constant 0 : i32
      %dma_start3A_32 = arith.constant 0 : i32
      %dma_start3A_33 = tpu.memref_slice %arg8[%dma_start3A, %dma_start3A_32] : memref<128x128xf32, #tpu.memory_space<vmem>> -> memref<80x128xf32, #tpu.memory_space<vmem>>
      %dma_start3A_34 = arith.constant 0 : i32
      %dma_start3A_35 = tpu.memref_slice %arg10[%add3A_18, %dma_start3A_34] : memref<10240x128xf32, #tpu.memory_space<vmem_shared>> -> memref<80x128xf32, #tpu.memory_space<vmem_shared>>
      %dma_start3A_36 = arith.constant 0 : i32
      %dma_start3A_37 = tpu.memref_slice %arg10[%add3A_18, %dma_start3A_36] : memref<10240x128xf32, #tpu.memory_space<vmem_shared>> -> memref<80x128xf32, #tpu.memory_space<vmem_shared>>
      %dma_start3A_38 = arith.constant 0 : i32
      %dma_start3A_39 = arith.constant 0 : i32
      %dma_start3A_40 = tpu.memref_slice %arg8[%dma_start3A_38, %dma_start3A_39] : memref<128x128xf32, #tpu.memory_space<vmem>> -> memref<80x128xf32, #tpu.memory_space<vmem>>
      tpu.enqueue_dma source(%dma_start3A_40 : memref<80x128xf32, #tpu.memory_space<vmem>>) target(%dma_start3A_37 : memref<80x128xf32, #tpu.memory_space<vmem_shared>>) target_semaphore(%run_scoped3A : memref<!tpu.dma_semaphore, #tpu.memory_space<semaphore_mem>>)
      %dma_wait3A = arith.constant 0 : i32
      %dma_wait3A_41 = arith.constant 0 : i32
      %dma_wait3A_42 = tpu.memref_slice %arg8[%dma_wait3A, %dma_wait3A_41] : memref<128x128xf32, #tpu.memory_space<vmem>> -> memref<80x128xf32, #tpu.memory_space<vmem>>
      %dma_wait3A_43 = arith.constant 0 : i32
      %dma_wait3A_44 = tpu.memref_slice %arg10[%add3A_18, %dma_wait3A_43] : memref<10240x128xf32, #tpu.memory_space<vmem_shared>> -> memref<80x128xf32, #tpu.memory_space<vmem_shared>>
      %dma_wait3A_45 = arith.constant 0 : i32
      %dma_wait3A_46 = tpu.memref_slice %arg10[%add3A_18, %dma_wait3A_45] : memref<10240x128xf32, #tpu.memory_space<vmem_shared>> -> memref<80x128xf32, #tpu.memory_space<vmem_shared>>
      %dma_wait3A_47 = arith.constant 0 : i32
      %dma_wait3A_48 = arith.constant 0 : i32
      %dma_wait3A_49 = tpu.memref_slice %arg8[%dma_wait3A_47, %dma_wait3A_48] : memref<128x128xf32, #tpu.memory_space<vmem>> -> memref<80x128xf32, #tpu.memory_space<vmem>>
      tpu.wait_dma2 semaphore(%run_scoped3A : memref<!tpu.dma_semaphore, #tpu.memory_space<semaphore_mem>>) src(%dma_wait3A_49 : memref<80x128xf32, #tpu.memory_space<vmem>>) dst(%dma_wait3A_46 : memref<80x128xf32, #tpu.memory_space<vmem_shared>>)
      tpu.yield
    }) : () -> ()
    %add3A_19 = arith.constant 400 : i32
    %add3A_20 = arith.addi %mul3A_2, %add3A_19 : i32
    "tpu.region"() ({
      %run_scoped3A = tpu.sem_alloc : memref<!tpu.dma_semaphore, #tpu.memory_space<semaphore_mem>>
      %dma_start3A = arith.constant 0 : i32
      %dma_start3A_32 = arith.constant 0 : i32
      %dma_start3A_33 = tpu.memref_slice %arg8[%dma_start3A, %dma_start3A_32] : memref<128x128xf32, #tpu.memory_space<vmem>> -> memref<80x128xf32, #tpu.memory_space<vmem>>
      %dma_start3A_34 = arith.constant 0 : i32
      %dma_start3A_35 = tpu.memref_slice %arg10[%add3A_20, %dma_start3A_34] : memref<10240x128xf32, #tpu.memory_space<vmem_shared>> -> memref<80x128xf32, #tpu.memory_space<vmem_shared>>
      %dma_start3A_36 = arith.constant 0 : i32
      %dma_start3A_37 = tpu.memref_slice %arg10[%add3A_20, %dma_start3A_36] : memref<10240x128xf32, #tpu.memory_space<vmem_shared>> -> memref<80x128xf32, #tpu.memory_space<vmem_shared>>
      %dma_start3A_38 = arith.constant 0 : i32
      %dma_start3A_39 = arith.constant 0 : i32
      %dma_start3A_40 = tpu.memref_slice %arg8[%dma_start3A_38, %dma_start3A_39] : memref<128x128xf32, #tpu.memory_space<vmem>> -> memref<80x128xf32, #tpu.memory_space<vmem>>
      tpu.enqueue_dma source(%dma_start3A_40 : memref<80x128xf32, #tpu.memory_space<vmem>>) target(%dma_start3A_37 : memref<80x128xf32, #tpu.memory_space<vmem_shared>>) target_semaphore(%run_scoped3A : memref<!tpu.dma_semaphore, #tpu.memory_space<semaphore_mem>>)
      %dma_wait3A = arith.constant 0 : i32
      %dma_wait3A_41 = arith.constant 0 : i32
      %dma_wait3A_42 = tpu.memref_slice %arg8[%dma_wait3A, %dma_wait3A_41] : memref<128x128xf32, #tpu.memory_space<vmem>> -> memref<80x128xf32, #tpu.memory_space<vmem>>
      %dma_wait3A_43 = arith.constant 0 : i32
      %dma_wait3A_44 = tpu.memref_slice %arg10[%add3A_20, %dma_wait3A_43] : memref<10240x128xf32, #tpu.memory_space<vmem_shared>> -> memref<80x128xf32, #tpu.memory_space<vmem_shared>>
      %dma_wait3A_45 = arith.constant 0 : i32
      %dma_wait3A_46 = tpu.memref_slice %arg10[%add3A_20, %dma_wait3A_45] : memref<10240x128xf32, #tpu.memory_space<vmem_shared>> -> memref<80x128xf32, #tpu.memory_space<vmem_shared>>
      %dma_wait3A_47 = arith.constant 0 : i32
      %dma_wait3A_48 = arith.constant 0 : i32
      %dma_wait3A_49 = tpu.memref_slice %arg8[%dma_wait3A_47, %dma_wait3A_48] : memref<128x128xf32, #tpu.memory_space<vmem>> -> memref<80x128xf32, #tpu.memory_space<vmem>>
      tpu.wait_dma2 semaphore(%run_scoped3A : memref<!tpu.dma_semaphore, #tpu.memory_space<semaphore_mem>>) src(%dma_wait3A_49 : memref<80x128xf32, #tpu.memory_space<vmem>>) dst(%dma_wait3A_46 : memref<80x128xf32, #tpu.memory_space<vmem_shared>>)
      tpu.yield
    }) : () -> ()
    %add3A_21 = arith.constant 480 : i32
    %add3A_22 = arith.addi %mul3A_2, %add3A_21 : i32
    "tpu.region"() ({
      %run_scoped3A = tpu.sem_alloc : memref<!tpu.dma_semaphore, #tpu.memory_space<semaphore_mem>>
      %dma_start3A = arith.constant 0 : i32
      %dma_start3A_32 = arith.constant 0 : i32
      %dma_start3A_33 = tpu.memref_slice %arg8[%dma_start3A, %dma_start3A_32] : memref<128x128xf32, #tpu.memory_space<vmem>> -> memref<80x128xf32, #tpu.memory_space<vmem>>
      %dma_start3A_34 = arith.constant 0 : i32
      %dma_start3A_35 = tpu.memref_slice %arg10[%add3A_22, %dma_start3A_34] : memref<10240x128xf32, #tpu.memory_space<vmem_shared>> -> memref<80x128xf32, #tpu.memory_space<vmem_shared>>
      %dma_start3A_36 = arith.constant 0 : i32
      %dma_start3A_37 = tpu.memref_slice %arg10[%add3A_22, %dma_start3A_36] : memref<10240x128xf32, #tpu.memory_space<vmem_shared>> -> memref<80x128xf32, #tpu.memory_space<vmem_shared>>
      %dma_start3A_38 = arith.constant 0 : i32
      %dma_start3A_39 = arith.constant 0 : i32
      %dma_start3A_40 = tpu.memref_slice %arg8[%dma_start3A_38, %dma_start3A_39] : memref<128x128xf32, #tpu.memory_space<vmem>> -> memref<80x128xf32, #tpu.memory_space<vmem>>
      tpu.enqueue_dma source(%dma_start3A_40 : memref<80x128xf32, #tpu.memory_space<vmem>>) target(%dma_start3A_37 : memref<80x128xf32, #tpu.memory_space<vmem_shared>>) target_semaphore(%run_scoped3A : memref<!tpu.dma_semaphore, #tpu.memory_space<semaphore_mem>>)
      %dma_wait3A = arith.constant 0 : i32
      %dma_wait3A_41 = arith.constant 0 : i32
      %dma_wait3A_42 = tpu.memref_slice %arg8[%dma_wait3A, %dma_wait3A_41] : memref<128x128xf32, #tpu.memory_space<vmem>> -> memref<80x128xf32, #tpu.memory_space<vmem>>
      %dma_wait3A_43 = arith.constant 0 : i32
      %dma_wait3A_44 = tpu.memref_slice %arg10[%add3A_22, %dma_wait3A_43] : memref<10240x128xf32, #tpu.memory_space<vmem_shared>> -> memref<80x128xf32, #tpu.memory_space<vmem_shared>>
      %dma_wait3A_45 = arith.constant 0 : i32
      %dma_wait3A_46 = tpu.memref_slice %arg10[%add3A_22, %dma_wait3A_45] : memref<10240x128xf32, #tpu.memory_space<vmem_shared>> -> memref<80x128xf32, #tpu.memory_space<vmem_shared>>
      %dma_wait3A_47 = arith.constant 0 : i32
      %dma_wait3A_48 = arith.constant 0 : i32
      %dma_wait3A_49 = tpu.memref_slice %arg8[%dma_wait3A_47, %dma_wait3A_48] : memref<128x128xf32, #tpu.memory_space<vmem>> -> memref<80x128xf32, #tpu.memory_space<vmem>>
      tpu.wait_dma2 semaphore(%run_scoped3A : memref<!tpu.dma_semaphore, #tpu.memory_space<semaphore_mem>>) src(%dma_wait3A_49 : memref<80x128xf32, #tpu.memory_space<vmem>>) dst(%dma_wait3A_46 : memref<80x128xf32, #tpu.memory_space<vmem_shared>>)
      tpu.yield
    }) : () -> ()
    %add3A_23 = arith.constant 560 : i32
    %add3A_24 = arith.addi %mul3A_2, %add3A_23 : i32
    "tpu.region"() ({
      %run_scoped3A = tpu.sem_alloc : memref<!tpu.dma_semaphore, #tpu.memory_space<semaphore_mem>>
      %dma_start3A = arith.constant 0 : i32
      %dma_start3A_32 = arith.constant 0 : i32
      %dma_start3A_33 = tpu.memref_slice %arg8[%dma_start3A, %dma_start3A_32] : memref<128x128xf32, #tpu.memory_space<vmem>> -> memref<80x128xf32, #tpu.memory_space<vmem>>
      %dma_start3A_34 = arith.constant 0 : i32
      %dma_start3A_35 = tpu.memref_slice %arg10[%add3A_24, %dma_start3A_34] : memref<10240x128xf32, #tpu.memory_space<vmem_shared>> -> memref<80x128xf32, #tpu.memory_space<vmem_shared>>
      %dma_start3A_36 = arith.constant 0 : i32
      %dma_start3A_37 = tpu.memref_slice %arg10[%add3A_24, %dma_start3A_36] : memref<10240x128xf32, #tpu.memory_space<vmem_shared>> -> memref<80x128xf32, #tpu.memory_space<vmem_shared>>
      %dma_start3A_38 = arith.constant 0 : i32
      %dma_start3A_39 = arith.constant 0 : i32
      %dma_start3A_40 = tpu.memref_slice %arg8[%dma_start3A_38, %dma_start3A_39] : memref<128x128xf32, #tpu.memory_space<vmem>> -> memref<80x128xf32, #tpu.memory_space<vmem>>
      tpu.enqueue_dma source(%dma_start3A_40 : memref<80x128xf32, #tpu.memory_space<vmem>>) target(%dma_start3A_37 : memref<80x128xf32, #tpu.memory_space<vmem_shared>>) target_semaphore(%run_scoped3A : memref<!tpu.dma_semaphore, #tpu.memory_space<semaphore_mem>>)
      %dma_wait3A = arith.constant 0 : i32
      %dma_wait3A_41 = arith.constant 0 : i32
      %dma_wait3A_42 = tpu.memref_slice %arg8[%dma_wait3A, %dma_wait3A_41] : memref<128x128xf32, #tpu.memory_space<vmem>> -> memref<80x128xf32, #tpu.memory_space<vmem>>
      %dma_wait3A_43 = arith.constant 0 : i32
      %dma_wait3A_44 = tpu.memref_slice %arg10[%add3A_24, %dma_wait3A_43] : memref<10240x128xf32, #tpu.memory_space<vmem_shared>> -> memref<80x128xf32, #tpu.memory_space<vmem_shared>>
      %dma_wait3A_45 = arith.constant 0 : i32
      %dma_wait3A_46 = tpu.memref_slice %arg10[%add3A_24, %dma_wait3A_45] : memref<10240x128xf32, #tpu.memory_space<vmem_shared>> -> memref<80x128xf32, #tpu.memory_space<vmem_shared>>
      %dma_wait3A_47 = arith.constant 0 : i32
      %dma_wait3A_48 = arith.constant 0 : i32
      %dma_wait3A_49 = tpu.memref_slice %arg8[%dma_wait3A_47, %dma_wait3A_48] : memref<128x128xf32, #tpu.memory_space<vmem>> -> memref<80x128xf32, #tpu.memory_space<vmem>>
      tpu.wait_dma2 semaphore(%run_scoped3A : memref<!tpu.dma_semaphore, #tpu.memory_space<semaphore_mem>>) src(%dma_wait3A_49 : memref<80x128xf32, #tpu.memory_space<vmem>>) dst(%dma_wait3A_46 : memref<80x128xf32, #tpu.memory_space<vmem_shared>>)
      tpu.yield
    }) : () -> ()
    "tpu.region"() ({
      %run_scoped3A = tpu.sem_alloc : memref<!tpu.dma_semaphore, #tpu.memory_space<semaphore_mem>>
      %dma_start3A = arith.constant 0 : i32
      %dma_start3A_32 = arith.constant 0 : i32
      %dma_start3A_33 = tpu.memref_slice %arg3[%add3A, %dma_start3A, %dma_start3A_32] : memref<32x80x128xi32, #tpu.memory_space<hbm>> -> memref<1x80x128xi32, #tpu.memory_space<hbm>>
      %dma_start3A_34 = tpu.memref_squeeze %dma_start3A_33 : memref<1x80x128xi32, #tpu.memory_space<hbm>> -> memref<80x128xi32, #tpu.memory_space<hbm>>
      %dma_start3A_35 = arith.constant 0 : i32
      %dma_start3A_36 = arith.constant 0 : i32
      %dma_start3A_37 = tpu.memref_slice %arg3[%add3A, %dma_start3A_35, %dma_start3A_36] : memref<32x80x128xi32, #tpu.memory_space<hbm>> -> memref<1x80x128xi32, #tpu.memory_space<hbm>>
      %dma_start3A_38 = tpu.memref_squeeze %dma_start3A_37 : memref<1x80x128xi32, #tpu.memory_space<hbm>> -> memref<80x128xi32, #tpu.memory_space<hbm>>
      tpu.enqueue_dma source(%dma_start3A_38 : memref<80x128xi32, #tpu.memory_space<hbm>>) target(%arg6 : memref<80x128xi32, #tpu.memory_space<vmem>>) target_semaphore(%run_scoped3A : memref<!tpu.dma_semaphore, #tpu.memory_space<semaphore_mem>>)
      %dma_wait3A = arith.constant 0 : i32
      %dma_wait3A_39 = arith.constant 0 : i32
      %dma_wait3A_40 = tpu.memref_slice %arg3[%add3A, %dma_wait3A, %dma_wait3A_39] : memref<32x80x128xi32, #tpu.memory_space<hbm>> -> memref<1x80x128xi32, #tpu.memory_space<hbm>>
      %dma_wait3A_41 = tpu.memref_squeeze %dma_wait3A_40 : memref<1x80x128xi32, #tpu.memory_space<hbm>> -> memref<80x128xi32, #tpu.memory_space<hbm>>
      %dma_wait3A_42 = arith.constant 0 : i32
      %dma_wait3A_43 = arith.constant 0 : i32
      %dma_wait3A_44 = tpu.memref_slice %arg3[%add3A, %dma_wait3A_42, %dma_wait3A_43] : memref<32x80x128xi32, #tpu.memory_space<hbm>> -> memref<1x80x128xi32, #tpu.memory_space<hbm>>
      %dma_wait3A_45 = tpu.memref_squeeze %dma_wait3A_44 : memref<1x80x128xi32, #tpu.memory_space<hbm>> -> memref<80x128xi32, #tpu.memory_space<hbm>>
      tpu.wait_dma2 semaphore(%run_scoped3A : memref<!tpu.dma_semaphore, #tpu.memory_space<semaphore_mem>>) src(%dma_wait3A_45 : memref<80x128xi32, #tpu.memory_space<hbm>>) dst(%arg6 : memref<80x128xi32, #tpu.memory_space<vmem>>)
      tpu.yield
    }) : () -> ()
    "tpu.region"() ({
      %run_scoped3A = tpu.sem_alloc : memref<!tpu.dma_semaphore, #tpu.memory_space<semaphore_mem>>
      %dma_start3A = arith.constant 0 : i32
      %dma_start3A_32 = arith.constant 0 : i32
      %dma_start3A_33 = tpu.memref_slice %arg4[%add3A, %dma_start3A, %dma_start3A_32] : memref<32x80x128xi32, #tpu.memory_space<hbm>> -> memref<1x80x128xi32, #tpu.memory_space<hbm>>
      %dma_start3A_34 = tpu.memref_squeeze %dma_start3A_33 : memref<1x80x128xi32, #tpu.memory_space<hbm>> -> memref<80x128xi32, #tpu.memory_space<hbm>>
      %dma_start3A_35 = arith.constant 0 : i32
      %dma_start3A_36 = arith.constant 0 : i32
      %dma_start3A_37 = tpu.memref_slice %arg4[%add3A, %dma_start3A_35, %dma_start3A_36] : memref<32x80x128xi32, #tpu.memory_space<hbm>> -> memref<1x80x128xi32, #tpu.memory_space<hbm>>
      %dma_start3A_38 = tpu.memref_squeeze %dma_start3A_37 : memref<1x80x128xi32, #tpu.memory_space<hbm>> -> memref<80x128xi32, #tpu.memory_space<hbm>>
      tpu.enqueue_dma source(%dma_start3A_38 : memref<80x128xi32, #tpu.memory_space<hbm>>) target(%arg7 : memref<80x128xi32, #tpu.memory_space<vmem>>) target_semaphore(%run_scoped3A : memref<!tpu.dma_semaphore, #tpu.memory_space<semaphore_mem>>)
      %dma_wait3A = arith.constant 0 : i32
      %dma_wait3A_39 = arith.constant 0 : i32
      %dma_wait3A_40 = tpu.memref_slice %arg4[%add3A, %dma_wait3A, %dma_wait3A_39] : memref<32x80x128xi32, #tpu.memory_space<hbm>> -> memref<1x80x128xi32, #tpu.memory_space<hbm>>
      %dma_wait3A_41 = tpu.memref_squeeze %dma_wait3A_40 : memref<1x80x128xi32, #tpu.memory_space<hbm>> -> memref<80x128xi32, #tpu.memory_space<hbm>>
      %dma_wait3A_42 = arith.constant 0 : i32
      %dma_wait3A_43 = arith.constant 0 : i32
      %dma_wait3A_44 = tpu.memref_slice %arg4[%add3A, %dma_wait3A_42, %dma_wait3A_43] : memref<32x80x128xi32, #tpu.memory_space<hbm>> -> memref<1x80x128xi32, #tpu.memory_space<hbm>>
      %dma_wait3A_45 = tpu.memref_squeeze %dma_wait3A_44 : memref<1x80x128xi32, #tpu.memory_space<hbm>> -> memref<80x128xi32, #tpu.memory_space<hbm>>
      tpu.wait_dma2 semaphore(%run_scoped3A : memref<!tpu.dma_semaphore, #tpu.memory_space<semaphore_mem>>) src(%dma_wait3A_45 : memref<80x128xi32, #tpu.memory_space<hbm>>) dst(%arg7 : memref<80x128xi32, #tpu.memory_space<vmem>>)
      tpu.yield
    }) : () -> ()
    %barrier3A = arith.constant 0 : index
    tpu.barrier barrier_id(%barrier3A)
    %scan3A_25 = arith.constant 0 : i32
    %scan3A_26 = arith.constant 0 : i32
    %scan3A_27 = arith.constant 80 : i32
    %scan3A_28 = arith.addi %scan3A_26, %scan3A_27 : i32
    %scan3A_29 = arith.constant 1 : i32
    scf.for %scan3A_32 = %scan3A_26 to %scan3A_28 step %scan3A_29  : i32 {
      %dma_start3A = arith.constant 0 : i32
      %dma_start3A_33 = tpu.memref_slice %arg6[%scan3A_32, %dma_start3A] : memref<80x128xi32, #tpu.memory_space<vmem>> -> memref<1x128xi32, #tpu.memory_space<vmem>>
      %dma_start3A_34 = tpu.memref_squeeze %dma_start3A_33 : memref<1x128xi32, #tpu.memory_space<vmem>> -> memref<128xi32, #tpu.memory_space<vmem>>
      %dma_start3A_35 = arith.constant 0 : i32
      %dma_start3A_36 = arith.constant 0 : i32
      %dma_start3A_37 = tpu.memref_slice %arg2[%dma_start3A_35, %dma_start3A_36] : memref<10240x128xf32, #tpu.memory_space<hbm>> -> memref<10240x128xf32, #tpu.memory_space<hbm>>
      tpu.enqueue_indirect_dma source(%dma_start3A_37 : memref<10240x128xf32, #tpu.memory_space<hbm>>) target(%arg8 : memref<128x128xf32, #tpu.memory_space<vmem>>) offsets(%dma_start3A_34 : memref<128xi32, #tpu.memory_space<vmem>>) semaphore(%arg9 : memref<!tpu.dma_semaphore, #tpu.memory_space<semaphore_mem>>)
      %dma_wait3A = arith.constant 0 : i32
      %dma_wait3A_38 = tpu.memref_slice %arg6[%scan3A_32, %dma_wait3A] : memref<80x128xi32, #tpu.memory_space<vmem>> -> memref<1x128xi32, #tpu.memory_space<vmem>>
      %dma_wait3A_39 = tpu.memref_squeeze %dma_wait3A_38 : memref<1x128xi32, #tpu.memory_space<vmem>> -> memref<128xi32, #tpu.memory_space<vmem>>
      %dma_wait3A_40 = arith.constant 0 : i32
      %dma_wait3A_41 = arith.constant 0 : i32
      %dma_wait3A_42 = tpu.memref_slice %arg2[%dma_wait3A_40, %dma_wait3A_41] : memref<10240x128xf32, #tpu.memory_space<hbm>> -> memref<10240x128xf32, #tpu.memory_space<hbm>>
      tpu.wait_indirect_dma semaphore(%arg9 : memref<!tpu.dma_semaphore, #tpu.memory_space<semaphore_mem>>) src(%dma_wait3A_42 : memref<10240x128xf32, #tpu.memory_space<hbm>>) dst(%arg8 : memref<128x128xf32, #tpu.memory_space<vmem>>)
      "tpu.region"() ({
        %run_scoped3A = tpu.sem_alloc : memref<!tpu.dma_semaphore, #tpu.memory_space<semaphore_mem>>
        %dma_start3A_43 = arith.constant 0 : i32
        %dma_start3A_44 = tpu.memref_slice %arg7[%scan3A_32, %dma_start3A_43] : memref<80x128xi32, #tpu.memory_space<vmem>> -> memref<1x128xi32, #tpu.memory_space<vmem>>
        %dma_start3A_45 = tpu.memref_squeeze %dma_start3A_44 : memref<1x128xi32, #tpu.memory_space<vmem>> -> memref<128xi32, #tpu.memory_space<vmem>>
        %dma_start3A_46 = arith.constant 0 : i32
        %dma_start3A_47 = arith.constant 0 : i32
        %dma_start3A_48 = tpu.memref_slice %arg10[%dma_start3A_46, %dma_start3A_47] : memref<10240x128xf32, #tpu.memory_space<vmem_shared>> -> memref<10240x128xf32, #tpu.memory_space<vmem_shared>>
        tpu.enqueue_indirect_dma source(%arg8 : memref<128x128xf32, #tpu.memory_space<vmem>>) target(%dma_start3A_48 : memref<10240x128xf32, #tpu.memory_space<vmem_shared>>) offsets(%dma_start3A_45 : memref<128xi32, #tpu.memory_space<vmem>>) semaphore(%run_scoped3A : memref<!tpu.dma_semaphore, #tpu.memory_space<semaphore_mem>>) {add = true}
        %dma_wait3A_49 = arith.constant 0 : i32
        %dma_wait3A_50 = tpu.memref_slice %arg7[%scan3A_32, %dma_wait3A_49] : memref<80x128xi32, #tpu.memory_space<vmem>> -> memref<1x128xi32, #tpu.memory_space<vmem>>
        %dma_wait3A_51 = tpu.memref_squeeze %dma_wait3A_50 : memref<1x128xi32, #tpu.memory_space<vmem>> -> memref<128xi32, #tpu.memory_space<vmem>>
        %dma_wait3A_52 = arith.constant 0 : i32
        %dma_wait3A_53 = arith.constant 0 : i32
        %dma_wait3A_54 = tpu.memref_slice %arg10[%dma_wait3A_52, %dma_wait3A_53] : memref<10240x128xf32, #tpu.memory_space<vmem_shared>> -> memref<10240x128xf32, #tpu.memory_space<vmem_shared>>
        tpu.wait_indirect_dma semaphore(%run_scoped3A : memref<!tpu.dma_semaphore, #tpu.memory_space<semaphore_mem>>) src(%arg8 : memref<128x128xf32, #tpu.memory_space<vmem>>) dst(%dma_wait3A_54 : memref<10240x128xf32, #tpu.memory_space<vmem_shared>>)
        tpu.yield
      }) : () -> ()
    }
    %scan3A_30 = arith.constant 80 : i32
    %barrier3A_31 = arith.constant 0 : index
    tpu.barrier barrier_id(%barrier3A_31)
    "tpu.region"() ({
      %run_scoped3A = tpu.sem_alloc : memref<!tpu.dma_semaphore, #tpu.memory_space<semaphore_mem>>
      %dma_start3A = arith.constant 0 : i32
      %dma_start3A_32 = tpu.memref_slice %arg5[%arg0, %mul3A_2, %dma_start3A] : memref<2x10240x128xf32, #tpu.memory_space<hbm>> -> memref<1x640x128xf32, #tpu.memory_space<hbm>>
      %dma_start3A_33 = tpu.memref_squeeze %dma_start3A_32 : memref<1x640x128xf32, #tpu.memory_space<hbm>> -> memref<640x128xf32, #tpu.memory_space<hbm>>
      %dma_start3A_34 = arith.constant 0 : i32
      %dma_start3A_35 = tpu.memref_slice %arg10[%mul3A_2, %dma_start3A_34] : memref<10240x128xf32, #tpu.memory_space<vmem_shared>> -> memref<640x128xf32, #tpu.memory_space<vmem_shared>>
      tpu.enqueue_dma source(%dma_start3A_35 : memref<640x128xf32, #tpu.memory_space<vmem_shared>>) target(%dma_start3A_33 : memref<640x128xf32, #tpu.memory_space<hbm>>) target_semaphore(%run_scoped3A : memref<!tpu.dma_semaphore, #tpu.memory_space<semaphore_mem>>)
      %dma_wait3A = arith.constant 0 : i32
      %dma_wait3A_36 = tpu.memref_slice %arg5[%arg0, %mul3A_2, %dma_wait3A] : memref<2x10240x128xf32, #tpu.memory_space<hbm>> -> memref<1x640x128xf32, #tpu.memory_space<hbm>>
      %dma_wait3A_37 = tpu.memref_squeeze %dma_wait3A_36 : memref<1x640x128xf32, #tpu.memory_space<hbm>> -> memref<640x128xf32, #tpu.memory_space<hbm>>
      %dma_wait3A_38 = arith.constant 0 : i32
      %dma_wait3A_39 = tpu.memref_slice %arg10[%mul3A_2, %dma_wait3A_38] : memref<10240x128xf32, #tpu.memory_space<vmem_shared>> -> memref<640x128xf32, #tpu.memory_space<vmem_shared>>
      tpu.wait_dma2 semaphore(%run_scoped3A : memref<!tpu.dma_semaphore, #tpu.memory_space<semaphore_mem>>) src(%dma_wait3A_39 : memref<640x128xf32, #tpu.memory_space<vmem_shared>>) dst(%dma_wait3A_37 : memref<640x128xf32, #tpu.memory_space<hbm>>)
      tpu.yield
    }) : () -> ()
    return
  }
}

module attributes {stable_mosaic.version = 14 : i64} {
  func.func @_tc1_body(%arg0: i32, %arg1: memref<512x128xf32, #tpu.memory_space<vmem>>, %arg2: memref<2x512x128xf32, #tpu.memory_space<vmem>>, %arg3: memref<128x128xf32, #tpu.memory_space<vmem>>, %arg4: memref<512x128xf32, #tpu.memory_space<vmem>>) attributes {dimension_semantics = [#tpu.dimension_semantics<arbitrary>], iteration_bounds = array<i64: 20>, scalar_prefetch = 0 : i64, scratch_operands = 0 : i64, tpu.core_type = #tpu.core_type<tc>, window_params = [{transform_indices = @transform_0, window_bounds = array<i64: 512, 128>}, {transform_indices = @transform_1, window_bounds = array<i64: 2, 512, 128>}, {pipeline_mode = #tpu.pipeline_mode<synchronous>, transform_indices = @transform_2, window_bounds = array<i64: 128, 128>}, {transform_indices = @transform_3, window_bounds = array<i64: 512, 128>}]} {
    %get3A = arith.constant 0 : index
    %get3A_0 = arith.constant 0 : index
    %get3A_1 = arith.constant 0 : index
    %get3A_2 = vector.load %arg2[%get3A, %get3A_0, %get3A_1] : memref<2x512x128xf32, #tpu.memory_space<vmem>>, vector<2x512x128xf32>
    %slice3A = vector.extract_strided_slice %get3A_2 {offsets = [0, 0, 0], sizes = [1, 512, 1], strides = [1, 1, 1]} : vector<2x512x128xf32> to vector<1x512x1xf32>
    %squeeze3A = vector.shape_cast %slice3A : vector<1x512x1xf32> to vector<512x1xf32>
    %slice3A_3 = vector.extract_strided_slice %get3A_2 {offsets = [1, 0, 0], sizes = [1, 512, 1], strides = [1, 1, 1]} : vector<2x512x128xf32> to vector<1x512x1xf32>
    %squeeze3A_4 = vector.shape_cast %slice3A_3 : vector<1x512x1xf32> to vector<512x1xf32>
    %add3A = arith.addf %squeeze3A, %squeeze3A_4 : vector<512x1xf32>
    %add3A_5 = arith.constant 1.000000e+00 : f32
    %add3A_6 = vector.broadcast %add3A_5 : f32 to vector<512x1xf32>
    %add3A_7 = arith.addf %add3A, %add3A_6 : vector<512x1xf32>
    %rsqrt3A = math.rsqrt %add3A_7 : vector<512x1xf32>
    %get3A_8 = arith.constant 0 : index
    %get3A_9 = arith.constant 0 : index
    %get3A_10 = vector.load %arg1[%get3A_8, %get3A_9] : memref<512x128xf32, #tpu.memory_space<vmem>>, vector<512x128xf32>
    %get3A_11 = arith.constant 0 : index
    %get3A_12 = arith.constant 0 : index
    %get3A_13 = vector.load %arg3[%get3A_11, %get3A_12] : memref<128x128xf32, #tpu.memory_space<vmem>>, vector<128x128xf32>
    %dot_general3A = arith.constant dense<0.000000e+00> : vector<512x128xf32>
    %dot_general3A_14 = tpu.matmul %get3A_10, %get3A_13, %dot_general3A {dimension_numbers = #tpu.dot_dimension_numbers<[1], [0], [0], [1], [0, 0, 1, 1], [], []>, transpose_lhs_hint = false} : vector<512x128xf32>, vector<128x128xf32>, vector<512x128xf32> -> vector<512x128xf32>
    %mul3A = vector.broadcast %rsqrt3A : vector<512x1xf32> to vector<512x128xf32>
    %mul3A_15 = arith.mulf %mul3A, %dot_general3A_14 : vector<512x128xf32>
    %swap3A = arith.constant 0 : index
    %swap3A_16 = arith.constant 0 : index
    %swap3A_17 = vector.load %arg4[%swap3A, %swap3A_16] : memref<512x128xf32, #tpu.memory_space<vmem>>, vector<512x128xf32>
    tpu.vector_store %arg4[%swap3A, %swap3A_16], %mul3A_15 {strides = array<i32>} : memref<512x128xf32, #tpu.memory_space<vmem>>, vector<512x128xf32>,
    return
  }
  func.func @transform_0(%arg0: i32) -> (i32, i32) {
    %c0_i32 = arith.constant 0 : i32
    %c0_i32_0 = arith.constant 0 : i32
    return %arg0, %c0_i32 : i32, i32
  }
  func.func @transform_1(%arg0: i32) -> (i32, i32, i32) {
    %c0_i32 = arith.constant 0 : i32
    %c0_i32_0 = arith.constant 0 : i32
    %c0_i32_1 = arith.constant 0 : i32
    return %c0_i32, %arg0, %c0_i32_0 : i32, i32, i32
  }
  func.func @transform_2(%arg0: i32) -> (i32, i32) {
    %c0_i32 = arith.constant 0 : i32
    %c0_i32_0 = arith.constant 0 : i32
    %c0_i32_1 = arith.constant 0 : i32
    return %c0_i32, %c0_i32_0 : i32, i32
  }
  func.func @transform_3(%arg0: i32) -> (i32, i32) {
    %c0_i32 = arith.constant 0 : i32
    %c0_i32_0 = arith.constant 0 : i32
    return %arg0, %c0_i32 : i32, i32
  }
}

module attributes {stable_mosaic.version = 14 : i64} {
  func.func @_tc2_body(%arg0: i32, %arg1: memref<2x512x128xf32, #tpu.memory_space<vmem>>, %arg2: memref<512x128xf32, #tpu.memory_space<vmem>>, %arg3: memref<2x512x128xf32, #tpu.memory_space<vmem>>, %arg4: memref<1x128xf32, #tpu.memory_space<vmem>>, %arg5: memref<128x128xf32, #tpu.memory_space<vmem>>, %arg6: memref<512x128xf32, #tpu.memory_space<vmem>>) attributes {dimension_semantics = [#tpu.dimension_semantics<arbitrary>], iteration_bounds = array<i64: 20>, scalar_prefetch = 0 : i64, scratch_operands = 0 : i64, tpu.core_type = #tpu.core_type<tc>, window_params = [{transform_indices = @transform_0, window_bounds = array<i64: 2, 512, 128>}, {transform_indices = @transform_1, window_bounds = array<i64: 512, 128>}, {transform_indices = @transform_2, window_bounds = array<i64: 2, 512, 128>}, {pipeline_mode = #tpu.pipeline_mode<synchronous>, transform_indices = @transform_3, window_bounds = array<i64: 1, 128>}, {pipeline_mode = #tpu.pipeline_mode<synchronous>, transform_indices = @transform_4, window_bounds = array<i64: 128, 128>}, {transform_indices = @transform_5, window_bounds = array<i64: 512, 128>}]} {
    %get3A = arith.constant 0 : index
    %get3A_0 = arith.constant 0 : index
    %get3A_1 = arith.constant 0 : index
    %get3A_2 = vector.load %arg3[%get3A, %get3A_0, %get3A_1] : memref<2x512x128xf32, #tpu.memory_space<vmem>>, vector<2x512x128xf32>
    %slice3A = vector.extract_strided_slice %get3A_2 {offsets = [0, 0, 0], sizes = [1, 512, 1], strides = [1, 1, 1]} : vector<2x512x128xf32> to vector<1x512x1xf32>
    %squeeze3A = vector.shape_cast %slice3A : vector<1x512x1xf32> to vector<512x1xf32>
    %slice3A_3 = vector.extract_strided_slice %get3A_2 {offsets = [1, 0, 0], sizes = [1, 512, 1], strides = [1, 1, 1]} : vector<2x512x128xf32> to vector<1x512x1xf32>
    %squeeze3A_4 = vector.shape_cast %slice3A_3 : vector<1x512x1xf32> to vector<512x1xf32>
    %add3A = arith.addf %squeeze3A, %squeeze3A_4 : vector<512x1xf32>
    %add3A_5 = arith.constant 1.000000e+00 : f32
    %add3A_6 = vector.broadcast %add3A_5 : f32 to vector<512x1xf32>
    %add3A_7 = arith.addf %add3A, %add3A_6 : vector<512x1xf32>
    %rsqrt3A = math.rsqrt %add3A_7 : vector<512x1xf32>
    %get3A_8 = arith.constant 0 : index
    %get3A_9 = arith.constant 0 : index
    %get3A_10 = arith.constant 0 : index
    %get3A_11 = vector.load %arg1[%get3A_8, %get3A_9, %get3A_10] : memref<2x512x128xf32, #tpu.memory_space<vmem>>, vector<2x512x128xf32>
    %slice3A_12 = vector.extract_strided_slice %get3A_11 {offsets = [0, 0, 0], sizes = [1, 512, 128], strides = [1, 1, 1]} : vector<2x512x128xf32> to vector<1x512x128xf32>
    %squeeze3A_13 = vector.shape_cast %slice3A_12 : vector<1x512x128xf32> to vector<512x128xf32>
    %slice3A_14 = vector.extract_strided_slice %get3A_11 {offsets = [1, 0, 0], sizes = [1, 512, 128], strides = [1, 1, 1]} : vector<2x512x128xf32> to vector<1x512x128xf32>
    %squeeze3A_15 = vector.shape_cast %slice3A_14 : vector<1x512x128xf32> to vector<512x128xf32>
    %add3A_16 = arith.addf %squeeze3A_13, %squeeze3A_15 : vector<512x128xf32>
    %get3A_17 = arith.constant 0 : index
    %get3A_18 = arith.constant 0 : index
    %get3A_19 = vector.load %arg2[%get3A_17, %get3A_18] : memref<512x128xf32, #tpu.memory_space<vmem>>, vector<512x128xf32>
    %add3A_20 = arith.addf %add3A_16, %get3A_19 : vector<512x128xf32>
    %mul3A = vector.broadcast %rsqrt3A : vector<512x1xf32> to vector<512x128xf32>
    %mul3A_21 = arith.mulf %mul3A, %add3A_20 : vector<512x128xf32>
    %get3A_22 = arith.constant 0 : index
    %get3A_23 = arith.constant 0 : index
    %get3A_24 = vector.load %arg4[%get3A_22, %get3A_23] : memref<1x128xf32, #tpu.memory_space<vmem>>, vector<1x128xf32>
    %add3A_25 = vector.broadcast %get3A_24 : vector<1x128xf32> to vector<512x128xf32>
    %add3A_26 = arith.addf %mul3A_21, %add3A_25 : vector<512x128xf32>
    %max3A = arith.constant 0.000000e+00 : f32
    %max3A_27 = vector.broadcast %max3A : f32 to vector<512x128xf32>
    %max3A_28 = arith.maximumf %add3A_26, %max3A_27 : vector<512x128xf32>
    %get3A_29 = arith.constant 0 : index
    %get3A_30 = arith.constant 0 : index
    %get3A_31 = vector.load %arg5[%get3A_29, %get3A_30] : memref<128x128xf32, #tpu.memory_space<vmem>>, vector<128x128xf32>
    %dot_general3A = arith.constant dense<0.000000e+00> : vector<512x128xf32>
    %dot_general3A_32 = tpu.matmul %max3A_28, %get3A_31, %dot_general3A {dimension_numbers = #tpu.dot_dimension_numbers<[1], [0], [0], [1], [0, 0, 1, 1], [], []>, transpose_lhs_hint = false} : vector<512x128xf32>, vector<128x128xf32>, vector<512x128xf32> -> vector<512x128xf32>
    %mul3A_33 = vector.broadcast %rsqrt3A : vector<512x1xf32> to vector<512x128xf32>
    %mul3A_34 = arith.mulf %mul3A_33, %dot_general3A_32 : vector<512x128xf32>
    %swap3A = arith.constant 0 : index
    %swap3A_35 = arith.constant 0 : index
    %swap3A_36 = vector.load %arg6[%swap3A, %swap3A_35] : memref<512x128xf32, #tpu.memory_space<vmem>>, vector<512x128xf32>
    tpu.vector_store %arg6[%swap3A, %swap3A_35], %mul3A_34 {strides = array<i32>} : memref<512x128xf32, #tpu.memory_space<vmem>>, vector<512x128xf32>,
    return
  }
  func.func @transform_0(%arg0: i32) -> (i32, i32, i32) {
    %c0_i32 = arith.constant 0 : i32
    %c0_i32_0 = arith.constant 0 : i32
    %c0_i32_1 = arith.constant 0 : i32
    return %c0_i32, %arg0, %c0_i32_0 : i32, i32, i32
  }
  func.func @transform_1(%arg0: i32) -> (i32, i32) {
    %c0_i32 = arith.constant 0 : i32
    %c0_i32_0 = arith.constant 0 : i32
    return %arg0, %c0_i32 : i32, i32
  }
  func.func @transform_2(%arg0: i32) -> (i32, i32, i32) {
    %c0_i32 = arith.constant 0 : i32
    %c0_i32_0 = arith.constant 0 : i32
    %c0_i32_1 = arith.constant 0 : i32
    return %c0_i32, %arg0, %c0_i32_0 : i32, i32, i32
  }
  func.func @transform_3(%arg0: i32) -> (i32, i32) {
    %c0_i32 = arith.constant 0 : i32
    %c0_i32_0 = arith.constant 0 : i32
    %c0_i32_1 = arith.constant 0 : i32
    return %c0_i32, %c0_i32_0 : i32, i32
  }
  func.func @transform_4(%arg0: i32) -> (i32, i32) {
    %c0_i32 = arith.constant 0 : i32
    %c0_i32_0 = arith.constant 0 : i32
    %c0_i32_1 = arith.constant 0 : i32
    return %c0_i32, %c0_i32_0 : i32, i32
  }
  func.func @transform_5(%arg0: i32) -> (i32, i32) {
    %c0_i32 = arith.constant 0 : i32
    %c0_i32_0 = arith.constant 0 : i32
    return %arg0, %c0_i32 : i32, i32
  }
}

module attributes {stable_mosaic.version = 14 : i64} {
  func.func @_tc3_body(%arg0: i32, %arg1: memref<2x512x128xf32, #tpu.memory_space<vmem>>, %arg2: memref<512x128xf32, #tpu.memory_space<vmem>>, %arg3: memref<2x512x128xf32, #tpu.memory_space<vmem>>, %arg4: memref<1x128xf32, #tpu.memory_space<vmem>>, %arg5: memref<128x256xf32, #tpu.memory_space<vmem>>, %arg6: memref<1x256xf32, #tpu.memory_space<vmem>>, %arg7: memref<512x256xf32, #tpu.memory_space<vmem>>) attributes {dimension_semantics = [#tpu.dimension_semantics<arbitrary>], iteration_bounds = array<i64: 20>, scalar_prefetch = 0 : i64, scratch_operands = 0 : i64, tpu.core_type = #tpu.core_type<tc>, window_params = [{transform_indices = @transform_0, window_bounds = array<i64: 2, 512, 128>}, {transform_indices = @transform_1, window_bounds = array<i64: 512, 128>}, {transform_indices = @transform_2, window_bounds = array<i64: 2, 512, 128>}, {pipeline_mode = #tpu.pipeline_mode<synchronous>, transform_indices = @transform_3, window_bounds = array<i64: 1, 128>}, {pipeline_mode = #tpu.pipeline_mode<synchronous>, transform_indices = @transform_4, window_bounds = array<i64: 128, 256>}, {pipeline_mode = #tpu.pipeline_mode<synchronous>, transform_indices = @transform_5, window_bounds = array<i64: 1, 256>}, {transform_indices = @transform_6, window_bounds = array<i64: 512, 256>}]} {
    %get3A = arith.constant 0 : index
    %get3A_0 = arith.constant 0 : index
    %get3A_1 = arith.constant 0 : index
    %get3A_2 = vector.load %arg3[%get3A, %get3A_0, %get3A_1] : memref<2x512x128xf32, #tpu.memory_space<vmem>>, vector<2x512x128xf32>
    %slice3A = vector.extract_strided_slice %get3A_2 {offsets = [0, 0, 0], sizes = [1, 512, 1], strides = [1, 1, 1]} : vector<2x512x128xf32> to vector<1x512x1xf32>
    %squeeze3A = vector.shape_cast %slice3A : vector<1x512x1xf32> to vector<512x1xf32>
    %slice3A_3 = vector.extract_strided_slice %get3A_2 {offsets = [1, 0, 0], sizes = [1, 512, 1], strides = [1, 1, 1]} : vector<2x512x128xf32> to vector<1x512x1xf32>
    %squeeze3A_4 = vector.shape_cast %slice3A_3 : vector<1x512x1xf32> to vector<512x1xf32>
    %add3A = arith.addf %squeeze3A, %squeeze3A_4 : vector<512x1xf32>
    %add3A_5 = arith.constant 1.000000e+00 : f32
    %add3A_6 = vector.broadcast %add3A_5 : f32 to vector<512x1xf32>
    %add3A_7 = arith.addf %add3A, %add3A_6 : vector<512x1xf32>
    %rsqrt3A = math.rsqrt %add3A_7 : vector<512x1xf32>
    %get3A_8 = arith.constant 0 : index
    %get3A_9 = arith.constant 0 : index
    %get3A_10 = arith.constant 0 : index
    %get3A_11 = vector.load %arg1[%get3A_8, %get3A_9, %get3A_10] : memref<2x512x128xf32, #tpu.memory_space<vmem>>, vector<2x512x128xf32>
    %slice3A_12 = vector.extract_strided_slice %get3A_11 {offsets = [0, 0, 0], sizes = [1, 512, 128], strides = [1, 1, 1]} : vector<2x512x128xf32> to vector<1x512x128xf32>
    %squeeze3A_13 = vector.shape_cast %slice3A_12 : vector<1x512x128xf32> to vector<512x128xf32>
    %slice3A_14 = vector.extract_strided_slice %get3A_11 {offsets = [1, 0, 0], sizes = [1, 512, 128], strides = [1, 1, 1]} : vector<2x512x128xf32> to vector<1x512x128xf32>
    %squeeze3A_15 = vector.shape_cast %slice3A_14 : vector<1x512x128xf32> to vector<512x128xf32>
    %add3A_16 = arith.addf %squeeze3A_13, %squeeze3A_15 : vector<512x128xf32>
    %get3A_17 = arith.constant 0 : index
    %get3A_18 = arith.constant 0 : index
    %get3A_19 = vector.load %arg2[%get3A_17, %get3A_18] : memref<512x128xf32, #tpu.memory_space<vmem>>, vector<512x128xf32>
    %add3A_20 = arith.addf %add3A_16, %get3A_19 : vector<512x128xf32>
    %mul3A = vector.broadcast %rsqrt3A : vector<512x1xf32> to vector<512x128xf32>
    %mul3A_21 = arith.mulf %mul3A, %add3A_20 : vector<512x128xf32>
    %get3A_22 = arith.constant 0 : index
    %get3A_23 = arith.constant 0 : index
    %get3A_24 = vector.load %arg4[%get3A_22, %get3A_23] : memref<1x128xf32, #tpu.memory_space<vmem>>, vector<1x128xf32>
    %add3A_25 = vector.broadcast %get3A_24 : vector<1x128xf32> to vector<512x128xf32>
    %add3A_26 = arith.addf %mul3A_21, %add3A_25 : vector<512x128xf32>
    %get3A_27 = arith.constant 0 : index
    %get3A_28 = arith.constant 0 : index
    %get3A_29 = vector.load %arg5[%get3A_27, %get3A_28] : memref<128x256xf32, #tpu.memory_space<vmem>>, vector<128x256xf32>
    %dot_general3A = arith.constant dense<0.000000e+00> : vector<512x256xf32>
    %dot_general3A_30 = tpu.matmul %add3A_26, %get3A_29, %dot_general3A {dimension_numbers = #tpu.dot_dimension_numbers<[1], [0], [0], [1], [0, 0, 1, 1], [], []>, transpose_lhs_hint = false} : vector<512x128xf32>, vector<128x256xf32>, vector<512x256xf32> -> vector<512x256xf32>
    %get3A_31 = arith.constant 0 : index
    %get3A_32 = arith.constant 0 : index
    %get3A_33 = vector.load %arg6[%get3A_31, %get3A_32] : memref<1x256xf32, #tpu.memory_space<vmem>>, vector<1x256xf32>
    %add3A_34 = vector.broadcast %get3A_33 : vector<1x256xf32> to vector<512x256xf32>
    %add3A_35 = arith.addf %dot_general3A_30, %add3A_34 : vector<512x256xf32>
    %swap3A = arith.constant 0 : index
    %swap3A_36 = arith.constant 0 : index
    %swap3A_37 = vector.load %arg7[%swap3A, %swap3A_36] : memref<512x256xf32, #tpu.memory_space<vmem>>, vector<512x256xf32>
    tpu.vector_store %arg7[%swap3A, %swap3A_36], %add3A_35 {strides = array<i32>} : memref<512x256xf32, #tpu.memory_space<vmem>>, vector<512x256xf32>,
    return
  }
  func.func @transform_0(%arg0: i32) -> (i32, i32, i32) {
    %c0_i32 = arith.constant 0 : i32
    %c0_i32_0 = arith.constant 0 : i32
    %c0_i32_1 = arith.constant 0 : i32
    return %c0_i32, %arg0, %c0_i32_0 : i32, i32, i32
  }
  func.func @transform_1(%arg0: i32) -> (i32, i32) {
    %c0_i32 = arith.constant 0 : i32
    %c0_i32_0 = arith.constant 0 : i32
    return %arg0, %c0_i32 : i32, i32
  }
  func.func @transform_2(%arg0: i32) -> (i32, i32, i32) {
    %c0_i32 = arith.constant 0 : i32
    %c0_i32_0 = arith.constant 0 : i32
    %c0_i32_1 = arith.constant 0 : i32
    return %c0_i32, %arg0, %c0_i32_0 : i32, i32, i32
  }
  func.func @transform_3(%arg0: i32) -> (i32, i32) {
    %c0_i32 = arith.constant 0 : i32
    %c0_i32_0 = arith.constant 0 : i32
    %c0_i32_1 = arith.constant 0 : i32
    return %c0_i32, %c0_i32_0 : i32, i32
  }
  func.func @transform_4(%arg0: i32) -> (i32, i32) {
    %c0_i32 = arith.constant 0 : i32
    %c0_i32_0 = arith.constant 0 : i32
    %c0_i32_1 = arith.constant 0 : i32
    return %c0_i32, %c0_i32_0 : i32, i32
  }
  func.func @transform_5(%arg0: i32) -> (i32, i32) {
    %c0_i32 = arith.constant 0 : i32
    %c0_i32_0 = arith.constant 0 : i32
    %c0_i32_1 = arith.constant 0 : i32
    return %c0_i32, %c0_i32_0 : i32, i32
  }
  func.func @transform_6(%arg0: i32) -> (i32, i32) {
    %c0_i32 = arith.constant 0 : i32
    %c0_i32_0 = arith.constant 0 : i32
    return %arg0, %c0_i32 : i32, i32
  }
}

</mosaic_0001>

<sc_bundles>
// kernel: kernel.11.cloned.1.call-start
scs
__scs_entry_jumppad:
0x0: {  	(pc) =	sbr.rel $0x88, $3  }
0x1: {  	(tag) =	ssettag $0x0;
	lr =	simm.s32 $0x1  }
0x2: {  	[smem:$0x3F93] =	sst lr;
	_ =	strace $0xD0000000  }
0x3: {  	_ = 	snop  }
0x4: {  	_ = 	snop  }
0x5: {  	_ = 	snop  }
0x6: {  	_ = 	snop  }
0x7: {  	_ = 	snop  }
__scs_overlays_trampoline_lowered:
0x8: {  	[smem:$0x3FA2] =	sst s0  }
0x9: {  	[smem:$0x3FA3] =	sst s1  }
0xa: {  	[smem:$0x3FA4] =	sst s2  }
0xb: {  	[smem:$0x3FA5] =	sst s3  }
0xc: {  	[smem:$0x3FA6] =	sst s4  }
0xd: {  	[smem:$0x3FA7] =	sst s5  }
0xe: {  	[smem:$0x3FA8] =	sst s6  }
0xf: {  	[smem:$0x3FA9] =	sst s7  }
0x10: {  	[smem:$0x3FAA] =	sst s8  }
0x11: {  	[smem:$0x3FAB] =	sst s9;
	s0 =	simm.s32 @!p0 $0x0  }
0x12: {  	s1 =	sld [smem:$0x3F91];
	s0 =	simm.s32 @p0 $0x1  }
0x13: {  	[smem:$0x3FAC] =	sst s0;
	s0 =	simm.s32 @!p1 $0x0  }
0x14: {  	s2 =	sld [smem:$0x3F90];
	s0 =	simm.s32 @p1 $0x1  }
0x15: {  	[smem:$0x3FAD] =	sst s0;
	s0 =	simm.s32 @!p2 $0x0  }
0x16: {  	s3 =	sld [smem:$0x3FDB];
	s0 =	simm.s32 @p2 $0x1  }
0x17: {  	s4 =	simm.s32 $0x1BF5;
	[smem:$0x3FAF] =	sst s0  }
0x18: {  	s0 =	sld [smem:$0x3F92];
	_ =	swait.ge [sflag:s4], $0x0  }
0x19: {  	s7 =	sld [smem:$0x3F93]  }
0x1a: {  	s8 =	sadd.s32 $0xFFFFE003, lr  }
0x1b: {  	s9 =	sadd.s32 $0xFFFFFEF7, lr;
	s5 =	simm.s32 $0xFFFFFFFF;
	p2 =	slt.u32 s8, $0xFFFFF086  }
0x1c: {  	p1 =	slt.u32 s9, $0xF7A;
	s5 =	simm.s32 @!p2 $0x0  }
0x1d: {  	s5 =	simm.s32 @p1 $0x1;
	p0 =	seq.s32 s7, s2  }
0x1e: {  	s7 =	smul.u32 @!p0 $0xF7A, s2;
	p2 =	seq.s32 @!p0 s5, $0x0  }
0x1f: {  	s9 =	smul.u32 $0xF7A, s1;
	s8 =	simm.s32 @!p0 $0x1BF5;
	p2 =	por !p2, p0  }
0x20: {  	[sflag:s8] =	ssyncset.s32 @!p0 $0xFFFFF086;
	s6 =	sadd.s32 @!p0 s3, s7;
	s7 =	simm.s32 @!p0 $0x108  }
0x21: {  	s3 =	sadd.s32 s3, s9;
	s6 =	sadd.s32 @!p0 $0x88, s6;
	s7 =	simm.s32 @p2 $0x1082  }
0x22: {  	[simem:s7], [sflag:s8] =	dma.local @!p0 [hbm:s6], $0xF7A  }
0x23: {  	s9 =	sor.u32 $0xD0000000, s2;
	s6 =	simm.s32 $0x108;
	_ =	swait.ge @!p0 [sflag:s8], $0x0  }
0x24: {  	s3 =	sadd.s32 $0x88, s3;
	s6 =	simm.s32 @!p1 $0x1082;
	[sflag:s4] =	ssyncset.s32 $0xFFFFF086  }
0x25: {  	[simem:s6], [sflag:s4] =	dma.local [hbm:s3], $0xF7A  }
0x26: {  	[smem:$0x3F93] =	sst s1;
	(tag) =	ssettag s2;
	_ =	strace s9  }
0x27: {  	s1 =	sld [smem:$0x3FA3]  }
0x28: {  	s2 =	sld [smem:$0x3FA4]  }
0x29: {  	s4 =	sld [smem:$0x3FA6]  }
0x2a: {  	p0 =	seq.s32 s5, $0x0;
	s5 =	sld [smem:$0x3FA7]  }
0x2b: {  	s6 =	sld [smem:$0x3FA8]  }
0x2c: {  	s7 =	sld [smem:$0x3FA9]  }
0x2d: {  	s3 =	simm.s32 $0x108;
	s8 =	sld [smem:$0x3FAA]  }
0x2e: {  	s3 =	simm.s32 @!p0 $0x1082;
	s9 =	sld [smem:$0x3FAB]  }
0x2f: {  	lr =	sadd.s32 s0, s3;
	s0 =	sld [smem:$0x3FA2]  }
0x30: {  	s3 =	sld [smem:$0x3FA5]  }
0x31: {  	[smem:$0x3FAE] =	sst s10  }
0x32: {  	s10 =	sld [smem:$0x3FAC];
	_ =	sdelay $0x3  }
0x33: {  	p0 =	seq.s32 s10, $0x1;
	s10 =	sld [smem:$0x3FAE];
	_ =	sdelay $0x3  }
0x34: {  	[smem:$0x3FAE] =	sst s10  }
0x35: {  	s10 =	sld [smem:$0x3FAD];
	_ =	sdelay $0x3  }
0x36: {  	p1 =	seq.s32 s10, $0x1;
	s10 =	sld [smem:$0x3FAE];
	_ =	sdelay $0x3  }
0x37: {  	[smem:$0x3FAE] =	sst s10  }
0x38: {  	s10 =	sld [smem:$0x3FAF]  }
0x39: {  	_ = 	snop;
	(pc) =	sbr.ind lr, $3  }
0x3a: {  	_ = 	snop  }
0x3b: {  	_ = 	snop  }
0x3c: {  	p2 =	seq.s32 s10, $0x1;
	s10 =	sld [smem:$0x3FAE]  }
0x3d: {  	_ =	shalt  }
0x3e: {  	_ =	shalt  }
0x3f: {  	_ =	shalt  }
0x40: {  	_ =	shalt  }
0x41: {  	_ =	shalt  }
0x42: {  	_ =	shalt  }
0x43: {  	_ =	shalt  }
0x44: {  	_ =	shalt  }
0x45: {  	_ =	shalt  }
0x46: {  	_ =	shalt  }
0x47: {  	_ =	shalt  }
0x48: {  	_ =	shalt  }
0x49: {  	_ =	shalt  }
0x4a: {  	_ =	shalt  }
0x4b: {  	_ =	shalt  }
0x4c: {  	_ =	shalt  }
0x4d: {  	_ =	shalt  }
0x4e: {  	_ =	shalt  }
0x4f: {  	_ =	shalt  }
0x50: {  	_ =	shalt  }
0x51: {  	_ =	shalt  }
0x52: {  	_ =	shalt  }
0x53: {  	_ =	shalt  }
0x54: {  	_ =	shalt  }
0x55: {  	_ =	shalt  }
0x56: {  	_ =	shalt  }
0x57: {  	_ =	shalt  }
0x58: {  	_ =	shalt  }
0x59: {  	_ =	shalt  }
0x5a: {  	_ =	shalt  }
0x5b: {  	_ =	shalt  }
0x5c: {  	_ =	shalt  }
0x5d: {  	_ =	shalt  }
0x5e: {  	_ =	shalt  }
0x5f: {  	_ =	shalt  }
0x60: {  	_ =	shalt  }
0x61: {  	_ =	shalt  }
0x62: {  	_ =	shalt  }
0x63: {  	_ =	shalt  }
0x64: {  	_ =	shalt  }
0x65: {  	_ =	shalt  }
0x66: {  	_ =	shalt  }
0x67: {  	_ =	shalt  }
0x68: {  	_ =	shalt  }
0x69: {  	_ =	shalt  }
0x6a: {  	_ =	shalt  }
0x6b: {  	_ =	shalt  }
0x6c: {  	_ =	shalt  }
0x6d: {  	_ =	shalt  }
0x6e: {  	_ =	shalt  }
0x6f: {  	_ =	shalt  }
0x70: {  	_ =	shalt  }
0x71: {  	_ =	shalt  }
0x72: {  	_ =	shalt  }
0x73: {  	_ =	shalt  }
0x74: {  	_ =	shalt  }
0x75: {  	_ =	shalt  }
0x76: {  	_ =	shalt  }
0x77: {  	_ =	shalt  }
0x78: {  	_ =	shalt  }
0x79: {  	_ =	shalt  }
0x7a: {  	_ =	shalt  }
0x7b: {  	_ =	shalt  }
0x7c: {  	_ =	shalt  }
0x7d: {  	_ =	shalt  }
0x7e: {  	_ =	shalt  }
0x7f: {  	_ =	shalt  }
0x80: {  	_ =	shalt  }
0x81: {  	_ =	shalt  }
0x82: {  	_ =	shalt  }
0x83: {  	_ =	shalt  }
0x84: {  	_ =	shalt  }
0x85: {  	_ =	shalt  }
0x86: {  	_ =	shalt  }
0x87: {  	_ =	shalt  }
.Lfunc_end0:
.L_simem_size_0:
called_computation.1_lowered:
.L_overlay_start_0:
0x88: {  	s2 =	sld [smem:$0x3FD9]  }
0x89: {  	s3 =	sld [smem:$0x3FFE];
	_ =	sdelay $0x1  }
0x8a: {  	s1 =	srdreg.scid  }
0x8b: {  	s0 =	sand.u32 $0x1, s1  }
0x8c: {  	s14 =	sshll.u32 s0, $0xA;
	s2 =	sadd.s32 s3, s2  }
0x8d: {  	s2 =	sadd.s32 s2, s14  }
0x8e: {  	[smem:$0x3FBA] =	sst s2  }
0x8f: {  	_ = 	snop  }
0x90: {  	s2 =	sld [smem:$0x3FD0];
	_ =	sdelay $0x2  }
0x91: {  	s15 =	simm.s32 $0xA;
	s4 =	simm.s32 $0x10  }
0x92: {  	[smem:s4], [sflag:s15] =	dma.local [hbm:s2], $0x1  }
0x93: {  	_ =	swait.eq [sflag:s15], $0x1  }
0x94: {  	[sflag:s15] =	ssyncset.done $0x0  }
0x95: {  	[sflag:s15] =	ssyncadd.s32 $0xFFFFFFFF  }
0x96: {  	s16 =	sld [smem:$0x13];
	(tm) =	ssettm $0x1  }
0x97: {  	s17 =	sld [smem:$0x3FFB];
	_ =	sdelay $0x3  }
0x98: {  	_ =	strace s17  }
0x99: {  	s3 =	sld [smem:$0x3FFC];
	_ =	sdelay $0x3  }
0x9a: {  	_ =	strace s3  }
0x9b: {  	s3 =	sld [smem:$0x3FFD];
	_ =	sdelay $0x3  }
0x9c: {  	_ =	strace s3  }
0x9d: {  	_ =	strace $0x8FFFFFFF  }
0x9e: {  	s18 =	sld [smem:$0x3FDB];
	_ =	sdelay $0x1  }
0x9f: {  	s19 =	simm.s32 $_scs_section_size  }
0xa0: {  	s5 =	simm.s32 $_size__tile_overlayer_lowered;
	s6 =	simm.s32 $_tile_overlayer_lowered  }
0xa1: {  	s22 =	simm.s32 $0x1BFF;
	s21 =	sshll.u32 s6, $0x1;
	s3 =	sadd.s32 s19, s18  }
0xa2: {  	s7 =	simm.s32 $0x0;
	s20 =	sshll.u32 s5, $0x1;
	s5 =	sadd.s32 s21, s3  }
0xa3: {  	[timem:s7], [sflag:s22] =	dma.local [hbm:s5], s20  }
0xa4: {  	_ =	swait.ge [sflag:s22], s20  }
0xa5: {  	s4 =	ssub.s32 $0x0, s20;
	[sflag:s22] =	ssyncset.done $0x0  }
0xa6: {  	[sflag:s22] =	ssyncadd.s32 s4;
	_ =	sdelay $0x1  }
0xa7: {  	s23 =	simm.s32 $0x1B8B  }
0xa8: {  	_ =	swait.ge [sflag:s23], $0x1  }
0xa9: {  	[sflag:s23] =	ssyncset.done $0x0  }
0xaa: {  	s25 =	simm.s32 $0x1B8E;
	s24 =	sld [smem:$0x3FFE];
	[sflag:s23] =	ssyncadd.s32 $0xFFFFFFFF  }
0xab: {  	s26 =	simm.s32 $execute0_lowered;
	[smem:$0x3FD2] =	sst s25  }
0xac: {  	s5 =	sshll.u32 s26, $0x1;
	_ =	strace $0x80000049;
	[dreg:$0x1] =	wrdreg $0xFFFFFFFF  }
0xad: {  	s28 =	simm.s32 $_size_execute0_lowered;
	s3 =	sadd.s32 s3, s5;
	[dreg:$0x0] =	wrdreg $0x0  }
0xae: {  	s5 =	sshll.u32 s28, $0x1;
	[dreg:$0x2] =	wrdreg s3  }
0xaf: {  	[dreg:$0x3] =	wrdreg s5  }
0xb0: {  	[dreg:$0x4] =	wrdreg $0xC0  }
0xb1: {  	_ =	task [dreg:s7], $0x5FFFF  }
0xb2: {  	[dreg:$0x1] =	wrdreg $0xFFFFFFFF  }
0xb3: {  	[dreg:$0x0] =	wrdreg $0x60  }
0xb4: {  	[dreg:$0x2] =	wrdreg s24  }
0xb5: {  	[dreg:$0x3] =	wrdreg s16  }
0xb6: {  	[dreg:$0x4] =	wrdreg $0x90000  }
0xb7: {  	[dreg:$0x5] =	wrdreg $0x9  }
0xb8: {  	_ =	task.clear_ibuf [dreg:s7], $0x6FFFF;
	_ =	strace $0x90000049  }
0xb9: {  	s29 =	simm.s32 $0x9;
	_ =	strace $0x8000004B  }
0xba: {  	_ =	swait.ge [sflag:s29], $0x1  }
0xbb: {  	[sflag:s29] =	ssyncadd.s32 $0xFFFFFFFF  }
0xbc: {  	_ =	strace $0x9000004B  }
0xbd: {  	_ =	sfence  }
0xbe: {  	s30 =	sld [smem:$0x0];
	_ =	sdelay $0x2  }
0xbf: {  	s31 =	sshll.u32 s1, $0xD;
	s1 =	sshrl.u32 s1, $0x2  }
0xc0: {  	s3 =	sand.u32 $0x4000, s31;
	s1 =	sadd.s32 s1, s30  }
0xc1: {  	s0 =	sor.u32 s3, s0;
	s1 =	sshll.u32 s1, $0x11  }
0xc2: {  	s0 =	sor.u32 s1, s0  }
0xc3: {  	s0 =	sadd.s32 $0x8F2B, s0  }
0xc4: {  	[sflag:s0] =	ssyncadd.remote.s32 $0x1  }
0xc5: {  	_ =	sfence.sel $0xFFFF  }
0xc6: {  	[dreg:$0x0] =	wrdreg $0xFFFFFFFF;
	(pc) =	sbr.abs _section_cstart, $3  }
0xc7: {  	[dreg:$0x1] =	wrdreg $0xFFFFFFFF  }
0xc8: {  	_ =	task.clear_ibuf [dreg:s7], $0x2FFFF;
	_ =	strace $0x9FFFFFFF  }
0xc9: {  	(tm) =	ssettm $0x7FFFFFFF  }
tec
execute0_lowered:
.L_overlay_start_1:
0x0: {  	(tag) =	ssettag $0x1  }
0x1: {  	s6 =	rddreg [dreg:$0x0]  }
0x2: {  	s1 =	srdreg.scid;
	s13 =	rddreg [dreg:$0x1]  }
0x3: {  	s0 =	stileid.u32;
	s2 =	rddreg [dreg:$0x2];
	s3 =	simm.s32 $0x0  }
0x4: {  	s18 =	simm.s32 $0x2;
	s19 =	simm.s32 $0x2800;
	s20 =	simm.s32 $0x80  }
0x5: {  	s21 =	simm.s32 $0x1;
	s5 =	sand.u32 $0x1, s1;
	s8 =	smul.u32 $0x14000, s0  }
0x6: {  	s28 =	sshll.u32 s0, $0x1;
	[smem:$0x7FF] =	sst s3;
	s9 =	smul.u32 $0x50000, s0  }
0x7: {  	s4 =	sadd.s32 $0x5D800, s6;
	s1 =	sor.u32 s5, s28;
	s7 =	smul.u32 $0x140000, s5  }
0x8: {  	s29 =	ssub.s32 $0x2, s5;
	s14 =	smul.u32 $0x500, s1;
	s1 =	rddreg [dreg:$0x3]  }
0x9: {  	_ =	strace $0x8000004A;
	s30 =	sshrl.u32 s9, $0x2;
	s31 =	sshrl.u32 s29, $0x1  }
0xa: {  	s7 =	sadd.s32 s8, s7;
	s5 =	sadd.s32 s30, s2;
	s17 =	ssub.s32 s29, s31  }
0xb: {  	s15 =	sadd.s32 s14, s6;
	s7 =	sshrl.u32 s7, $0x3;
	s8 =	sadd.s32 $0x7800, s5  }
0xc: {  	s9 =	sadd.s32 $0xA000, s5;
	s10 =	sadd.s32 $0xC800, s5;
	s11 =	sadd.s32 $0xF000, s5  }
0xd: {  	s12 =	sadd.s32 $0x11800, s5;
	s13 =	sadd.s32 s13, s14;
	s16 =	sadd.s32 s7, s6  }
0xe: {  	s6 =	sadd.s32 $0x2800, s5;
	s7 =	sadd.s32 $0x5000, s5;
	s14 =	sadd.s32 $0x3800, s15  }
0xf: {  	v0 =	vimm.f32 $0.0e+00;
	s15 =	sadd.s32 $0x85800, s16;
	s16 =	smax.u32 s17, $0x1;
	s17 =	simm.s32 $0x5000  }
.LBB2_1:
0x10: {  	s22 =	simm.s32 $0x0;
	s23 =	simm.s32 $0x200  }
.LBB2_2:
0x11: {  	p0 =	sne.s32 s23, $0xFE00;
	[tilespmem:s22+$0x5070] =	vst v0  }
0x12: {  	[tilespmem:s22+$0x5000] =	vst v0  }
0x13: {  	[tilespmem:s22+$0x5010] =	vst v0  }
.Ltmp0:
0x14: {  	[tilespmem:s22+$0x5020] =	vst v0;
	(pc) =	sbr.rel @p0 .LBB2_2-.Ltmp0, $4  }
0x15: {  	[tilespmem:s22+$0x5030] =	vst v0  }
0x16: {  	[tilespmem:s22+$0x5040] =	vst v0  }
0x17: {  	[tilespmem:s22+$0x5050] =	vst v0  }
0x18: {  	[tilespmem:s22+$0x5060] =	vst v0;
	s22 =	sshra.s32 s23, $0x2;
	s23 =	sadd.s32 $0x200, s23  }
0x19: {  	[tilespmem:s22+$0x5070] =	vst v0  }
0x1a: {  	[tilespmem:s22+$0x5000] =	vst v0  }
0x1b: {  	[tilespmem:s22+$0x5010] =	vst v0  }
0x1c: {  	[tilespmem:s22+$0x5020] =	vst v0  }
0x1d: {  	[tilespmem:s22+$0x5030] =	vst v0  }
0x1e: {  	[tilespmem:s22+$0x5040] =	vst v0  }
0x1f: {  	[tilespmem:s22+$0x5050] =	vst v0  }
0x20: {  	[tilespmem:s22+$0x5060] =	vst v0  }
0x21: {  	[spmem:s5] =	stream.linear.scatter [tilespmem:s17], [sflag:$0x2], $0x2800, $0x38;
	[tilespmem:$0x1D000] =	vst v63  }
0x22: {  	_ =	swait.ge [sflag:s18], $0x2800  }
0x23: {  	[sflag:s18] =	ssyncset.done $0x0  }
0x24: {  	[sflag:s18] =	ssyncadd.s32 $0xFFFFD800  }
0x25: {  	[spmem:s6] =	stream.linear.scatter [tilespmem:s17], [sflag:$0x2], $0x2800, $0x38;
	[tilespmem:$0x1D000] =	vst v63  }
0x26: {  	_ =	swait.ge [sflag:s18], $0x2800  }
0x27: {  	[sflag:s18] =	ssyncset.done $0x0  }
0x28: {  	[sflag:s18] =	ssyncadd.s32 $0xFFFFD800  }
0x29: {  	[spmem:s7] =	stream.linear.scatter [tilespmem:s17], [sflag:$0x2], $0x2800, $0x38;
	[tilespmem:$0x1D000] =	vst v63  }
0x2a: {  	_ =	swait.ge [sflag:s18], $0x2800  }
0x2b: {  	[sflag:s18] =	ssyncset.done $0x0  }
0x2c: {  	[sflag:s18] =	ssyncadd.s32 $0xFFFFD800  }
0x2d: {  	[spmem:s8] =	stream.linear.scatter [tilespmem:s17], [sflag:$0x2], $0x2800, $0x38;
	[tilespmem:$0x1D000] =	vst v63  }
0x2e: {  	_ =	swait.ge [sflag:s18], $0x2800  }
0x2f: {  	[sflag:s18] =	ssyncset.done $0x0  }
0x30: {  	[sflag:s18] =	ssyncadd.s32 $0xFFFFD800  }
0x31: {  	[spmem:s9] =	stream.linear.scatter [tilespmem:s17], [sflag:$0x2], $0x2800, $0x38;
	[tilespmem:$0x1D000] =	vst v63  }
0x32: {  	_ =	swait.ge [sflag:s18], $0x2800  }
0x33: {  	[sflag:s18] =	ssyncset.done $0x0  }
0x34: {  	[sflag:s18] =	ssyncadd.s32 $0xFFFFD800  }
0x35: {  	[spmem:s10] =	stream.linear.scatter [tilespmem:s17], [sflag:$0x2], $0x2800, $0x38;
	[tilespmem:$0x1D000] =	vst v63  }
0x36: {  	_ =	swait.ge [sflag:s18], $0x2800  }
0x37: {  	[sflag:s18] =	ssyncset.done $0x0  }
0x38: {  	[sflag:s18] =	ssyncadd.s32 $0xFFFFD800  }
0x39: {  	[spmem:s11] =	stream.linear.scatter [tilespmem:s17], [sflag:$0x2], $0x2800, $0x38;
	[tilespmem:$0x1D000] =	vst v63  }
0x3a: {  	_ =	swait.ge [sflag:s18], $0x2800  }
0x3b: {  	[sflag:s18] =	ssyncset.done $0x0  }
0x3c: {  	[sflag:s18] =	ssyncadd.s32 $0xFFFFD800  }
0x3d: {  	[spmem:s12] =	stream.linear.scatter [tilespmem:s17], [sflag:$0x2], $0x2800, $0x38;
	[tilespmem:$0x1D000] =	vst v63  }
0x3e: {  	_ =	swait.ge [sflag:s18], $0x2800  }
0x3f: {  	[sflag:s18] =	ssyncset.done $0x0  }
0x40: {  	s29 =	simm.s32 $0x0;
	[sflag:s18] =	ssyncadd.s32 $0xFFFFD800  }
0x41: {  	[tilespmem:s29], [sflag:$0x2] =	stream.linear.gather [hbm4b:s13+s29], $0x2800, $0x38;
	[tilespmem:$0x1D000] =	vst v63  }
0x42: {  	_ =	swait.ge [sflag:s18], $0x2800  }
0x43: {  	[sflag:s18] =	ssyncset.done $0x0  }
0x44: {  	[sflag:s18] =	ssyncadd.s32 $0xFFFFD800  }
0x45: {  	[tilespmem:s19], [sflag:$0x2] =	stream.linear.gather [hbm4b:s14+s29], $0x2800, $0x38;
	[tilespmem:$0x1D000] =	vst v63  }
0x46: {  	_ =	swait.ge [sflag:s18], $0x2800  }
0x47: {  	[sflag:s18] =	ssyncset.done $0x0  }
0x48: {  	[sflag:s18] =	ssyncadd.s32 $0xFFFFD800  }
0x49: {  	s30 =	simm.s32 $0x0;
	[bflag:$0x0] =	sbarrier.arrive $0xFFFF  }
0x4a: {  	[tilespmem:s17], [sflag:$0x1] =	stream.indirect.gather [hbm4b:s4+s20], $0x80, s30, s20, $0xb8;
	[tilespmem:$0x1D000] =	vst v63  }
0x4b: {  	_ =	swait.ge [sflag:s21], $0x4000  }
0x4c: {  	[sflag:s21] =	ssyncset.done $0x0  }
0x4d: {  	s31 =	simm.s32 $0x2800;
	[sflag:s21] =	ssyncadd.s32 $0xFFFFC000  }
0x4e: {  	[spmem:s2] =	stream.indirect.scatter.add.f32 [tilespmem:s17], [sflag:$0x2], $0x80, s31, s20, $0xb8;
	[tilespmem:$0x1D000] =	vst v63  }
0x4f: {  	_ =	swait.ge [sflag:s18], $0x4000  }
0x50: {  	s22 =	simm.s32 $0x200;
	s23 =	simm.s32 $0x400;
	[sflag:s18] =	ssyncset.done $0x0  }
.LBB2_4:
0x51: {  	s24 =	sshra.s32 s22, $0x2  }
0x52: {  	[sflag:s18] =	ssyncadd.s32 $0xFFFFC000;
	s22 =	smov.u32 s23;
	s25 =	sadd.s32 $0x200, s23  }
0x53: {  	[tilespmem:s17], [sflag:$0x1] =	stream.indirect.gather [hbm4b:s4+s20], $0x80, s24, s20, $0xb8;
	[tilespmem:$0x1D000] =	vst v63  }
0x54: {  	p0 =	sne.s32 s23, $0x9E00;
	_ =	swait.ge [sflag:s21], $0x4000  }
.Ltmp1:
0x55: {  	[sflag:s21] =	ssyncset.done $0x0;
	(pc) =	sbr.rel @p0 .LBB2_4-.Ltmp1, $4  }
0x56: {  	s23 =	sadd.s32 $0x2800, s24;
	[sflag:s21] =	ssyncadd.s32 $0xFFFFC000  }
0x57: {  	[spmem:s2] =	stream.indirect.scatter.add.f32 [tilespmem:s17], [sflag:$0x2], $0x80, s23, s20, $0xb8;
	[tilespmem:$0x1D000] =	vst v63  }
0x58: {  	_ =	swait.ge [sflag:s18], $0x4000  }
0x59: {  	s23 =	smov.u32 s25;
	[sflag:s18] =	ssyncset.done $0x0  }
0x5a: {  	s22 =	sshra.s32 s22, $0x2;
	[sflag:s18] =	ssyncadd.s32 $0xFFFFC000  }
0x5b: {  	[tilespmem:s17], [sflag:$0x1] =	stream.indirect.gather [hbm4b:s4+s20], $0x80, s22, s20, $0xb8;
	[tilespmem:$0x1D000] =	vst v63  }
0x5c: {  	_ =	swait.ge [sflag:s21], $0x4000  }
0x5d: {  	[sflag:s21] =	ssyncset.done $0x0  }
0x5e: {  	s22 =	sadd.s32 $0x2800, s22;
	[sflag:s21] =	ssyncadd.s32 $0xFFFFC000  }
0x5f: {  	[spmem:s2] =	stream.indirect.scatter.add.f32 [tilespmem:s17], [sflag:$0x2], $0x80, s22, s20, $0xb8;
	[tilespmem:$0x1D000] =	vst v63  }
0x60: {  	_ =	swait.ge [sflag:s18], $0x4000  }
0x61: {  	s31 =	sshll.u32 s0, $0x6;
	s3 =	sadd.s32 $0x1, s3;
	[sflag:s18] =	ssyncset.done $0x0  }
0x62: {  	s23 =	sshrl.u32 s5, $0x3;
	p0 =	sne.s32 s3, s16;
	[sflag:s18] =	ssyncadd.s32 $0xFFFFC000  }
.Ltmp2:
0x63: {  	s22 =	sor.u32 $0x1C02, s31;
	[bflag:$0x0] =	sbarrier.arrive $0xFFFF;
	(pc) =	sbr.rel @p0 .LBB2_1-.Ltmp2, $4  }
0x64: {  	[hbm:s15], [sflag:s22] =	dma.local [spmem:s23], $0x2800  }
0x65: {  	_ =	swait.ge [sflag:s18], $0x2800  }
0x66: {  	[sflag:s18] =	ssyncset.done $0x0  }
0x67: {  	[sflag:s18] =	ssyncadd.s32 $0xFFFFD800  }
0x68: {  	_ =	sfence.sel $0x180000  }
0x69: {  	[bflag:$0x0] =	sbarrier.arrive $0xFFFF  }
0x6a: {  	p0 =	sne.s32 s0, $0x0;
	_ =	strace $0x9000004A  }
0x6b: {  	s0 =	sadd.s32 @!p0 $0x100000, s1;
	[bflag:$0x2] =	sbarrier.arrive $0xFFFF  }
0x6c: {  	[sflag:s0] =	ssyncadd.tile.s32 @!p0 $0x1;
	_ =	shalt  }
.Lfunc_end2:
_tile_overlayer_lowered:
.L_overlay_start_2:
0x6d: {  	(tag) =	ssettag $0x2  }
0x6e: {  	s0 =	rddreg [dreg:$0x0];
	s2 =	stileid.u32  }
0x6f: {  	s1 =	rddreg [dreg:$0x1];
	p0 =	sne.s32 s2, $0x0  }
0x70: {  	s3 =	rddreg [dreg:$0x2];
	[bflag:$0x3] =	sbarrier.arrive $0xFFFF;
	s2 =	simm.s32 @!p0 $0x1C02  }
0x71: {  	[timem:s3], [sflag:s2] =	dma.local @!p0 [hbm:s0], s1  }
0x72: {  	s0 =	simm.s32 @!p0 $0x2  }
0x73: {  	_ =	swait.ge @!p0 [sflag:s0], s1  }
0x74: {  	s1 =	ssub.s32 @!p0 $0x0, s1;
	[sflag:s0] =	ssyncset.done @!p0 $0x0  }
0x75: {  	[sflag:s0] =	ssyncadd.s32 @!p0 s1  }
0x76: {  	[bflag:$0x3] =	sbarrier.arrive $0xFFFF  }
0x77: {  	_ =	shalt  }

// kernel: kernel.14.cloned.1.call-start
scs
__scs_entry_jumppad:
0x0: {  	(pc) =	sbr.rel $0x88, $3  }
0x1: {  	(tag) =	ssettag $0x0;
	lr =	simm.s32 $0x1  }
0x2: {  	[smem:$0x3F93] =	sst lr;
	_ =	strace $0xD0000000  }
0x3: {  	_ = 	snop  }
0x4: {  	_ = 	snop  }
0x5: {  	_ = 	snop  }
0x6: {  	_ = 	snop  }
0x7: {  	_ = 	snop  }
__scs_overlays_trampoline_lowered:
0x8: {  	[smem:$0x3FA2] =	sst s0  }
0x9: {  	[smem:$0x3FA3] =	sst s1  }
0xa: {  	[smem:$0x3FA4] =	sst s2  }
0xb: {  	[smem:$0x3FA5] =	sst s3  }
0xc: {  	[smem:$0x3FA6] =	sst s4  }
0xd: {  	[smem:$0x3FA7] =	sst s5  }
0xe: {  	[smem:$0x3FA8] =	sst s6  }
0xf: {  	[smem:$0x3FA9] =	sst s7  }
0x10: {  	[smem:$0x3FAA] =	sst s8  }
0x11: {  	[smem:$0x3FAB] =	sst s9;
	s0 =	simm.s32 @!p0 $0x0  }
0x12: {  	s1 =	sld [smem:$0x3F91];
	s0 =	simm.s32 @p0 $0x1  }
0x13: {  	[smem:$0x3FAC] =	sst s0;
	s0 =	simm.s32 @!p1 $0x0  }
0x14: {  	s2 =	sld [smem:$0x3F90];
	s0 =	simm.s32 @p1 $0x1  }
0x15: {  	[smem:$0x3FAD] =	sst s0;
	s0 =	simm.s32 @!p2 $0x0  }
0x16: {  	s3 =	sld [smem:$0x3FDB];
	s0 =	simm.s32 @p2 $0x1  }
0x17: {  	s4 =	simm.s32 $0x1BF5;
	[smem:$0x3FAF] =	sst s0  }
0x18: {  	s0 =	sld [smem:$0x3F92];
	_ =	swait.ge [sflag:s4], $0x0  }
0x19: {  	s7 =	sld [smem:$0x3F93]  }
0x1a: {  	s8 =	sadd.s32 $0xFFFFE003, lr  }
0x1b: {  	s9 =	sadd.s32 $0xFFFFFEF7, lr;
	s5 =	simm.s32 $0xFFFFFFFF;
	p2 =	slt.u32 s8, $0xFFFFF086  }
0x1c: {  	p1 =	slt.u32 s9, $0xF7A;
	s5 =	simm.s32 @!p2 $0x0  }
0x1d: {  	s5 =	simm.s32 @p1 $0x1;
	p0 =	seq.s32 s7, s2  }
0x1e: {  	s7 =	smul.u32 @!p0 $0xF7A, s2;
	p2 =	seq.s32 @!p0 s5, $0x0  }
0x1f: {  	s9 =	smul.u32 $0xF7A, s1;
	s8 =	simm.s32 @!p0 $0x1BF5;
	p2 =	por !p2, p0  }
0x20: {  	[sflag:s8] =	ssyncset.s32 @!p0 $0xFFFFF086;
	s6 =	sadd.s32 @!p0 s3, s7;
	s7 =	simm.s32 @!p0 $0x108  }
0x21: {  	s3 =	sadd.s32 s3, s9;
	s6 =	sadd.s32 @!p0 $0x88, s6;
	s7 =	simm.s32 @p2 $0x1082  }
0x22: {  	[simem:s7], [sflag:s8] =	dma.local @!p0 [hbm:s6], $0xF7A  }
0x23: {  	s9 =	sor.u32 $0xD0000000, s2;
	s6 =	simm.s32 $0x108;
	_ =	swait.ge @!p0 [sflag:s8], $0x0  }
0x24: {  	s3 =	sadd.s32 $0x88, s3;
	s6 =	simm.s32 @!p1 $0x1082;
	[sflag:s4] =	ssyncset.s32 $0xFFFFF086  }
0x25: {  	[simem:s6], [sflag:s4] =	dma.local [hbm:s3], $0xF7A  }
0x26: {  	[smem:$0x3F93] =	sst s1;
	(tag) =	ssettag s2;
	_ =	strace s9  }
0x27: {  	s1 =	sld [smem:$0x3FA3]  }
0x28: {  	s2 =	sld [smem:$0x3FA4]  }
0x29: {  	s4 =	sld [smem:$0x3FA6]  }
0x2a: {  	p0 =	seq.s32 s5, $0x0;
	s5 =	sld [smem:$0x3FA7]  }
0x2b: {  	s6 =	sld [smem:$0x3FA8]  }
0x2c: {  	s7 =	sld [smem:$0x3FA9]  }
0x2d: {  	s3 =	simm.s32 $0x108;
	s8 =	sld [smem:$0x3FAA]  }
0x2e: {  	s3 =	simm.s32 @!p0 $0x1082;
	s9 =	sld [smem:$0x3FAB]  }
0x2f: {  	lr =	sadd.s32 s0, s3;
	s0 =	sld [smem:$0x3FA2]  }
0x30: {  	s3 =	sld [smem:$0x3FA5]  }
0x31: {  	[smem:$0x3FAE] =	sst s10  }
0x32: {  	s10 =	sld [smem:$0x3FAC];
	_ =	sdelay $0x3  }
0x33: {  	p0 =	seq.s32 s10, $0x1;
	s10 =	sld [smem:$0x3FAE];
	_ =	sdelay $0x3  }
0x34: {  	[smem:$0x3FAE] =	sst s10  }
0x35: {  	s10 =	sld [smem:$0x3FAD];
	_ =	sdelay $0x3  }
0x36: {  	p1 =	seq.s32 s10, $0x1;
	s10 =	sld [smem:$0x3FAE];
	_ =	sdelay $0x3  }
0x37: {  	[smem:$0x3FAE] =	sst s10  }
0x38: {  	s10 =	sld [smem:$0x3FAF]  }
0x39: {  	_ = 	snop;
	(pc) =	sbr.ind lr, $3  }
0x3a: {  	_ = 	snop  }
0x3b: {  	_ = 	snop  }
0x3c: {  	p2 =	seq.s32 s10, $0x1;
	s10 =	sld [smem:$0x3FAE]  }
0x3d: {  	_ =	shalt  }
0x3e: {  	_ =	shalt  }
0x3f: {  	_ =	shalt  }
0x40: {  	_ =	shalt  }
0x41: {  	_ =	shalt  }
0x42: {  	_ =	shalt  }
0x43: {  	_ =	shalt  }
0x44: {  	_ =	shalt  }
0x45: {  	_ =	shalt  }
0x46: {  	_ =	shalt  }
0x47: {  	_ =	shalt  }
0x48: {  	_ =	shalt  }
0x49: {  	_ =	shalt  }
0x4a: {  	_ =	shalt  }
0x4b: {  	_ =	shalt  }
0x4c: {  	_ =	shalt  }
0x4d: {  	_ =	shalt  }
0x4e: {  	_ =	shalt  }
0x4f: {  	_ =	shalt  }
0x50: {  	_ =	shalt  }
0x51: {  	_ =	shalt  }
0x52: {  	_ =	shalt  }
0x53: {  	_ =	shalt  }
0x54: {  	_ =	shalt  }
0x55: {  	_ =	shalt  }
0x56: {  	_ =	shalt  }
0x57: {  	_ =	shalt  }
0x58: {  	_ =	shalt  }
0x59: {  	_ =	shalt  }
0x5a: {  	_ =	shalt  }
0x5b: {  	_ =	shalt  }
0x5c: {  	_ =	shalt  }
0x5d: {  	_ =	shalt  }
0x5e: {  	_ =	shalt  }
0x5f: {  	_ =	shalt  }
0x60: {  	_ =	shalt  }
0x61: {  	_ =	shalt  }
0x62: {  	_ =	shalt  }
0x63: {  	_ =	shalt  }
0x64: {  	_ =	shalt  }
0x65: {  	_ =	shalt  }
0x66: {  	_ =	shalt  }
0x67: {  	_ =	shalt  }
0x68: {  	_ =	shalt  }
0x69: {  	_ =	shalt  }
0x6a: {  	_ =	shalt  }
0x6b: {  	_ =	shalt  }
0x6c: {  	_ =	shalt  }
0x6d: {  	_ =	shalt  }
0x6e: {  	_ =	shalt  }
0x6f: {  	_ =	shalt  }
0x70: {  	_ =	shalt  }
0x71: {  	_ =	shalt  }
0x72: {  	_ =	shalt  }
0x73: {  	_ =	shalt  }
0x74: {  	_ =	shalt  }
0x75: {  	_ =	shalt  }
0x76: {  	_ =	shalt  }
0x77: {  	_ =	shalt  }
0x78: {  	_ =	shalt  }
0x79: {  	_ =	shalt  }
0x7a: {  	_ =	shalt  }
0x7b: {  	_ =	shalt  }
0x7c: {  	_ =	shalt  }
0x7d: {  	_ =	shalt  }
0x7e: {  	_ =	shalt  }
0x7f: {  	_ =	shalt  }
0x80: {  	_ =	shalt  }
0x81: {  	_ =	shalt  }
0x82: {  	_ =	shalt  }
0x83: {  	_ =	shalt  }
0x84: {  	_ =	shalt  }
0x85: {  	_ =	shalt  }
0x86: {  	_ =	shalt  }
0x87: {  	_ =	shalt  }
.Lfunc_end0:
.L_simem_size_0:
called_computation.2_lowered:
.L_overlay_start_0:
0x88: {  	s2 =	sld [smem:$0x3FD9]  }
0x89: {  	s3 =	sld [smem:$0x3FFE];
	_ =	sdelay $0x1  }
0x8a: {  	s1 =	srdreg.scid  }
0x8b: {  	s0 =	sand.u32 $0x1, s1  }
0x8c: {  	s14 =	sshll.u32 s0, $0xA;
	s2 =	sadd.s32 s3, s2  }
0x8d: {  	s2 =	sadd.s32 s2, s14  }
0x8e: {  	[smem:$0x3FBA] =	sst s2  }
0x8f: {  	_ = 	snop  }
0x90: {  	s2 =	sld [smem:$0x3FD0];
	_ =	sdelay $0x2  }
0x91: {  	s15 =	simm.s32 $0xA;
	s4 =	simm.s32 $0x10  }
0x92: {  	[smem:s4], [sflag:s15] =	dma.local [hbm:s2], $0x1  }
0x93: {  	_ =	swait.eq [sflag:s15], $0x1  }
0x94: {  	[sflag:s15] =	ssyncset.done $0x0  }
0x95: {  	[sflag:s15] =	ssyncadd.s32 $0xFFFFFFFF  }
0x96: {  	s16 =	sld [smem:$0x13];
	(tm) =	ssettm $0x1  }
0x97: {  	s17 =	sld [smem:$0x3FFB];
	_ =	sdelay $0x3  }
0x98: {  	_ =	strace s17  }
0x99: {  	s3 =	sld [smem:$0x3FFC];
	_ =	sdelay $0x3  }
0x9a: {  	_ =	strace s3  }
0x9b: {  	s3 =	sld [smem:$0x3FFD];
	_ =	sdelay $0x3  }
0x9c: {  	_ =	strace s3  }
0x9d: {  	_ =	strace $0x8FFFFFFF  }
0x9e: {  	s18 =	sld [smem:$0x3FDB];
	_ =	sdelay $0x1  }
0x9f: {  	s19 =	simm.s32 $_scs_section_size  }
0xa0: {  	s5 =	simm.s32 $_size__tile_overlayer_lowered;
	s6 =	simm.s32 $_tile_overlayer_lowered  }
0xa1: {  	s22 =	simm.s32 $0x1BFF;
	s21 =	sshll.u32 s6, $0x1;
	s3 =	sadd.s32 s19, s18  }
0xa2: {  	s7 =	simm.s32 $0x0;
	s20 =	sshll.u32 s5, $0x1;
	s5 =	sadd.s32 s21, s3  }
0xa3: {  	[timem:s7], [sflag:s22] =	dma.local [hbm:s5], s20  }
0xa4: {  	_ =	swait.ge [sflag:s22], s20  }
0xa5: {  	s4 =	ssub.s32 $0x0, s20;
	[sflag:s22] =	ssyncset.done $0x0  }
0xa6: {  	[sflag:s22] =	ssyncadd.s32 s4;
	_ =	sdelay $0x1  }
0xa7: {  	s23 =	simm.s32 $0x1B8B  }
0xa8: {  	_ =	swait.ge [sflag:s23], $0x1  }
0xa9: {  	[sflag:s23] =	ssyncset.done $0x0  }
0xaa: {  	s25 =	simm.s32 $0x1B8E;
	s24 =	sld [smem:$0x3FFE];
	[sflag:s23] =	ssyncadd.s32 $0xFFFFFFFF  }
0xab: {  	s26 =	simm.s32 $execute0_lowered;
	[smem:$0x3FD2] =	sst s25  }
0xac: {  	s5 =	sshll.u32 s26, $0x1;
	_ =	strace $0x8000004C;
	[dreg:$0x1] =	wrdreg $0xFFFFFFFF  }
0xad: {  	s28 =	simm.s32 $_size_execute0_lowered;
	s3 =	sadd.s32 s3, s5;
	[dreg:$0x0] =	wrdreg $0x0  }
0xae: {  	s5 =	sshll.u32 s28, $0x1;
	[dreg:$0x2] =	wrdreg s3  }
0xaf: {  	[dreg:$0x3] =	wrdreg s5  }
0xb0: {  	[dreg:$0x4] =	wrdreg $0xC0  }
0xb1: {  	_ =	task [dreg:s7], $0x5FFFF  }
0xb2: {  	[dreg:$0x1] =	wrdreg $0xFFFFFFFF  }
0xb3: {  	[dreg:$0x0] =	wrdreg $0x60  }
0xb4: {  	[dreg:$0x2] =	wrdreg s24  }
0xb5: {  	[dreg:$0x3] =	wrdreg s16  }
0xb6: {  	[dreg:$0x4] =	wrdreg $0x90000  }
0xb7: {  	[dreg:$0x5] =	wrdreg $0x9  }
0xb8: {  	_ =	task.clear_ibuf [dreg:s7], $0x6FFFF;
	_ =	strace $0x9000004C  }
0xb9: {  	s29 =	simm.s32 $0x9;
	_ =	strace $0x8000004E  }
0xba: {  	_ =	swait.ge [sflag:s29], $0x1  }
0xbb: {  	[sflag:s29] =	ssyncadd.s32 $0xFFFFFFFF  }
0xbc: {  	_ =	strace $0x9000004E  }
0xbd: {  	_ =	sfence  }
0xbe: {  	s30 =	sld [smem:$0x0];
	_ =	sdelay $0x2  }
0xbf: {  	s31 =	sshll.u32 s1, $0xD;
	s1 =	sshrl.u32 s1, $0x2  }
0xc0: {  	s3 =	sand.u32 $0x4000, s31;
	s1 =	sadd.s32 s1, s30  }
0xc1: {  	s0 =	sor.u32 s3, s0;
	s1 =	sshll.u32 s1, $0x11  }
0xc2: {  	s0 =	sor.u32 s1, s0  }
0xc3: {  	s0 =	sadd.s32 $0x8F2B, s0  }
0xc4: {  	[sflag:s0] =	ssyncadd.remote.s32 $0x1  }
0xc5: {  	_ =	sfence.sel $0xFFFF  }
0xc6: {  	[dreg:$0x0] =	wrdreg $0xFFFFFFFF;
	(pc) =	sbr.abs _section_cstart, $3  }
0xc7: {  	[dreg:$0x1] =	wrdreg $0xFFFFFFFF  }
0xc8: {  	_ =	task.clear_ibuf [dreg:s7], $0x2FFFF;
	_ =	strace $0x9FFFFFFF  }
0xc9: {  	(tm) =	ssettm $0x7FFFFFFF  }
tec
execute0_lowered:
.L_overlay_start_1:
0x0: {  	(tag) =	ssettag $0x1  }
0x1: {  	s6 =	rddreg [dreg:$0x0]  }
0x2: {  	s1 =	srdreg.scid;
	s13 =	rddreg [dreg:$0x1]  }
0x3: {  	s0 =	stileid.u32;
	s2 =	rddreg [dreg:$0x2];
	s3 =	simm.s32 $0x0  }
0x4: {  	s18 =	simm.s32 $0x2;
	s19 =	simm.s32 $0x2800;
	s20 =	simm.s32 $0x80  }
0x5: {  	s21 =	simm.s32 $0x1;
	s5 =	sand.u32 $0x1, s1;
	s8 =	smul.u32 $0x14000, s0  }
0x6: {  	s28 =	sshll.u32 s0, $0x1;
	[smem:$0x7FF] =	sst s3;
	s9 =	smul.u32 $0x50000, s0  }
0x7: {  	s4 =	sadd.s32 $0x5D800, s6;
	s1 =	sor.u32 s5, s28;
	s7 =	smul.u32 $0x140000, s5  }
0x8: {  	s29 =	ssub.s32 $0x2, s5;
	s14 =	smul.u32 $0x500, s1;
	s1 =	rddreg [dreg:$0x3]  }
0x9: {  	_ =	strace $0x8000004D;
	s30 =	sshrl.u32 s9, $0x2;
	s31 =	sshrl.u32 s29, $0x1  }
0xa: {  	s7 =	sadd.s32 s8, s7;
	s5 =	sadd.s32 s30, s2;
	s17 =	ssub.s32 s29, s31  }
0xb: {  	s15 =	sadd.s32 s14, s6;
	s7 =	sshrl.u32 s7, $0x3;
	s8 =	sadd.s32 $0x7800, s5  }
0xc: {  	s9 =	sadd.s32 $0xA000, s5;
	s10 =	sadd.s32 $0xC800, s5;
	s11 =	sadd.s32 $0xF000, s5  }
0xd: {  	s12 =	sadd.s32 $0x11800, s5;
	s13 =	sadd.s32 s13, s14;
	s16 =	sadd.s32 s7, s6  }
0xe: {  	s6 =	sadd.s32 $0x2800, s5;
	s7 =	sadd.s32 $0x5000, s5;
	s14 =	sadd.s32 $0x3800, s15  }
0xf: {  	v0 =	vimm.f32 $0.0e+00;
	s15 =	sadd.s32 $0x85800, s16;
	s16 =	smax.u32 s17, $0x1;
	s17 =	simm.s32 $0x5000  }
.LBB2_1:
0x10: {  	s22 =	simm.s32 $0x0;
	s23 =	simm.s32 $0x200  }
.LBB2_2:
0x11: {  	p0 =	sne.s32 s23, $0xFE00;
	[tilespmem:s22+$0x5070] =	vst v0  }
0x12: {  	[tilespmem:s22+$0x5000] =	vst v0  }
0x13: {  	[tilespmem:s22+$0x5010] =	vst v0  }
.Ltmp0:
0x14: {  	[tilespmem:s22+$0x5020] =	vst v0;
	(pc) =	sbr.rel @p0 .LBB2_2-.Ltmp0, $4  }
0x15: {  	[tilespmem:s22+$0x5030] =	vst v0  }
0x16: {  	[tilespmem:s22+$0x5040] =	vst v0  }
0x17: {  	[tilespmem:s22+$0x5050] =	vst v0  }
0x18: {  	[tilespmem:s22+$0x5060] =	vst v0;
	s22 =	sshra.s32 s23, $0x2;
	s23 =	sadd.s32 $0x200, s23  }
0x19: {  	[tilespmem:s22+$0x5070] =	vst v0  }
0x1a: {  	[tilespmem:s22+$0x5000] =	vst v0  }
0x1b: {  	[tilespmem:s22+$0x5010] =	vst v0  }
0x1c: {  	[tilespmem:s22+$0x5020] =	vst v0  }
0x1d: {  	[tilespmem:s22+$0x5030] =	vst v0  }
0x1e: {  	[tilespmem:s22+$0x5040] =	vst v0  }
0x1f: {  	[tilespmem:s22+$0x5050] =	vst v0  }
0x20: {  	[tilespmem:s22+$0x5060] =	vst v0  }
0x21: {  	[spmem:s5] =	stream.linear.scatter [tilespmem:s17], [sflag:$0x2], $0x2800, $0x38;
	[tilespmem:$0x1D000] =	vst v63  }
0x22: {  	_ =	swait.ge [sflag:s18], $0x2800  }
0x23: {  	[sflag:s18] =	ssyncset.done $0x0  }
0x24: {  	[sflag:s18] =	ssyncadd.s32 $0xFFFFD800  }
0x25: {  	[spmem:s6] =	stream.linear.scatter [tilespmem:s17], [sflag:$0x2], $0x2800, $0x38;
	[tilespmem:$0x1D000] =	vst v63  }
0x26: {  	_ =	swait.ge [sflag:s18], $0x2800  }
0x27: {  	[sflag:s18] =	ssyncset.done $0x0  }
0x28: {  	[sflag:s18] =	ssyncadd.s32 $0xFFFFD800  }
0x29: {  	[spmem:s7] =	stream.linear.scatter [tilespmem:s17], [sflag:$0x2], $0x2800, $0x38;
	[tilespmem:$0x1D000] =	vst v63  }
0x2a: {  	_ =	swait.ge [sflag:s18], $0x2800  }
0x2b: {  	[sflag:s18] =	ssyncset.done $0x0  }
0x2c: {  	[sflag:s18] =	ssyncadd.s32 $0xFFFFD800  }
0x2d: {  	[spmem:s8] =	stream.linear.scatter [tilespmem:s17], [sflag:$0x2], $0x2800, $0x38;
	[tilespmem:$0x1D000] =	vst v63  }
0x2e: {  	_ =	swait.ge [sflag:s18], $0x2800  }
0x2f: {  	[sflag:s18] =	ssyncset.done $0x0  }
0x30: {  	[sflag:s18] =	ssyncadd.s32 $0xFFFFD800  }
0x31: {  	[spmem:s9] =	stream.linear.scatter [tilespmem:s17], [sflag:$0x2], $0x2800, $0x38;
	[tilespmem:$0x1D000] =	vst v63  }
0x32: {  	_ =	swait.ge [sflag:s18], $0x2800  }
0x33: {  	[sflag:s18] =	ssyncset.done $0x0  }
0x34: {  	[sflag:s18] =	ssyncadd.s32 $0xFFFFD800  }
0x35: {  	[spmem:s10] =	stream.linear.scatter [tilespmem:s17], [sflag:$0x2], $0x2800, $0x38;
	[tilespmem:$0x1D000] =	vst v63  }
0x36: {  	_ =	swait.ge [sflag:s18], $0x2800  }
0x37: {  	[sflag:s18] =	ssyncset.done $0x0  }
0x38: {  	[sflag:s18] =	ssyncadd.s32 $0xFFFFD800  }
0x39: {  	[spmem:s11] =	stream.linear.scatter [tilespmem:s17], [sflag:$0x2], $0x2800, $0x38;
	[tilespmem:$0x1D000] =	vst v63  }
0x3a: {  	_ =	swait.ge [sflag:s18], $0x2800  }
0x3b: {  	[sflag:s18] =	ssyncset.done $0x0  }
0x3c: {  	[sflag:s18] =	ssyncadd.s32 $0xFFFFD800  }
0x3d: {  	[spmem:s12] =	stream.linear.scatter [tilespmem:s17], [sflag:$0x2], $0x2800, $0x38;
	[tilespmem:$0x1D000] =	vst v63  }
0x3e: {  	_ =	swait.ge [sflag:s18], $0x2800  }
0x3f: {  	[sflag:s18] =	ssyncset.done $0x0  }
0x40: {  	s29 =	simm.s32 $0x0;
	[sflag:s18] =	ssyncadd.s32 $0xFFFFD800  }
0x41: {  	[tilespmem:s29], [sflag:$0x2] =	stream.linear.gather [hbm4b:s13+s29], $0x2800, $0x38;
	[tilespmem:$0x1D000] =	vst v63  }
0x42: {  	_ =	swait.ge [sflag:s18], $0x2800  }
0x43: {  	[sflag:s18] =	ssyncset.done $0x0  }
0x44: {  	[sflag:s18] =	ssyncadd.s32 $0xFFFFD800  }
0x45: {  	[tilespmem:s19], [sflag:$0x2] =	stream.linear.gather [hbm4b:s14+s29], $0x2800, $0x38;
	[tilespmem:$0x1D000] =	vst v63  }
0x46: {  	_ =	swait.ge [sflag:s18], $0x2800  }
0x47: {  	[sflag:s18] =	ssyncset.done $0x0  }
0x48: {  	[sflag:s18] =	ssyncadd.s32 $0xFFFFD800  }
0x49: {  	s30 =	simm.s32 $0x0;
	[bflag:$0x0] =	sbarrier.arrive $0xFFFF  }
0x4a: {  	[tilespmem:s17], [sflag:$0x1] =	stream.indirect.gather [hbm4b:s4+s20], $0x80, s30, s20, $0xb8;
	[tilespmem:$0x1D000] =	vst v63  }
0x4b: {  	_ =	swait.ge [sflag:s21], $0x4000  }
0x4c: {  	[sflag:s21] =	ssyncset.done $0x0  }
0x4d: {  	s31 =	simm.s32 $0x2800;
	[sflag:s21] =	ssyncadd.s32 $0xFFFFC000  }
0x4e: {  	[spmem:s2] =	stream.indirect.scatter.add.f32 [tilespmem:s17], [sflag:$0x2], $0x80, s31, s20, $0xb8;
	[tilespmem:$0x1D000] =	vst v63  }
0x4f: {  	_ =	swait.ge [sflag:s18], $0x4000  }
0x50: {  	s22 =	simm.s32 $0x200;
	s23 =	simm.s32 $0x400;
	[sflag:s18] =	ssyncset.done $0x0  }
.LBB2_4:
0x51: {  	s24 =	sshra.s32 s22, $0x2  }
0x52: {  	[sflag:s18] =	ssyncadd.s32 $0xFFFFC000;
	s22 =	smov.u32 s23;
	s25 =	sadd.s32 $0x200, s23  }
0x53: {  	[tilespmem:s17], [sflag:$0x1] =	stream.indirect.gather [hbm4b:s4+s20], $0x80, s24, s20, $0xb8;
	[tilespmem:$0x1D000] =	vst v63  }
0x54: {  	p0 =	sne.s32 s23, $0x9E00;
	_ =	swait.ge [sflag:s21], $0x4000  }
.Ltmp1:
0x55: {  	[sflag:s21] =	ssyncset.done $0x0;
	(pc) =	sbr.rel @p0 .LBB2_4-.Ltmp1, $4  }
0x56: {  	s23 =	sadd.s32 $0x2800, s24;
	[sflag:s21] =	ssyncadd.s32 $0xFFFFC000  }
0x57: {  	[spmem:s2] =	stream.indirect.scatter.add.f32 [tilespmem:s17], [sflag:$0x2], $0x80, s23, s20, $0xb8;
	[tilespmem:$0x1D000] =	vst v63  }
0x58: {  	_ =	swait.ge [sflag:s18], $0x4000  }
0x59: {  	s23 =	smov.u32 s25;
	[sflag:s18] =	ssyncset.done $0x0  }
0x5a: {  	s22 =	sshra.s32 s22, $0x2;
	[sflag:s18] =	ssyncadd.s32 $0xFFFFC000  }
0x5b: {  	[tilespmem:s17], [sflag:$0x1] =	stream.indirect.gather [hbm4b:s4+s20], $0x80, s22, s20, $0xb8;
	[tilespmem:$0x1D000] =	vst v63  }
0x5c: {  	_ =	swait.ge [sflag:s21], $0x4000  }
0x5d: {  	[sflag:s21] =	ssyncset.done $0x0  }
0x5e: {  	s22 =	sadd.s32 $0x2800, s22;
	[sflag:s21] =	ssyncadd.s32 $0xFFFFC000  }
0x5f: {  	[spmem:s2] =	stream.indirect.scatter.add.f32 [tilespmem:s17], [sflag:$0x2], $0x80, s22, s20, $0xb8;
	[tilespmem:$0x1D000] =	vst v63  }
0x60: {  	_ =	swait.ge [sflag:s18], $0x4000  }
0x61: {  	s31 =	sshll.u32 s0, $0x6;
	s3 =	sadd.s32 $0x1, s3;
	[sflag:s18] =	ssyncset.done $0x0  }
0x62: {  	s23 =	sshrl.u32 s5, $0x3;
	p0 =	sne.s32 s3, s16;
	[sflag:s18] =	ssyncadd.s32 $0xFFFFC000  }
.Ltmp2:
0x63: {  	s22 =	sor.u32 $0x1C02, s31;
	[bflag:$0x0] =	sbarrier.arrive $0xFFFF;
	(pc) =	sbr.rel @p0 .LBB2_1-.Ltmp2, $4  }
0x64: {  	[hbm:s15], [sflag:s22] =	dma.local [spmem:s23], $0x2800  }
0x65: {  	_ =	swait.ge [sflag:s18], $0x2800  }
0x66: {  	[sflag:s18] =	ssyncset.done $0x0  }
0x67: {  	[sflag:s18] =	ssyncadd.s32 $0xFFFFD800  }
0x68: {  	_ =	sfence.sel $0x180000  }
0x69: {  	[bflag:$0x0] =	sbarrier.arrive $0xFFFF  }
0x6a: {  	p0 =	sne.s32 s0, $0x0;
	_ =	strace $0x9000004D  }
0x6b: {  	s0 =	sadd.s32 @!p0 $0x100000, s1;
	[bflag:$0x2] =	sbarrier.arrive $0xFFFF  }
0x6c: {  	[sflag:s0] =	ssyncadd.tile.s32 @!p0 $0x1;
	_ =	shalt  }
.Lfunc_end2:
_tile_overlayer_lowered:
.L_overlay_start_2:
0x6d: {  	(tag) =	ssettag $0x2  }
0x6e: {  	s0 =	rddreg [dreg:$0x0];
	s2 =	stileid.u32  }
0x6f: {  	s1 =	rddreg [dreg:$0x1];
	p0 =	sne.s32 s2, $0x0  }
0x70: {  	s3 =	rddreg [dreg:$0x2];
	[bflag:$0x3] =	sbarrier.arrive $0xFFFF;
	s2 =	simm.s32 @!p0 $0x1C02  }
0x71: {  	[timem:s3], [sflag:s2] =	dma.local @!p0 [hbm:s0], s1  }
0x72: {  	s0 =	simm.s32 @!p0 $0x2  }
0x73: {  	_ =	swait.ge @!p0 [sflag:s0], s1  }
0x74: {  	s1 =	ssub.s32 @!p0 $0x0, s1;
	[sflag:s0] =	ssyncset.done @!p0 $0x0  }
0x75: {  	[sflag:s0] =	ssyncadd.s32 @!p0 s1  }
0x76: {  	[bflag:$0x3] =	sbarrier.arrive $0xFFFF  }
0x77: {  	_ =	shalt  }

// kernel: kernel.8.cloned.1.call-start
scs
__scs_entry_jumppad:
0x0: {  	(pc) =	sbr.rel $0x88, $3  }
0x1: {  	(tag) =	ssettag $0x0;
	lr =	simm.s32 $0x1  }
0x2: {  	[smem:$0x3F93] =	sst lr;
	_ =	strace $0xD0000000  }
0x3: {  	_ = 	snop  }
0x4: {  	_ = 	snop  }
0x5: {  	_ = 	snop  }
0x6: {  	_ = 	snop  }
0x7: {  	_ = 	snop  }
__scs_overlays_trampoline_lowered:
0x8: {  	[smem:$0x3FA2] =	sst s0  }
0x9: {  	[smem:$0x3FA3] =	sst s1  }
0xa: {  	[smem:$0x3FA4] =	sst s2  }
0xb: {  	[smem:$0x3FA5] =	sst s3  }
0xc: {  	[smem:$0x3FA6] =	sst s4  }
0xd: {  	[smem:$0x3FA7] =	sst s5  }
0xe: {  	[smem:$0x3FA8] =	sst s6  }
0xf: {  	[smem:$0x3FA9] =	sst s7  }
0x10: {  	[smem:$0x3FAA] =	sst s8  }
0x11: {  	[smem:$0x3FAB] =	sst s9;
	s0 =	simm.s32 @!p0 $0x0  }
0x12: {  	s1 =	sld [smem:$0x3F91];
	s0 =	simm.s32 @p0 $0x1  }
0x13: {  	[smem:$0x3FAC] =	sst s0;
	s0 =	simm.s32 @!p1 $0x0  }
0x14: {  	s2 =	sld [smem:$0x3F90];
	s0 =	simm.s32 @p1 $0x1  }
0x15: {  	[smem:$0x3FAD] =	sst s0;
	s0 =	simm.s32 @!p2 $0x0  }
0x16: {  	s3 =	sld [smem:$0x3FDB];
	s0 =	simm.s32 @p2 $0x1  }
0x17: {  	s4 =	simm.s32 $0x1BF5;
	[smem:$0x3FAF] =	sst s0  }
0x18: {  	s0 =	sld [smem:$0x3F92];
	_ =	swait.ge [sflag:s4], $0x0  }
0x19: {  	s7 =	sld [smem:$0x3F93]  }
0x1a: {  	s8 =	sadd.s32 $0xFFFFE003, lr  }
0x1b: {  	s9 =	sadd.s32 $0xFFFFFEF7, lr;
	s5 =	simm.s32 $0xFFFFFFFF;
	p2 =	slt.u32 s8, $0xFFFFF086  }
0x1c: {  	p1 =	slt.u32 s9, $0xF7A;
	s5 =	simm.s32 @!p2 $0x0  }
0x1d: {  	s5 =	simm.s32 @p1 $0x1;
	p0 =	seq.s32 s7, s2  }
0x1e: {  	s7 =	smul.u32 @!p0 $0xF7A, s2;
	p2 =	seq.s32 @!p0 s5, $0x0  }
0x1f: {  	s9 =	smul.u32 $0xF7A, s1;
	s8 =	simm.s32 @!p0 $0x1BF5;
	p2 =	por !p2, p0  }
0x20: {  	[sflag:s8] =	ssyncset.s32 @!p0 $0xFFFFF086;
	s6 =	sadd.s32 @!p0 s3, s7;
	s7 =	simm.s32 @!p0 $0x108  }
0x21: {  	s3 =	sadd.s32 s3, s9;
	s6 =	sadd.s32 @!p0 $0x88, s6;
	s7 =	simm.s32 @p2 $0x1082  }
0x22: {  	[simem:s7], [sflag:s8] =	dma.local @!p0 [hbm:s6], $0xF7A  }
0x23: {  	s9 =	sor.u32 $0xD0000000, s2;
	s6 =	simm.s32 $0x108;
	_ =	swait.ge @!p0 [sflag:s8], $0x0  }
0x24: {  	s3 =	sadd.s32 $0x88, s3;
	s6 =	simm.s32 @!p1 $0x1082;
	[sflag:s4] =	ssyncset.s32 $0xFFFFF086  }
0x25: {  	[simem:s6], [sflag:s4] =	dma.local [hbm:s3], $0xF7A  }
0x26: {  	[smem:$0x3F93] =	sst s1;
	(tag) =	ssettag s2;
	_ =	strace s9  }
0x27: {  	s1 =	sld [smem:$0x3FA3]  }
0x28: {  	s2 =	sld [smem:$0x3FA4]  }
0x29: {  	s4 =	sld [smem:$0x3FA6]  }
0x2a: {  	p0 =	seq.s32 s5, $0x0;
	s5 =	sld [smem:$0x3FA7]  }
0x2b: {  	s6 =	sld [smem:$0x3FA8]  }
0x2c: {  	s7 =	sld [smem:$0x3FA9]  }
0x2d: {  	s3 =	simm.s32 $0x108;
	s8 =	sld [smem:$0x3FAA]  }
0x2e: {  	s3 =	simm.s32 @!p0 $0x1082;
	s9 =	sld [smem:$0x3FAB]  }
0x2f: {  	lr =	sadd.s32 s0, s3;
	s0 =	sld [smem:$0x3FA2]  }
0x30: {  	s3 =	sld [smem:$0x3FA5]  }
0x31: {  	[smem:$0x3FAE] =	sst s10  }
0x32: {  	s10 =	sld [smem:$0x3FAC];
	_ =	sdelay $0x3  }
0x33: {  	p0 =	seq.s32 s10, $0x1;
	s10 =	sld [smem:$0x3FAE];
	_ =	sdelay $0x3  }
0x34: {  	[smem:$0x3FAE] =	sst s10  }
0x35: {  	s10 =	sld [smem:$0x3FAD];
	_ =	sdelay $0x3  }
0x36: {  	p1 =	seq.s32 s10, $0x1;
	s10 =	sld [smem:$0x3FAE];
	_ =	sdelay $0x3  }
0x37: {  	[smem:$0x3FAE] =	sst s10  }
0x38: {  	s10 =	sld [smem:$0x3FAF]  }
0x39: {  	_ = 	snop;
	(pc) =	sbr.ind lr, $3  }
0x3a: {  	_ = 	snop  }
0x3b: {  	_ = 	snop  }
0x3c: {  	p2 =	seq.s32 s10, $0x1;
	s10 =	sld [smem:$0x3FAE]  }
0x3d: {  	_ =	shalt  }
0x3e: {  	_ =	shalt  }
0x3f: {  	_ =	shalt  }
0x40: {  	_ =	shalt  }
0x41: {  	_ =	shalt  }
0x42: {  	_ =	shalt  }
0x43: {  	_ =	shalt  }
0x44: {  	_ =	shalt  }
0x45: {  	_ =	shalt  }
0x46: {  	_ =	shalt  }
0x47: {  	_ =	shalt  }
0x48: {  	_ =	shalt  }
0x49: {  	_ =	shalt  }
0x4a: {  	_ =	shalt  }
0x4b: {  	_ =	shalt  }
0x4c: {  	_ =	shalt  }
0x4d: {  	_ =	shalt  }
0x4e: {  	_ =	shalt  }
0x4f: {  	_ =	shalt  }
0x50: {  	_ =	shalt  }
0x51: {  	_ =	shalt  }
0x52: {  	_ =	shalt  }
0x53: {  	_ =	shalt  }
0x54: {  	_ =	shalt  }
0x55: {  	_ =	shalt  }
0x56: {  	_ =	shalt  }
0x57: {  	_ =	shalt  }
0x58: {  	_ =	shalt  }
0x59: {  	_ =	shalt  }
0x5a: {  	_ =	shalt  }
0x5b: {  	_ =	shalt  }
0x5c: {  	_ =	shalt  }
0x5d: {  	_ =	shalt  }
0x5e: {  	_ =	shalt  }
0x5f: {  	_ =	shalt  }
0x60: {  	_ =	shalt  }
0x61: {  	_ =	shalt  }
0x62: {  	_ =	shalt  }
0x63: {  	_ =	shalt  }
0x64: {  	_ =	shalt  }
0x65: {  	_ =	shalt  }
0x66: {  	_ =	shalt  }
0x67: {  	_ =	shalt  }
0x68: {  	_ =	shalt  }
0x69: {  	_ =	shalt  }
0x6a: {  	_ =	shalt  }
0x6b: {  	_ =	shalt  }
0x6c: {  	_ =	shalt  }
0x6d: {  	_ =	shalt  }
0x6e: {  	_ =	shalt  }
0x6f: {  	_ =	shalt  }
0x70: {  	_ =	shalt  }
0x71: {  	_ =	shalt  }
0x72: {  	_ =	shalt  }
0x73: {  	_ =	shalt  }
0x74: {  	_ =	shalt  }
0x75: {  	_ =	shalt  }
0x76: {  	_ =	shalt  }
0x77: {  	_ =	shalt  }
0x78: {  	_ =	shalt  }
0x79: {  	_ =	shalt  }
0x7a: {  	_ =	shalt  }
0x7b: {  	_ =	shalt  }
0x7c: {  	_ =	shalt  }
0x7d: {  	_ =	shalt  }
0x7e: {  	_ =	shalt  }
0x7f: {  	_ =	shalt  }
0x80: {  	_ =	shalt  }
0x81: {  	_ =	shalt  }
0x82: {  	_ =	shalt  }
0x83: {  	_ =	shalt  }
0x84: {  	_ =	shalt  }
0x85: {  	_ =	shalt  }
0x86: {  	_ =	shalt  }
0x87: {  	_ =	shalt  }
.Lfunc_end0:
.L_simem_size_0:
called_computation_lowered:
.L_overlay_start_0:
0x88: {  	s2 =	sld [smem:$0x3FD9]  }
0x89: {  	s3 =	sld [smem:$0x3FFE];
	_ =	sdelay $0x1  }
0x8a: {  	s1 =	srdreg.scid  }
0x8b: {  	s0 =	sand.u32 $0x1, s1  }
0x8c: {  	s16 =	sshll.u32 s0, $0xA;
	s2 =	sadd.s32 s3, s2  }
0x8d: {  	s2 =	sadd.s32 s2, s16  }
0x8e: {  	[smem:$0x3FBA] =	sst s2  }
0x8f: {  	_ = 	snop  }
0x90: {  	(tm) =	ssettm $0x1  }
0x91: {  	s17 =	sld [smem:$0x3FFB];
	_ =	sdelay $0x3  }
0x92: {  	_ =	strace s17  }
0x93: {  	s2 =	sld [smem:$0x3FFC];
	_ =	sdelay $0x3  }
0x94: {  	_ =	strace s2  }
0x95: {  	s2 =	sld [smem:$0x3FFD];
	_ =	sdelay $0x3  }
0x96: {  	_ =	strace s2  }
0x97: {  	_ =	strace $0x8FFFFFFF  }
0x98: {  	s18 =	sld [smem:$0x3FDB];
	_ =	sdelay $0x1  }
0x99: {  	s19 =	simm.s32 $_scs_section_size  }
0x9a: {  	s4 =	simm.s32 $_size__tile_overlayer_lowered;
	s5 =	simm.s32 $_tile_overlayer_lowered  }
0x9b: {  	s22 =	simm.s32 $0x1BFF;
	s21 =	sshll.u32 s5, $0x1;
	s2 =	sadd.s32 s19, s18  }
0x9c: {  	s6 =	simm.s32 $0x0;
	s20 =	sshll.u32 s4, $0x1;
	s4 =	sadd.s32 s21, s2  }
0x9d: {  	[timem:s6], [sflag:s22] =	dma.local [hbm:s4], s20  }
0x9e: {  	_ =	swait.ge [sflag:s22], s20  }
0x9f: {  	s3 =	ssub.s32 $0x0, s20;
	[sflag:s22] =	ssyncset.done $0x0  }
0xa0: {  	[sflag:s22] =	ssyncadd.s32 s3;
	_ =	sdelay $0x1  }
0xa1: {  	s23 =	simm.s32 $0x1B8B  }
0xa2: {  	_ =	swait.ge [sflag:s23], $0x1  }
0xa3: {  	[sflag:s23] =	ssyncset.done $0x0  }
0xa4: {  	s25 =	simm.s32 $0x1B8E;
	s24 =	sld [smem:$0x3FFE];
	[sflag:s23] =	ssyncadd.s32 $0xFFFFFFFF  }
0xa5: {  	s26 =	simm.s32 $execute0_lowered;
	[smem:$0x3FD2] =	sst s25  }
0xa6: {  	s4 =	sshll.u32 s26, $0x1;
	_ =	strace $0x80000046;
	[dreg:$0x1] =	wrdreg $0xFFFFFFFF  }
0xa7: {  	s28 =	simm.s32 $_size_execute0_lowered;
	s2 =	sadd.s32 s2, s4;
	[dreg:$0x0] =	wrdreg $0x0  }
0xa8: {  	s4 =	sshll.u32 s28, $0x1;
	[dreg:$0x2] =	wrdreg s2  }
0xa9: {  	[dreg:$0x3] =	wrdreg s4  }
0xaa: {  	[dreg:$0x4] =	wrdreg $0xC0  }
0xab: {  	_ =	task [dreg:s6], $0x5FFFF  }
0xac: {  	[dreg:$0x1] =	wrdreg $0xFFFFFFFF  }
0xad: {  	[dreg:$0x0] =	wrdreg $0x60  }
0xae: {  	[dreg:$0x2] =	wrdreg s24  }
0xaf: {  	[dreg:$0x3] =	wrdreg $0xA8000  }
0xb0: {  	[dreg:$0x4] =	wrdreg $0x9  }
0xb1: {  	_ =	task.clear_ibuf [dreg:s6], $0x5FFFF;
	_ =	strace $0x90000046  }
0xb2: {  	s29 =	simm.s32 $0x9;
	_ =	strace $0x80000048  }
0xb3: {  	_ =	swait.ge [sflag:s29], $0x1  }
0xb4: {  	[sflag:s29] =	ssyncadd.s32 $0xFFFFFFFF  }
0xb5: {  	_ =	strace $0x90000048  }
0xb6: {  	_ =	sfence  }
0xb7: {  	s30 =	sld [smem:$0x0];
	_ =	sdelay $0x2  }
0xb8: {  	s31 =	sshll.u32 s1, $0xD;
	s1 =	sshrl.u32 s1, $0x2  }
0xb9: {  	s3 =	sand.u32 $0x4000, s31;
	s1 =	sadd.s32 s1, s30  }
0xba: {  	s0 =	sor.u32 s3, s0;
	s1 =	sshll.u32 s1, $0x11  }
0xbb: {  	s0 =	sor.u32 s1, s0  }
0xbc: {  	s0 =	sadd.s32 $0x8F2B, s0  }
0xbd: {  	[sflag:s0] =	ssyncadd.remote.s32 $0x1  }
0xbe: {  	_ =	sfence.sel $0xFFFF  }
0xbf: {  	[dreg:$0x0] =	wrdreg $0xFFFFFFFF;
	(pc) =	sbr.abs _section_cstart, $3  }
0xc0: {  	[dreg:$0x1] =	wrdreg $0xFFFFFFFF  }
0xc1: {  	_ =	task.clear_ibuf [dreg:s6], $0x2FFFF;
	_ =	strace $0x9FFFFFFF  }
0xc2: {  	(tm) =	ssettm $0x7FFFFFFF  }
0xc3: {  	_ =	shalt  }
tec
execute0_lowered:
.L_overlay_start_1:
0x0: {  	(tag) =	ssettag $0x1  }
0x1: {  	s1 =	srdreg.scid  }
0x2: {  	s0 =	stileid.u32;
	s5 =	rddreg [dreg:$0x0]  }
0x3: {  	s2 =	rddreg [dreg:$0x1];
	s3 =	simm.s32 $0x0;
	s15 =	simm.s32 $0x6800  }
0x4: {  	s16 =	simm.s32 $0x2;
	s17 =	simm.s32 $0x80;
	s18 =	simm.s32 $0x2800  }
0x5: {  	s19 =	simm.s32 $0x1;
	s4 =	sand.u32 $0x1, s1;
	s8 =	smul.u32 $0x14000, s0  }
0x6: {  	s28 =	sshll.u32 s0, $0x1;
	[smem:$0x7FF] =	sst s3;
	s9 =	smul.u32 $0x50000, s0  }
0x7: {  	s1 =	sor.u32 s4, s28;
	s7 =	smul.u32 $0x140000, s4;
	s4 =	ssub.s32 $0x2, s4  }
0x8: {  	s6 =	smul.u32 $0x500, s1;
	s1 =	rddreg [dreg:$0x2];
	_ =	strace $0x80000047  }
0x9: {  	s30 =	sshrl.u32 s4, $0x1;
	s31 =	sshrl.u32 s9, $0x2;
	s29 =	sadd.s32 s8, s7  }
0xa: {  	s14 =	ssub.s32 s4, s30;
	s4 =	sadd.s32 s31, s2;
	s12 =	sadd.s32 s6, s5  }
0xb: {  	s6 =	sshrl.u32 s29, $0x3;
	s7 =	sadd.s32 $0x7800, s4;
	s8 =	sadd.s32 $0xA000, s4  }
0xc: {  	s9 =	sadd.s32 $0xC800, s4;
	s10 =	sadd.s32 $0xF000, s4;
	s11 =	sadd.s32 $0x11800, s4  }
0xd: {  	s14 =	smax.u32 s14, $0x1;
	s13 =	sadd.s32 s6, s5;
	s5 =	sadd.s32 $0x2800, s4  }
0xe: {  	v0 =	vimm.f32 $1.000000000e+00;
	v1 =	vimm.f32 $0.0e+00;
	s6 =	sadd.s32 $0x5000, s4;
	s12 =	sadd.s32 $0x3800, s12;
	s13 =	sadd.s32 $0xD800, s13  }
.LBB2_1:
0xf: {  	s20 =	simm.s32 $0x0;
	s21 =	simm.s32 $0x200  }
.LBB2_2:
0x10: {  	p0 =	sne.s32 s21, $0xFE00;
	[tilespmem:s20+$0x2870] =	vst v0  }
0x11: {  	[tilespmem:s20+$0x2800] =	vst v0  }
0x12: {  	[tilespmem:s20+$0x2810] =	vst v0  }
.Ltmp0:
0x13: {  	[tilespmem:s20+$0x2820] =	vst v0;
	(pc) =	sbr.rel @p0 .LBB2_2-.Ltmp0, $4  }
0x14: {  	[tilespmem:s20+$0x2830] =	vst v0  }
0x15: {  	[tilespmem:s20+$0x2840] =	vst v0  }
0x16: {  	[tilespmem:s20+$0x2850] =	vst v0  }
0x17: {  	[tilespmem:s20+$0x2860] =	vst v0;
	s20 =	sshra.s32 s21, $0x2;
	s21 =	sadd.s32 $0x200, s21  }
0x18: {  	[tilespmem:s20+$0x2870] =	vst v0  }
0x19: {  	[tilespmem:s20+$0x2800] =	vst v0  }
0x1a: {  	[tilespmem:s20+$0x2810] =	vst v0  }
0x1b: {  	[tilespmem:s20+$0x2820] =	vst v0  }
0x1c: {  	[tilespmem:s20+$0x2830] =	vst v0  }
0x1d: {  	[tilespmem:s20+$0x2840] =	vst v0  }
0x1e: {  	[tilespmem:s20+$0x2850] =	vst v0  }
0x1f: {  	[tilespmem:s20+$0x2860] =	vst v0;
	s20 =	simm.s32 $0x0;
	s21 =	simm.s32 $0x200  }
.LBB2_4:
0x20: {  	p0 =	sne.s32 s21, $0xFE00;
	[tilespmem:s20+$0x6870] =	vst v1  }
0x21: {  	[tilespmem:s20+$0x6800] =	vst v1  }
0x22: {  	[tilespmem:s20+$0x6810] =	vst v1  }
.Ltmp1:
0x23: {  	[tilespmem:s20+$0x6820] =	vst v1;
	(pc) =	sbr.rel @p0 .LBB2_4-.Ltmp1, $4  }
0x24: {  	[tilespmem:s20+$0x6830] =	vst v1  }
0x25: {  	[tilespmem:s20+$0x6840] =	vst v1  }
0x26: {  	[tilespmem:s20+$0x6850] =	vst v1  }
0x27: {  	[tilespmem:s20+$0x6860] =	vst v1;
	s20 =	sshra.s32 s21, $0x2;
	s21 =	sadd.s32 $0x200, s21  }
0x28: {  	[tilespmem:s20+$0x6870] =	vst v1  }
0x29: {  	[tilespmem:s20+$0x6800] =	vst v1  }
0x2a: {  	[tilespmem:s20+$0x6810] =	vst v1  }
0x2b: {  	[tilespmem:s20+$0x6820] =	vst v1  }
0x2c: {  	[tilespmem:s20+$0x6830] =	vst v1  }
0x2d: {  	[tilespmem:s20+$0x6840] =	vst v1  }
0x2e: {  	[tilespmem:s20+$0x6850] =	vst v1  }
0x2f: {  	[tilespmem:s20+$0x6860] =	vst v1  }
0x30: {  	[spmem:s4] =	stream.linear.scatter [tilespmem:s15], [sflag:$0x2], $0x2800, $0x38;
	[tilespmem:$0x1E800] =	vst v63  }
0x31: {  	_ =	swait.ge [sflag:s16], $0x2800  }
0x32: {  	[sflag:s16] =	ssyncset.done $0x0  }
0x33: {  	[sflag:s16] =	ssyncadd.s32 $0xFFFFD800  }
0x34: {  	[spmem:s5] =	stream.linear.scatter [tilespmem:s15], [sflag:$0x2], $0x2800, $0x38;
	[tilespmem:$0x1E800] =	vst v63  }
0x35: {  	_ =	swait.ge [sflag:s16], $0x2800  }
0x36: {  	[sflag:s16] =	ssyncset.done $0x0  }
0x37: {  	[sflag:s16] =	ssyncadd.s32 $0xFFFFD800  }
0x38: {  	[spmem:s6] =	stream.linear.scatter [tilespmem:s15], [sflag:$0x2], $0x2800, $0x38;
	[tilespmem:$0x1E800] =	vst v63  }
0x39: {  	_ =	swait.ge [sflag:s16], $0x2800  }
0x3a: {  	[sflag:s16] =	ssyncset.done $0x0  }
0x3b: {  	[sflag:s16] =	ssyncadd.s32 $0xFFFFD800  }
0x3c: {  	[spmem:s7] =	stream.linear.scatter [tilespmem:s15], [sflag:$0x2], $0x2800, $0x38;
	[tilespmem:$0x1E800] =	vst v63  }
0x3d: {  	_ =	swait.ge [sflag:s16], $0x2800  }
0x3e: {  	[sflag:s16] =	ssyncset.done $0x0  }
0x3f: {  	[sflag:s16] =	ssyncadd.s32 $0xFFFFD800  }
0x40: {  	[spmem:s8] =	stream.linear.scatter [tilespmem:s15], [sflag:$0x2], $0x2800, $0x38;
	[tilespmem:$0x1E800] =	vst v63  }
0x41: {  	_ =	swait.ge [sflag:s16], $0x2800  }
0x42: {  	[sflag:s16] =	ssyncset.done $0x0  }
0x43: {  	[sflag:s16] =	ssyncadd.s32 $0xFFFFD800  }
0x44: {  	[spmem:s9] =	stream.linear.scatter [tilespmem:s15], [sflag:$0x2], $0x2800, $0x38;
	[tilespmem:$0x1E800] =	vst v63  }
0x45: {  	_ =	swait.ge [sflag:s16], $0x2800  }
0x46: {  	[sflag:s16] =	ssyncset.done $0x0  }
0x47: {  	[sflag:s16] =	ssyncadd.s32 $0xFFFFD800  }
0x48: {  	[spmem:s10] =	stream.linear.scatter [tilespmem:s15], [sflag:$0x2], $0x2800, $0x38;
	[tilespmem:$0x1E800] =	vst v63  }
0x49: {  	_ =	swait.ge [sflag:s16], $0x2800  }
0x4a: {  	[sflag:s16] =	ssyncset.done $0x0  }
0x4b: {  	[sflag:s16] =	ssyncadd.s32 $0xFFFFD800  }
0x4c: {  	[spmem:s11] =	stream.linear.scatter [tilespmem:s15], [sflag:$0x2], $0x2800, $0x38;
	[tilespmem:$0x1E800] =	vst v63  }
0x4d: {  	_ =	swait.ge [sflag:s16], $0x2800  }
0x4e: {  	[sflag:s16] =	ssyncset.done $0x0  }
0x4f: {  	s22 =	simm.s32 $0x0;
	[sflag:s16] =	ssyncadd.s32 $0xFFFFD800  }
0x50: {  	[tilespmem:s22], [sflag:$0x2] =	stream.linear.gather [hbm4b:s12+s22], $0x2800, $0x38;
	[tilespmem:$0x1E800] =	vst v63  }
0x51: {  	_ =	swait.ge [sflag:s16], $0x2800  }
0x52: {  	[sflag:s16] =	ssyncset.done $0x0  }
0x53: {  	[sflag:s16] =	ssyncadd.s32 $0xFFFFD800  }
0x54: {  	s23 =	simm.s32 $0x0;
	[bflag:$0x0] =	sbarrier.arrive $0xFFFF  }
0x55: {  	[spmem:s2] =	stream.indirect.scatter.add.f32 [tilespmem:s18], [sflag:$0x1], $0x80, s23, s17, $0xb8;
	[tilespmem:$0x1E800] =	vst v63  }
0x56: {  	s24 =	simm.s32 $0x80  }
0x57: {  	[spmem:s2] =	stream.indirect.scatter.add.f32 [tilespmem:s18], [sflag:$0x1], $0x80, s24, s17, $0xb8;
	[tilespmem:$0x1E800] =	vst v63  }
0x58: {  	s25 =	simm.s32 $0x100  }
0x59: {  	[spmem:s2] =	stream.indirect.scatter.add.f32 [tilespmem:s18], [sflag:$0x1], $0x80, s25, s17, $0xb8;
	[tilespmem:$0x1E800] =	vst v63  }
0x5a: {  	s26 =	simm.s32 $0x180  }
0x5b: {  	[spmem:s2] =	stream.indirect.scatter.add.f32 [tilespmem:s18], [sflag:$0x1], $0x80, s26, s17, $0xb8;
	[tilespmem:$0x1E800] =	vst v63  }
0x5c: {  	s28 =	simm.s32 $0x200  }
0x5d: {  	[spmem:s2] =	stream.indirect.scatter.add.f32 [tilespmem:s18], [sflag:$0x1], $0x80, s28, s17, $0xb8;
	[tilespmem:$0x1E800] =	vst v63  }
0x5e: {  	s29 =	simm.s32 $0x280  }
0x5f: {  	[spmem:s2] =	stream.indirect.scatter.add.f32 [tilespmem:s18], [sflag:$0x1], $0x80, s29, s17, $0xb8;
	[tilespmem:$0x1E800] =	vst v63  }
0x60: {  	s30 =	simm.s32 $0x300  }
0x61: {  	[spmem:s2] =	stream.indirect.scatter.add.f32 [tilespmem:s18], [sflag:$0x1], $0x80, s30, s17, $0xb8;
	[tilespmem:$0x1E800] =	vst v63  }
0x62: {  	s31 =	simm.s32 $0x380  }
0x63: {  	[spmem:s2] =	stream.indirect.scatter.add.f32 [tilespmem:s18], [sflag:$0x1], $0x80, s31, s17, $0xb8;
	[tilespmem:$0x1E800] =	vst v63  }
0x64: {  	_ =	swait.ge [sflag:s19], $0x4000  }
0x65: {  	[sflag:s19] =	ssyncset.done $0x0  }
0x66: {  	[sflag:s19] =	ssyncadd.s32 $0xFFFFC000  }
0x67: {  	_ =	swait.ge [sflag:s19], $0x4000  }
0x68: {  	[sflag:s19] =	ssyncset.done $0x0  }
0x69: {  	[sflag:s19] =	ssyncadd.s32 $0xFFFFC000  }
0x6a: {  	_ =	swait.ge [sflag:s19], $0x4000  }
0x6b: {  	[sflag:s19] =	ssyncset.done $0x0  }
0x6c: {  	[sflag:s19] =	ssyncadd.s32 $0xFFFFC000  }
0x6d: {  	_ =	swait.ge [sflag:s19], $0x4000  }
0x6e: {  	[sflag:s19] =	ssyncset.done $0x0  }
0x6f: {  	[sflag:s19] =	ssyncadd.s32 $0xFFFFC000  }
0x70: {  	_ =	swait.ge [sflag:s19], $0x4000  }
0x71: {  	[sflag:s19] =	ssyncset.done $0x0  }
0x72: {  	[sflag:s19] =	ssyncadd.s32 $0xFFFFC000  }
0x73: {  	_ =	swait.ge [sflag:s19], $0x4000  }
0x74: {  	[sflag:s19] =	ssyncset.done $0x0  }
0x75: {  	[sflag:s19] =	ssyncadd.s32 $0xFFFFC000  }
0x76: {  	_ =	swait.ge [sflag:s19], $0x4000  }
0x77: {  	[sflag:s19] =	ssyncset.done $0x0  }
0x78: {  	[sflag:s19] =	ssyncadd.s32 $0xFFFFC000  }
0x79: {  	_ =	swait.ge [sflag:s19], $0x4000  }
0x7a: {  	s20 =	simm.s32 $0x1000;
	s22 =	simm.s32 $0x2000;
	[sflag:s19] =	ssyncset.done $0x0  }
.LBB2_6:
0x7b: {  	s23 =	sshra.s32 s20, $0x2  }
0x7c: {  	[sflag:s19] =	ssyncadd.s32 $0xFFFFC000;
	s20 =	smov.u32 s22;
	s21 =	sadd.s32 $0x1000, s22  }
0x7d: {  	[spmem:s2] =	stream.indirect.scatter.add.f32 [tilespmem:s18], [sflag:$0x1], $0x80, s23, s17, $0xb8;
	[tilespmem:$0x1E800] =	vst v63  }
0x7e: {  	p0 =	sne.s32 s22, $0x9000;
	s22 =	sadd.s32 $0x80, s23  }
0x7f: {  	[spmem:s2] =	stream.indirect.scatter.add.f32 [tilespmem:s18], [sflag:$0x1], $0x80, s22, s17, $0xb8;
	[tilespmem:$0x1E800] =	vst v63  }
0x80: {  	s22 =	sadd.s32 $0x100, s23  }
0x81: {  	[spmem:s2] =	stream.indirect.scatter.add.f32 [tilespmem:s18], [sflag:$0x1], $0x80, s22, s17, $0xb8;
	[tilespmem:$0x1E800] =	vst v63  }
0x82: {  	s22 =	sadd.s32 $0x180, s23  }
0x83: {  	[spmem:s2] =	stream.indirect.scatter.add.f32 [tilespmem:s18], [sflag:$0x1], $0x80, s22, s17, $0xb8;
	[tilespmem:$0x1E800] =	vst v63  }
0x84: {  	s22 =	sadd.s32 $0x200, s23  }
0x85: {  	[spmem:s2] =	stream.indirect.scatter.add.f32 [tilespmem:s18], [sflag:$0x1], $0x80, s22, s17, $0xb8;
	[tilespmem:$0x1E800] =	vst v63  }
0x86: {  	s22 =	sadd.s32 $0x280, s23  }
0x87: {  	[spmem:s2] =	stream.indirect.scatter.add.f32 [tilespmem:s18], [sflag:$0x1], $0x80, s22, s17, $0xb8;
	[tilespmem:$0x1E800] =	vst v63  }
0x88: {  	s22 =	sadd.s32 $0x300, s23  }
0x89: {  	[spmem:s2] =	stream.indirect.scatter.add.f32 [tilespmem:s18], [sflag:$0x1], $0x80, s22, s17, $0xb8;
	[tilespmem:$0x1E800] =	vst v63  }
0x8a: {  	s22 =	sadd.s32 $0x380, s23  }
0x8b: {  	[spmem:s2] =	stream.indirect.scatter.add.f32 [tilespmem:s18], [sflag:$0x1], $0x80, s22, s17, $0xb8;
	[tilespmem:$0x1E800] =	vst v63  }
0x8c: {  	_ =	swait.ge [sflag:s19], $0x4000  }
0x8d: {  	[sflag:s19] =	ssyncset.done $0x0  }
0x8e: {  	[sflag:s19] =	ssyncadd.s32 $0xFFFFC000  }
0x8f: {  	_ =	swait.ge [sflag:s19], $0x4000  }
0x90: {  	[sflag:s19] =	ssyncset.done $0x0  }
0x91: {  	[sflag:s19] =	ssyncadd.s32 $0xFFFFC000  }
0x92: {  	_ =	swait.ge [sflag:s19], $0x4000  }
0x93: {  	[sflag:s19] =	ssyncset.done $0x0  }
0x94: {  	[sflag:s19] =	ssyncadd.s32 $0xFFFFC000  }
0x95: {  	_ =	swait.ge [sflag:s19], $0x4000  }
0x96: {  	[sflag:s19] =	ssyncset.done $0x0  }
0x97: {  	[sflag:s19] =	ssyncadd.s32 $0xFFFFC000  }
0x98: {  	_ =	swait.ge [sflag:s19], $0x4000  }
0x99: {  	[sflag:s19] =	ssyncset.done $0x0  }
0x9a: {  	[sflag:s19] =	ssyncadd.s32 $0xFFFFC000  }
0x9b: {  	_ =	swait.ge [sflag:s19], $0x4000  }
0x9c: {  	[sflag:s19] =	ssyncset.done $0x0  }
0x9d: {  	[sflag:s19] =	ssyncadd.s32 $0xFFFFC000  }
.Ltmp2:
0x9e: {  	_ =	swait.ge [sflag:s19], $0x4000;
	(pc) =	sbr.rel @p0 .LBB2_6-.Ltmp2, $4  }
0x9f: {  	[sflag:s19] =	ssyncset.done $0x0  }
0xa0: {  	[sflag:s19] =	ssyncadd.s32 $0xFFFFC000  }
0xa1: {  	_ =	swait.ge [sflag:s19], $0x4000  }
0xa2: {  	s22 =	smov.u32 s21;
	[sflag:s19] =	ssyncset.done $0x0  }
0xa3: {  	s20 =	sshra.s32 s20, $0x2;
	[sflag:s19] =	ssyncadd.s32 $0xFFFFC000  }
0xa4: {  	[spmem:s2] =	stream.indirect.scatter.add.f32 [tilespmem:s18], [sflag:$0x1], $0x80, s20, s17, $0xb8;
	[tilespmem:$0x1E800] =	vst v63  }
0xa5: {  	s21 =	sadd.s32 $0x80, s20  }
0xa6: {  	[spmem:s2] =	stream.indirect.scatter.add.f32 [tilespmem:s18], [sflag:$0x1], $0x80, s21, s17, $0xb8;
	[tilespmem:$0x1E800] =	vst v63  }
0xa7: {  	s24 =	sadd.s32 $0x100, s20  }
0xa8: {  	[spmem:s2] =	stream.indirect.scatter.add.f32 [tilespmem:s18], [sflag:$0x1], $0x80, s24, s17, $0xb8;
	[tilespmem:$0x1E800] =	vst v63  }
0xa9: {  	s25 =	sadd.s32 $0x180, s20  }
0xaa: {  	[spmem:s2] =	stream.indirect.scatter.add.f32 [tilespmem:s18], [sflag:$0x1], $0x80, s25, s17, $0xb8;
	[tilespmem:$0x1E800] =	vst v63  }
0xab: {  	s26 =	sadd.s32 $0x200, s20  }
0xac: {  	[spmem:s2] =	stream.indirect.scatter.add.f32 [tilespmem:s18], [sflag:$0x1], $0x80, s26, s17, $0xb8;
	[tilespmem:$0x1E800] =	vst v63  }
0xad: {  	s28 =	sadd.s32 $0x280, s20  }
0xae: {  	[spmem:s2] =	stream.indirect.scatter.add.f32 [tilespmem:s18], [sflag:$0x1], $0x80, s28, s17, $0xb8;
	[tilespmem:$0x1E800] =	vst v63  }
0xaf: {  	s29 =	sadd.s32 $0x300, s20  }
0xb0: {  	[spmem:s2] =	stream.indirect.scatter.add.f32 [tilespmem:s18], [sflag:$0x1], $0x80, s29, s17, $0xb8;
	[tilespmem:$0x1E800] =	vst v63  }
0xb1: {  	s20 =	sadd.s32 $0x380, s20  }
0xb2: {  	[spmem:s2] =	stream.indirect.scatter.add.f32 [tilespmem:s18], [sflag:$0x1], $0x80, s20, s17, $0xb8;
	[tilespmem:$0x1E800] =	vst v63  }
0xb3: {  	_ =	swait.ge [sflag:s19], $0x4000  }
0xb4: {  	[sflag:s19] =	ssyncset.done $0x0  }
0xb5: {  	[sflag:s19] =	ssyncadd.s32 $0xFFFFC000  }
0xb6: {  	_ =	swait.ge [sflag:s19], $0x4000  }
0xb7: {  	[sflag:s19] =	ssyncset.done $0x0  }
0xb8: {  	[sflag:s19] =	ssyncadd.s32 $0xFFFFC000  }
0xb9: {  	_ =	swait.ge [sflag:s19], $0x4000  }
0xba: {  	[sflag:s19] =	ssyncset.done $0x0  }
0xbb: {  	[sflag:s19] =	ssyncadd.s32 $0xFFFFC000  }
0xbc: {  	_ =	swait.ge [sflag:s19], $0x4000  }
0xbd: {  	[sflag:s19] =	ssyncset.done $0x0  }
0xbe: {  	[sflag:s19] =	ssyncadd.s32 $0xFFFFC000  }
0xbf: {  	_ =	swait.ge [sflag:s19], $0x4000  }
0xc0: {  	[sflag:s19] =	ssyncset.done $0x0  }
0xc1: {  	[sflag:s19] =	ssyncadd.s32 $0xFFFFC000  }
0xc2: {  	_ =	swait.ge [sflag:s19], $0x4000  }
0xc3: {  	[sflag:s19] =	ssyncset.done $0x0  }
0xc4: {  	[sflag:s19] =	ssyncadd.s32 $0xFFFFC000  }
0xc5: {  	_ =	swait.ge [sflag:s19], $0x4000  }
0xc6: {  	[sflag:s19] =	ssyncset.done $0x0  }
0xc7: {  	[sflag:s19] =	ssyncadd.s32 $0xFFFFC000  }
0xc8: {  	_ =	swait.ge [sflag:s19], $0x4000  }
0xc9: {  	s30 =	sshll.u32 s0, $0x6;
	s3 =	sadd.s32 $0x1, s3;
	[sflag:s19] =	ssyncset.done $0x0  }
0xca: {  	s31 =	sshrl.u32 s4, $0x3;
	p0 =	sne.s32 s3, s14;
	[sflag:s19] =	ssyncadd.s32 $0xFFFFC000  }
.Ltmp3:
0xcb: {  	s20 =	sor.u32 $0x1C02, s30;
	[bflag:$0x0] =	sbarrier.arrive $0xFFFF;
	(pc) =	sbr.rel @p0 .LBB2_1-.Ltmp3, $4  }
0xcc: {  	[hbm:s13], [sflag:s20] =	dma.local [spmem:s31], $0x2800  }
0xcd: {  	_ =	swait.ge [sflag:s16], $0x2800  }
0xce: {  	[sflag:s16] =	ssyncset.done $0x0  }
0xcf: {  	[sflag:s16] =	ssyncadd.s32 $0xFFFFD800  }
0xd0: {  	_ =	sfence.sel $0x180000  }
0xd1: {  	[bflag:$0x0] =	sbarrier.arrive $0xFFFF  }
0xd2: {  	p0 =	sne.s32 s0, $0x0;
	_ =	strace $0x90000047  }
0xd3: {  	s0 =	sadd.s32 @!p0 $0x100000, s1;
	[bflag:$0x2] =	sbarrier.arrive $0xFFFF  }
0xd4: {  	[sflag:s0] =	ssyncadd.tile.s32 @!p0 $0x1;
	_ =	shalt  }
.Lfunc_end2:
_tile_overlayer_lowered:
.L_overlay_start_2:
0xd5: {  	(tag) =	ssettag $0x2  }
0xd6: {  	s0 =	rddreg [dreg:$0x0];
	s2 =	stileid.u32  }
0xd7: {  	s1 =	rddreg [dreg:$0x1];
	p0 =	sne.s32 s2, $0x0  }
0xd8: {  	s3 =	rddreg [dreg:$0x2];
	[bflag:$0x3] =	sbarrier.arrive $0xFFFF;
	s2 =	simm.s32 @!p0 $0x1C02  }
0xd9: {  	[timem:s3], [sflag:s2] =	dma.local @!p0 [hbm:s0], s1  }
0xda: {  	s0 =	simm.s32 @!p0 $0x2  }
0xdb: {  	_ =	swait.ge @!p0 [sflag:s0], s1  }
0xdc: {  	s1 =	ssub.s32 @!p0 $0x0, s1;
	[sflag:s0] =	ssyncset.done @!p0 $0x0  }
0xdd: {  	[sflag:s0] =	ssyncadd.s32 @!p0 s1  }
0xde: {  	[bflag:$0x3] =	sbarrier.arrive $0xFFFF  }
0xdf: {  	_ =	shalt  }

</sc_bundles>
